<compile_context>
chip_gen: v7x
topology: tpu7x:2x2x1
jax: 0.10.2.dev20260603
libtpu: 0.0.44.dev20260713+nightly
codegen_flags: <defaults>
</compile_context>

<pallas_src>
import functools

import jax
import jax.numpy as jnp
from jax import lax
from jax.experimental import pallas as pl
from jax.experimental.pallas import tpu as pltpu
from jax.experimental.pallas import tpu_sc as plsc

B = 4096
L = 200
D = 16
NW = 32
BPW = B // NW
LPAD = 208
NGROUP = LPAD // 16
LW = 256
C1 = L - 128


def _tree_add(vs):
    vs = list(vs)
    while len(vs) > 1:
        nxt = [vs[i] + vs[i + 1] for i in range(0, len(vs) - 1, 2)]
        if len(vs) % 2:
            nxt.append(vs[-1])
        vs = nxt
    return vs[0]


def _pool_body(x_hbm, table_hbm, out_hbm, idx_v, rows_a, rows_b, rows_c,
               rows_d, rows_e, rows_f, rows_g, rows_h, pooled_v,
               sem0, sem1, sem2, sem3, sem4, sem5, sem6, sem7):
    wid = lax.axis_index("s") * 2 + lax.axis_index("c")
    base = wid * BPW

    zeros16 = jnp.zeros((16,), jnp.float32)
    rows_bufs = (rows_a, rows_b, rows_c, rows_d, rows_e, rows_f, rows_g,
                 rows_h)
    for buf in rows_bufs:
        for r in range(L, LPAD):
            buf[r, :] = zeros16

    pltpu.sync_copy(x_hbm.at[pl.ds(base * LW, BPW * LW)], idx_v)

    sems = (sem0, sem1, sem2, sem3, sem4, sem5, sem6, sem7)

    def _issue(b, slot):
        off = b * LW
        pltpu.async_copy(
            table_hbm.at[idx_v.at[pl.ds(off, 128)]],
            rows_bufs[slot].at[pl.ds(0, 128), :], sems[slot])
        pltpu.async_copy(
            table_hbm.at[idx_v.at[pl.ds(off + 128, C1)]],
            rows_bufs[slot].at[pl.ds(128, C1), :], sems[slot])

    def _wait(b, slot):
        off = b * LW
        pltpu.make_async_copy(
            table_hbm.at[idx_v.at[pl.ds(off, 128)]],
            rows_bufs[slot].at[pl.ds(0, 128), :], sems[slot]).wait()
        pltpu.make_async_copy(
            table_hbm.at[idx_v.at[pl.ds(off + 128, C1)]],
            rows_bufs[slot].at[pl.ds(128, C1), :], sems[slot]).wait()

    lane = lax.iota(jnp.int32, 16)
    perms = [((lane + k) & 15)[:, None] for k in (8, 4, 2, 1)]
    dnums = lax.GatherDimensionNumbers(
        offset_dims=(), collapsed_slice_dims=(0,), start_index_map=(0,))

    def _shuf(v, p):
        return lax.gather(v, p, dnums, slice_sizes=(1,),
                          mode=lax.GatherScatterMode.PROMISE_IN_BOUNDS)

    def _pool_one(b, slot):
        ibase = b * LW

        def group(g, carry):
            acc, cntv = carry
            r0 = g * 16
            for t in range(0, 16, 2):
                acc = acc + (rows_bufs[slot][r0 + t, :] +
                             rows_bufs[slot][r0 + t + 1, :])
            iv = idx_v[pl.ds(ibase + r0, 16)]
            cntv = cntv + jnp.where(iv != 0, jnp.float32(1.0),
                                    jnp.float32(0.0))
            return acc, cntv

        z = jnp.zeros((16,), jnp.float32)
        acc, cntv = lax.fori_loop(0, NGROUP, group, (z, z))
        for p in perms:
            cntv = cntv + _shuf(cntv, p)
        pooled_v[b, :] = acc / jnp.maximum(cntv, 1.0)

    for s in range(7):
        _issue(s, s)

    def step(i, _):
        b = i * 8
        for s in range(8):
            @pl.when(b + s + 7 < BPW)
            def _():
                _issue(b + s + 7, (s + 7) % 8)

            _wait(b + s, s)
            _pool_one(b + s, s)
        return 0

    lax.fori_loop(0, BPW // 8, step, 0)

    pltpu.sync_copy(pooled_v, out_hbm.at[pl.ds(base, BPW), :])


@functools.partial(jax.jit, static_argnames=())
def _sc_pool(x_flat, table):
    mesh = plsc.VectorSubcoreMesh(core_axis_name="c", subcore_axis_name="s")
    return pl.kernel(
        _pool_body,
        mesh=mesh,
        compiler_params=pltpu.CompilerParams(use_tc_tiling_on_sc=False),
        out_type=jax.ShapeDtypeStruct((B, D), jnp.float32),
        scratch_types=[
            pltpu.VMEM((BPW * LW,), jnp.int32),
            pltpu.VMEM((LPAD, D), jnp.float32),
            pltpu.VMEM((LPAD, D), jnp.float32),
            pltpu.VMEM((LPAD, D), jnp.float32),
            pltpu.VMEM((LPAD, D), jnp.float32),
            pltpu.VMEM((LPAD, D), jnp.float32),
            pltpu.VMEM((LPAD, D), jnp.float32),
            pltpu.VMEM((LPAD, D), jnp.float32),
            pltpu.VMEM((LPAD, D), jnp.float32),
            pltpu.VMEM((BPW, D), jnp.float32),
            pltpu.SemaphoreType.DMA,
            pltpu.SemaphoreType.DMA,
            pltpu.SemaphoreType.DMA,
            pltpu.SemaphoreType.DMA,
            pltpu.SemaphoreType.DMA,
            pltpu.SemaphoreType.DMA,
            pltpu.SemaphoreType.DMA,
            pltpu.SemaphoreType.DMA,
        ],
    )(x_flat, table)


def _repack_body(x_ref, o_ref):
    v = x_ref[...]
    vp = jnp.concatenate(
        [v, jnp.zeros((v.shape[0], LW - L), jnp.int32)], axis=1)
    o_ref[...] = vp.reshape(v.shape[0] * LW)


def _repack(x):
    blk = 512
    return pl.pallas_call(
        _repack_body,
        grid=(B // blk,),
        in_specs=[pl.BlockSpec((blk, L), lambda i: (i, 0))],
        out_specs=pl.BlockSpec((blk * LW,), lambda i: (i,)),
        out_shape=jax.ShapeDtypeStruct((B * LW,), jnp.int32),
    )(x)


def _mlp_body(p_ref, w1_ref, b1_ref, w2_ref, b2_ref, o_ref):
    h = jnp.dot(p_ref[...], w1_ref[...],
                preferred_element_type=jnp.float32) + b1_ref[...]
    h = jnp.maximum(h, 0.0)
    o_ref[...] = jnp.dot(h, w2_ref[...],
                         preferred_element_type=jnp.float32) + b2_ref[...]


def _mlp(pooled, W1, b1, W2, b2):
    return pl.pallas_call(
        _mlp_body,
        out_shape=jax.ShapeDtypeStruct((B, W2.shape[1]), jnp.float32),
    )(pooled, W1, b1.reshape(1, -1), W2, b2.reshape(1, -1))


def kernel(x, table, W1, b1, W2, b2):
    pooled = _sc_pool(_repack(x.astype(jnp.int32)), table)
    return _mlp(pooled, W1, b1, W2, b2)

# --- scband reference (transcript-rebuilt; emitter-appended) ---
"""Pipeline reference for scband-bo-wclassifier-26998164422779 (READ-ONLY COPY).

The authoritative reference and input builder live on the scoring server;
editing this copy changes nothing except your own understanding.
"""

import jax, jax.numpy as jnp
import numpy as np

VOCAB = 1000000
EMBED = 16
HIDDEN = 64
NUM_CLASSES = 2
B = 4096
L = 200


def setup_inputs(seed: int = 0) -> dict:
    key = jax.random.key(seed)
    k1, k2, k3, k4, k5, k6 = jax.random.split(key, 6)
    x = jax.random.randint(k1, (B, L), 0, VOCAB)
    table = jax.random.normal(k2, (VOCAB, EMBED), dtype=jnp.float32) * 0.1
    table = table.at[0].set(0.0)  # padding_idx=0
    W1 = jax.random.normal(k3, (EMBED, HIDDEN), dtype=jnp.float32) * (1.0 / np.sqrt(EMBED))
    b1 = jax.random.normal(k4, (HIDDEN,), dtype=jnp.float32) * 0.01
    W2 = jax.random.normal(k5, (HIDDEN, NUM_CLASSES), dtype=jnp.float32) * (1.0 / np.sqrt(HIDDEN))
    b2 = jax.random.normal(k6, (NUM_CLASSES,), dtype=jnp.float32) * 0.01
    return {"x": x, "table": table, "W1": W1, "b1": b1, "W2": W2, "b2": b2}


def reference(x, table, W1, b1, W2, b2):
    # embedding lookup (SparseCore gather)
    emb = jnp.take(table, x, axis=0)                      # [B, L, D]
    # mask tokens whose embedding sums to zero (padding rows)
    mask = (jnp.sum(emb, axis=-1) != 0).astype(jnp.float32)[..., None]  # [B, L, 1]
    denom = jnp.maximum(jnp.sum(mask, axis=1), 1.0)       # [B, 1]
    pooled = jnp.sum(emb * mask, axis=1) / denom          # [B, D]
    # classifier (Dropout is identity in eval mode)
    h = jax.nn.relu(pooled @ W1 + b1)
    out = h @ W2 + b2
    return out

if __name__ == "__main__":
    import jax
    _d = setup_inputs()
    print(jax.jit(kernel)(*tuple(_d.values())))

</pallas_src>

<mosaic_0001>
#map = affine_map<(d0, d1) -> (0)>
#map1 = affine_map<(d0, d1) -> (0, 0)>
module attributes {stable_mosaic.version = 14 : i64} {
  func.func @_pool_body(%arg0: i32, %arg1: i32, %arg2: memref<1048576xi32, #tpu.memory_space<hbm>>, %arg3: memref<1000000x16xf32, #tpu.memory_space<hbm>>, %arg4: memref<4096x16xf32, #tpu.memory_space<hbm>>, %arg5: memref<32768xi32, #tpu.memory_space<vmem>>, %arg6: memref<208x16xf32, #tpu.memory_space<vmem>>, %arg7: memref<208x16xf32, #tpu.memory_space<vmem>>, %arg8: memref<208x16xf32, #tpu.memory_space<vmem>>, %arg9: memref<208x16xf32, #tpu.memory_space<vmem>>, %arg10: memref<208x16xf32, #tpu.memory_space<vmem>>, %arg11: memref<208x16xf32, #tpu.memory_space<vmem>>, %arg12: memref<208x16xf32, #tpu.memory_space<vmem>>, %arg13: memref<208x16xf32, #tpu.memory_space<vmem>>, %arg14: memref<128x16xf32, #tpu.memory_space<vmem>>, %arg15: memref<!tpu.dma_semaphore, #tpu.memory_space<semaphore_mem>>, %arg16: memref<!tpu.dma_semaphore, #tpu.memory_space<semaphore_mem>>, %arg17: memref<!tpu.dma_semaphore, #tpu.memory_space<semaphore_mem>>, %arg18: memref<!tpu.dma_semaphore, #tpu.memory_space<semaphore_mem>>, %arg19: memref<!tpu.dma_semaphore, #tpu.memory_space<semaphore_mem>>, %arg20: memref<!tpu.dma_semaphore, #tpu.memory_space<semaphore_mem>>, %arg21: memref<!tpu.dma_semaphore, #tpu.memory_space<semaphore_mem>>, %arg22: memref<!tpu.dma_semaphore, #tpu.memory_space<semaphore_mem>>) attributes {dimension_semantics = [#tpu.dimension_semantics<core_parallel>, #tpu.dimension_semantics<subcore_parallel>], iteration_bounds = array<i64: 2, 16>, scalar_prefetch = 0 : i64, scratch_operands = 18 : i64, tpu.core_type = #tpu.core_type<sc_vector_subcore>, window_params = [{transform_indices = #map}, {transform_indices = #map1}, {transform_indices = #map1}]} {
    %mul3A = arith.constant 2 : i32
    %mul3A_0 = arith.muli %arg1, %mul3A : i32
    %add3A = arith.addi %mul3A_0, %arg0 : i32
    %mul3A_1 = arith.constant 128 : i32
    %mul3A_2 = arith.muli %add3A, %mul3A_1 : i32
    %broadcast_in_dim3A = arith.constant 0.000000e+00 : f32
    %broadcast_in_dim3A_3 = vector.broadcast %broadcast_in_dim3A : f32 to vector<16xf32>
    %swap3A = arith.constant 200 : i32
    %swap3A_4 = arith.index_cast %swap3A : i32 to index
    %swap3A_5 = arith.constant 0 : index
    %swap3A_6 = tpu.vector_load %arg6[%swap3A_4, %swap3A_5] {strides = array<i32>} : memref<208x16xf32, #tpu.memory_space<vmem>>, vector<1x16xf32>,
    %swap3A_7 = vector.shape_cast %swap3A_6 : vector<1x16xf32> to vector<16xf32>
    %swap3A_8 = vector.shape_cast %broadcast_in_dim3A_3 : vector<16xf32> to vector<1x16xf32>
    tpu.vector_store %arg6[%swap3A_4, %swap3A_5], %swap3A_8 {strides = array<i32>} : memref<208x16xf32, #tpu.memory_space<vmem>>, vector<1x16xf32>,
    %swap3A_9 = arith.constant 201 : i32
    %swap3A_10 = arith.index_cast %swap3A_9 : i32 to index
    %swap3A_11 = arith.constant 0 : index
    %swap3A_12 = tpu.vector_load %arg6[%swap3A_10, %swap3A_11] {strides = array<i32>} : memref<208x16xf32, #tpu.memory_space<vmem>>, vector<1x16xf32>,
    %swap3A_13 = vector.shape_cast %swap3A_12 : vector<1x16xf32> to vector<16xf32>
    %swap3A_14 = vector.shape_cast %broadcast_in_dim3A_3 : vector<16xf32> to vector<1x16xf32>
    tpu.vector_store %arg6[%swap3A_10, %swap3A_11], %swap3A_14 {strides = array<i32>} : memref<208x16xf32, #tpu.memory_space<vmem>>, vector<1x16xf32>,
    %swap3A_15 = arith.constant 202 : i32
    %swap3A_16 = arith.index_cast %swap3A_15 : i32 to index
    %swap3A_17 = arith.constant 0 : index
    %swap3A_18 = tpu.vector_load %arg6[%swap3A_16, %swap3A_17] {strides = array<i32>} : memref<208x16xf32, #tpu.memory_space<vmem>>, vector<1x16xf32>,
    %swap3A_19 = vector.shape_cast %swap3A_18 : vector<1x16xf32> to vector<16xf32>
    %swap3A_20 = vector.shape_cast %broadcast_in_dim3A_3 : vector<16xf32> to vector<1x16xf32>
    tpu.vector_store %arg6[%swap3A_16, %swap3A_17], %swap3A_20 {strides = array<i32>} : memref<208x16xf32, #tpu.memory_space<vmem>>, vector<1x16xf32>,
    %swap3A_21 = arith.constant 203 : i32
    %swap3A_22 = arith.index_cast %swap3A_21 : i32 to index
    %swap3A_23 = arith.constant 0 : index
    %swap3A_24 = tpu.vector_load %arg6[%swap3A_22, %swap3A_23] {strides = array<i32>} : memref<208x16xf32, #tpu.memory_space<vmem>>, vector<1x16xf32>,
    %swap3A_25 = vector.shape_cast %swap3A_24 : vector<1x16xf32> to vector<16xf32>
    %swap3A_26 = vector.shape_cast %broadcast_in_dim3A_3 : vector<16xf32> to vector<1x16xf32>
    tpu.vector_store %arg6[%swap3A_22, %swap3A_23], %swap3A_26 {strides = array<i32>} : memref<208x16xf32, #tpu.memory_space<vmem>>, vector<1x16xf32>,
    %swap3A_27 = arith.constant 204 : i32
    %swap3A_28 = arith.index_cast %swap3A_27 : i32 to index
    %swap3A_29 = arith.constant 0 : index
    %swap3A_30 = tpu.vector_load %arg6[%swap3A_28, %swap3A_29] {strides = array<i32>} : memref<208x16xf32, #tpu.memory_space<vmem>>, vector<1x16xf32>,
    %swap3A_31 = vector.shape_cast %swap3A_30 : vector<1x16xf32> to vector<16xf32>
    %swap3A_32 = vector.shape_cast %broadcast_in_dim3A_3 : vector<16xf32> to vector<1x16xf32>
    tpu.vector_store %arg6[%swap3A_28, %swap3A_29], %swap3A_32 {strides = array<i32>} : memref<208x16xf32, #tpu.memory_space<vmem>>, vector<1x16xf32>,
    %swap3A_33 = arith.constant 205 : i32
    %swap3A_34 = arith.index_cast %swap3A_33 : i32 to index
    %swap3A_35 = arith.constant 0 : index
    %swap3A_36 = tpu.vector_load %arg6[%swap3A_34, %swap3A_35] {strides = array<i32>} : memref<208x16xf32, #tpu.memory_space<vmem>>, vector<1x16xf32>,
    %swap3A_37 = vector.shape_cast %swap3A_36 : vector<1x16xf32> to vector<16xf32>
    %swap3A_38 = vector.shape_cast %broadcast_in_dim3A_3 : vector<16xf32> to vector<1x16xf32>
    tpu.vector_store %arg6[%swap3A_34, %swap3A_35], %swap3A_38 {strides = array<i32>} : memref<208x16xf32, #tpu.memory_space<vmem>>, vector<1x16xf32>,
    %swap3A_39 = arith.constant 206 : i32
    %swap3A_40 = arith.index_cast %swap3A_39 : i32 to index
    %swap3A_41 = arith.constant 0 : index
    %swap3A_42 = tpu.vector_load %arg6[%swap3A_40, %swap3A_41] {strides = array<i32>} : memref<208x16xf32, #tpu.memory_space<vmem>>, vector<1x16xf32>,
    %swap3A_43 = vector.shape_cast %swap3A_42 : vector<1x16xf32> to vector<16xf32>
    %swap3A_44 = vector.shape_cast %broadcast_in_dim3A_3 : vector<16xf32> to vector<1x16xf32>
    tpu.vector_store %arg6[%swap3A_40, %swap3A_41], %swap3A_44 {strides = array<i32>} : memref<208x16xf32, #tpu.memory_space<vmem>>, vector<1x16xf32>,
    %swap3A_45 = arith.constant 207 : i32
    %swap3A_46 = arith.index_cast %swap3A_45 : i32 to index
    %swap3A_47 = arith.constant 0 : index
    %swap3A_48 = tpu.vector_load %arg6[%swap3A_46, %swap3A_47] {strides = array<i32>} : memref<208x16xf32, #tpu.memory_space<vmem>>, vector<1x16xf32>,
    %swap3A_49 = vector.shape_cast %swap3A_48 : vector<1x16xf32> to vector<16xf32>
    %swap3A_50 = vector.shape_cast %broadcast_in_dim3A_3 : vector<16xf32> to vector<1x16xf32>
    tpu.vector_store %arg6[%swap3A_46, %swap3A_47], %swap3A_50 {strides = array<i32>} : memref<208x16xf32, #tpu.memory_space<vmem>>, vector<1x16xf32>,
    %swap3A_51 = arith.constant 200 : i32
    %swap3A_52 = arith.index_cast %swap3A_51 : i32 to index
    %swap3A_53 = arith.constant 0 : index
    %swap3A_54 = tpu.vector_load %arg7[%swap3A_52, %swap3A_53] {strides = array<i32>} : memref<208x16xf32, #tpu.memory_space<vmem>>, vector<1x16xf32>,
    %swap3A_55 = vector.shape_cast %swap3A_54 : vector<1x16xf32> to vector<16xf32>
    %swap3A_56 = vector.shape_cast %broadcast_in_dim3A_3 : vector<16xf32> to vector<1x16xf32>
    tpu.vector_store %arg7[%swap3A_52, %swap3A_53], %swap3A_56 {strides = array<i32>} : memref<208x16xf32, #tpu.memory_space<vmem>>, vector<1x16xf32>,
    %swap3A_57 = arith.constant 201 : i32
    %swap3A_58 = arith.index_cast %swap3A_57 : i32 to index
    %swap3A_59 = arith.constant 0 : index
    %swap3A_60 = tpu.vector_load %arg7[%swap3A_58, %swap3A_59] {strides = array<i32>} : memref<208x16xf32, #tpu.memory_space<vmem>>, vector<1x16xf32>,
    %swap3A_61 = vector.shape_cast %swap3A_60 : vector<1x16xf32> to vector<16xf32>
    %swap3A_62 = vector.shape_cast %broadcast_in_dim3A_3 : vector<16xf32> to vector<1x16xf32>
    tpu.vector_store %arg7[%swap3A_58, %swap3A_59], %swap3A_62 {strides = array<i32>} : memref<208x16xf32, #tpu.memory_space<vmem>>, vector<1x16xf32>,
    %swap3A_63 = arith.constant 202 : i32
    %swap3A_64 = arith.index_cast %swap3A_63 : i32 to index
    %swap3A_65 = arith.constant 0 : index
    %swap3A_66 = tpu.vector_load %arg7[%swap3A_64, %swap3A_65] {strides = array<i32>} : memref<208x16xf32, #tpu.memory_space<vmem>>, vector<1x16xf32>,
    %swap3A_67 = vector.shape_cast %swap3A_66 : vector<1x16xf32> to vector<16xf32>
    %swap3A_68 = vector.shape_cast %broadcast_in_dim3A_3 : vector<16xf32> to vector<1x16xf32>
    tpu.vector_store %arg7[%swap3A_64, %swap3A_65], %swap3A_68 {strides = array<i32>} : memref<208x16xf32, #tpu.memory_space<vmem>>, vector<1x16xf32>,
    %swap3A_69 = arith.constant 203 : i32
    %swap3A_70 = arith.index_cast %swap3A_69 : i32 to index
    %swap3A_71 = arith.constant 0 : index
    %swap3A_72 = tpu.vector_load %arg7[%swap3A_70, %swap3A_71] {strides = array<i32>} : memref<208x16xf32, #tpu.memory_space<vmem>>, vector<1x16xf32>,
    %swap3A_73 = vector.shape_cast %swap3A_72 : vector<1x16xf32> to vector<16xf32>
    %swap3A_74 = vector.shape_cast %broadcast_in_dim3A_3 : vector<16xf32> to vector<1x16xf32>
    tpu.vector_store %arg7[%swap3A_70, %swap3A_71], %swap3A_74 {strides = array<i32>} : memref<208x16xf32, #tpu.memory_space<vmem>>, vector<1x16xf32>,
    %swap3A_75 = arith.constant 204 : i32
    %swap3A_76 = arith.index_cast %swap3A_75 : i32 to index
    %swap3A_77 = arith.constant 0 : index
    %swap3A_78 = tpu.vector_load %arg7[%swap3A_76, %swap3A_77] {strides = array<i32>} : memref<208x16xf32, #tpu.memory_space<vmem>>, vector<1x16xf32>,
    %swap3A_79 = vector.shape_cast %swap3A_78 : vector<1x16xf32> to vector<16xf32>
    %swap3A_80 = vector.shape_cast %broadcast_in_dim3A_3 : vector<16xf32> to vector<1x16xf32>
    tpu.vector_store %arg7[%swap3A_76, %swap3A_77], %swap3A_80 {strides = array<i32>} : memref<208x16xf32, #tpu.memory_space<vmem>>, vector<1x16xf32>,
    %swap3A_81 = arith.constant 205 : i32
    %swap3A_82 = arith.index_cast %swap3A_81 : i32 to index
    %swap3A_83 = arith.constant 0 : index
    %swap3A_84 = tpu.vector_load %arg7[%swap3A_82, %swap3A_83] {strides = array<i32>} : memref<208x16xf32, #tpu.memory_space<vmem>>, vector<1x16xf32>,
    %swap3A_85 = vector.shape_cast %swap3A_84 : vector<1x16xf32> to vector<16xf32>
    %swap3A_86 = vector.shape_cast %broadcast_in_dim3A_3 : vector<16xf32> to vector<1x16xf32>
    tpu.vector_store %arg7[%swap3A_82, %swap3A_83], %swap3A_86 {strides = array<i32>} : memref<208x16xf32, #tpu.memory_space<vmem>>, vector<1x16xf32>,
    %swap3A_87 = arith.constant 206 : i32
    %swap3A_88 = arith.index_cast %swap3A_87 : i32 to index
    %swap3A_89 = arith.constant 0 : index
    %swap3A_90 = tpu.vector_load %arg7[%swap3A_88, %swap3A_89] {strides = array<i32>} : memref<208x16xf32, #tpu.memory_space<vmem>>, vector<1x16xf32>,
    %swap3A_91 = vector.shape_cast %swap3A_90 : vector<1x16xf32> to vector<16xf32>
    %swap3A_92 = vector.shape_cast %broadcast_in_dim3A_3 : vector<16xf32> to vector<1x16xf32>
    tpu.vector_store %arg7[%swap3A_88, %swap3A_89], %swap3A_92 {strides = array<i32>} : memref<208x16xf32, #tpu.memory_space<vmem>>, vector<1x16xf32>,
    %swap3A_93 = arith.constant 207 : i32
    %swap3A_94 = arith.index_cast %swap3A_93 : i32 to index
    %swap3A_95 = arith.constant 0 : index
    %swap3A_96 = tpu.vector_load %arg7[%swap3A_94, %swap3A_95] {strides = array<i32>} : memref<208x16xf32, #tpu.memory_space<vmem>>, vector<1x16xf32>,
    %swap3A_97 = vector.shape_cast %swap3A_96 : vector<1x16xf32> to vector<16xf32>
    %swap3A_98 = vector.shape_cast %broadcast_in_dim3A_3 : vector<16xf32> to vector<1x16xf32>
    tpu.vector_store %arg7[%swap3A_94, %swap3A_95], %swap3A_98 {strides = array<i32>} : memref<208x16xf32, #tpu.memory_space<vmem>>, vector<1x16xf32>,
    %swap3A_99 = arith.constant 200 : i32
    %swap3A_100 = arith.index_cast %swap3A_99 : i32 to index
    %swap3A_101 = arith.constant 0 : index
    %swap3A_102 = tpu.vector_load %arg8[%swap3A_100, %swap3A_101] {strides = array<i32>} : memref<208x16xf32, #tpu.memory_space<vmem>>, vector<1x16xf32>,
    %swap3A_103 = vector.shape_cast %swap3A_102 : vector<1x16xf32> to vector<16xf32>
    %swap3A_104 = vector.shape_cast %broadcast_in_dim3A_3 : vector<16xf32> to vector<1x16xf32>
    tpu.vector_store %arg8[%swap3A_100, %swap3A_101], %swap3A_104 {strides = array<i32>} : memref<208x16xf32, #tpu.memory_space<vmem>>, vector<1x16xf32>,
    %swap3A_105 = arith.constant 201 : i32
    %swap3A_106 = arith.index_cast %swap3A_105 : i32 to index
    %swap3A_107 = arith.constant 0 : index
    %swap3A_108 = tpu.vector_load %arg8[%swap3A_106, %swap3A_107] {strides = array<i32>} : memref<208x16xf32, #tpu.memory_space<vmem>>, vector<1x16xf32>,
    %swap3A_109 = vector.shape_cast %swap3A_108 : vector<1x16xf32> to vector<16xf32>
    %swap3A_110 = vector.shape_cast %broadcast_in_dim3A_3 : vector<16xf32> to vector<1x16xf32>
    tpu.vector_store %arg8[%swap3A_106, %swap3A_107], %swap3A_110 {strides = array<i32>} : memref<208x16xf32, #tpu.memory_space<vmem>>, vector<1x16xf32>,
    %swap3A_111 = arith.constant 202 : i32
    %swap3A_112 = arith.index_cast %swap3A_111 : i32 to index
    %swap3A_113 = arith.constant 0 : index
    %swap3A_114 = tpu.vector_load %arg8[%swap3A_112, %swap3A_113] {strides = array<i32>} : memref<208x16xf32, #tpu.memory_space<vmem>>, vector<1x16xf32>,
    %swap3A_115 = vector.shape_cast %swap3A_114 : vector<1x16xf32> to vector<16xf32>
    %swap3A_116 = vector.shape_cast %broadcast_in_dim3A_3 : vector<16xf32> to vector<1x16xf32>
    tpu.vector_store %arg8[%swap3A_112, %swap3A_113], %swap3A_116 {strides = array<i32>} : memref<208x16xf32, #tpu.memory_space<vmem>>, vector<1x16xf32>,
    %swap3A_117 = arith.constant 203 : i32
    %swap3A_118 = arith.index_cast %swap3A_117 : i32 to index
    %swap3A_119 = arith.constant 0 : index
    %swap3A_120 = tpu.vector_load %arg8[%swap3A_118, %swap3A_119] {strides = array<i32>} : memref<208x16xf32, #tpu.memory_space<vmem>>, vector<1x16xf32>,
    %swap3A_121 = vector.shape_cast %swap3A_120 : vector<1x16xf32> to vector<16xf32>
    %swap3A_122 = vector.shape_cast %broadcast_in_dim3A_3 : vector<16xf32> to vector<1x16xf32>
    tpu.vector_store %arg8[%swap3A_118, %swap3A_119], %swap3A_122 {strides = array<i32>} : memref<208x16xf32, #tpu.memory_space<vmem>>, vector<1x16xf32>,
    %swap3A_123 = arith.constant 204 : i32
    %swap3A_124 = arith.index_cast %swap3A_123 : i32 to index
    %swap3A_125 = arith.constant 0 : index
    %swap3A_126 = tpu.vector_load %arg8[%swap3A_124, %swap3A_125] {strides = array<i32>} : memref<208x16xf32, #tpu.memory_space<vmem>>, vector<1x16xf32>,
    %swap3A_127 = vector.shape_cast %swap3A_126 : vector<1x16xf32> to vector<16xf32>
    %swap3A_128 = vector.shape_cast %broadcast_in_dim3A_3 : vector<16xf32> to vector<1x16xf32>
    tpu.vector_store %arg8[%swap3A_124, %swap3A_125], %swap3A_128 {strides = array<i32>} : memref<208x16xf32, #tpu.memory_space<vmem>>, vector<1x16xf32>,
    %swap3A_129 = arith.constant 205 : i32
    %swap3A_130 = arith.index_cast %swap3A_129 : i32 to index
    %swap3A_131 = arith.constant 0 : index
    %swap3A_132 = tpu.vector_load %arg8[%swap3A_130, %swap3A_131] {strides = array<i32>} : memref<208x16xf32, #tpu.memory_space<vmem>>, vector<1x16xf32>,
    %swap3A_133 = vector.shape_cast %swap3A_132 : vector<1x16xf32> to vector<16xf32>
    %swap3A_134 = vector.shape_cast %broadcast_in_dim3A_3 : vector<16xf32> to vector<1x16xf32>
    tpu.vector_store %arg8[%swap3A_130, %swap3A_131], %swap3A_134 {strides = array<i32>} : memref<208x16xf32, #tpu.memory_space<vmem>>, vector<1x16xf32>,
    %swap3A_135 = arith.constant 206 : i32
    %swap3A_136 = arith.index_cast %swap3A_135 : i32 to index
    %swap3A_137 = arith.constant 0 : index
    %swap3A_138 = tpu.vector_load %arg8[%swap3A_136, %swap3A_137] {strides = array<i32>} : memref<208x16xf32, #tpu.memory_space<vmem>>, vector<1x16xf32>,
    %swap3A_139 = vector.shape_cast %swap3A_138 : vector<1x16xf32> to vector<16xf32>
    %swap3A_140 = vector.shape_cast %broadcast_in_dim3A_3 : vector<16xf32> to vector<1x16xf32>
    tpu.vector_store %arg8[%swap3A_136, %swap3A_137], %swap3A_140 {strides = array<i32>} : memref<208x16xf32, #tpu.memory_space<vmem>>, vector<1x16xf32>,
    %swap3A_141 = arith.constant 207 : i32
    %swap3A_142 = arith.index_cast %swap3A_141 : i32 to index
    %swap3A_143 = arith.constant 0 : index
    %swap3A_144 = tpu.vector_load %arg8[%swap3A_142, %swap3A_143] {strides = array<i32>} : memref<208x16xf32, #tpu.memory_space<vmem>>, vector<1x16xf32>,
    %swap3A_145 = vector.shape_cast %swap3A_144 : vector<1x16xf32> to vector<16xf32>
    %swap3A_146 = vector.shape_cast %broadcast_in_dim3A_3 : vector<16xf32> to vector<1x16xf32>
    tpu.vector_store %arg8[%swap3A_142, %swap3A_143], %swap3A_146 {strides = array<i32>} : memref<208x16xf32, #tpu.memory_space<vmem>>, vector<1x16xf32>,
    %swap3A_147 = arith.constant 200 : i32
    %swap3A_148 = arith.index_cast %swap3A_147 : i32 to index
    %swap3A_149 = arith.constant 0 : index
    %swap3A_150 = tpu.vector_load %arg9[%swap3A_148, %swap3A_149] {strides = array<i32>} : memref<208x16xf32, #tpu.memory_space<vmem>>, vector<1x16xf32>,
    %swap3A_151 = vector.shape_cast %swap3A_150 : vector<1x16xf32> to vector<16xf32>
    %swap3A_152 = vector.shape_cast %broadcast_in_dim3A_3 : vector<16xf32> to vector<1x16xf32>
    tpu.vector_store %arg9[%swap3A_148, %swap3A_149], %swap3A_152 {strides = array<i32>} : memref<208x16xf32, #tpu.memory_space<vmem>>, vector<1x16xf32>,
    %swap3A_153 = arith.constant 201 : i32
    %swap3A_154 = arith.index_cast %swap3A_153 : i32 to index
    %swap3A_155 = arith.constant 0 : index
    %swap3A_156 = tpu.vector_load %arg9[%swap3A_154, %swap3A_155] {strides = array<i32>} : memref<208x16xf32, #tpu.memory_space<vmem>>, vector<1x16xf32>,
    %swap3A_157 = vector.shape_cast %swap3A_156 : vector<1x16xf32> to vector<16xf32>
    %swap3A_158 = vector.shape_cast %broadcast_in_dim3A_3 : vector<16xf32> to vector<1x16xf32>
    tpu.vector_store %arg9[%swap3A_154, %swap3A_155], %swap3A_158 {strides = array<i32>} : memref<208x16xf32, #tpu.memory_space<vmem>>, vector<1x16xf32>,
    %swap3A_159 = arith.constant 202 : i32
    %swap3A_160 = arith.index_cast %swap3A_159 : i32 to index
    %swap3A_161 = arith.constant 0 : index
    %swap3A_162 = tpu.vector_load %arg9[%swap3A_160, %swap3A_161] {strides = array<i32>} : memref<208x16xf32, #tpu.memory_space<vmem>>, vector<1x16xf32>,
    %swap3A_163 = vector.shape_cast %swap3A_162 : vector<1x16xf32> to vector<16xf32>
    %swap3A_164 = vector.shape_cast %broadcast_in_dim3A_3 : vector<16xf32> to vector<1x16xf32>
    tpu.vector_store %arg9[%swap3A_160, %swap3A_161], %swap3A_164 {strides = array<i32>} : memref<208x16xf32, #tpu.memory_space<vmem>>, vector<1x16xf32>,
    %swap3A_165 = arith.constant 203 : i32
    %swap3A_166 = arith.index_cast %swap3A_165 : i32 to index
    %swap3A_167 = arith.constant 0 : index
    %swap3A_168 = tpu.vector_load %arg9[%swap3A_166, %swap3A_167] {strides = array<i32>} : memref<208x16xf32, #tpu.memory_space<vmem>>, vector<1x16xf32>,
    %swap3A_169 = vector.shape_cast %swap3A_168 : vector<1x16xf32> to vector<16xf32>
    %swap3A_170 = vector.shape_cast %broadcast_in_dim3A_3 : vector<16xf32> to vector<1x16xf32>
    tpu.vector_store %arg9[%swap3A_166, %swap3A_167], %swap3A_170 {strides = array<i32>} : memref<208x16xf32, #tpu.memory_space<vmem>>, vector<1x16xf32>,
    %swap3A_171 = arith.constant 204 : i32
    %swap3A_172 = arith.index_cast %swap3A_171 : i32 to index
    %swap3A_173 = arith.constant 0 : index
    %swap3A_174 = tpu.vector_load %arg9[%swap3A_172, %swap3A_173] {strides = array<i32>} : memref<208x16xf32, #tpu.memory_space<vmem>>, vector<1x16xf32>,
    %swap3A_175 = vector.shape_cast %swap3A_174 : vector<1x16xf32> to vector<16xf32>
    %swap3A_176 = vector.shape_cast %broadcast_in_dim3A_3 : vector<16xf32> to vector<1x16xf32>
    tpu.vector_store %arg9[%swap3A_172, %swap3A_173], %swap3A_176 {strides = array<i32>} : memref<208x16xf32, #tpu.memory_space<vmem>>, vector<1x16xf32>,
    %swap3A_177 = arith.constant 205 : i32
    %swap3A_178 = arith.index_cast %swap3A_177 : i32 to index
    %swap3A_179 = arith.constant 0 : index
    %swap3A_180 = tpu.vector_load %arg9[%swap3A_178, %swap3A_179] {strides = array<i32>} : memref<208x16xf32, #tpu.memory_space<vmem>>, vector<1x16xf32>,
    %swap3A_181 = vector.shape_cast %swap3A_180 : vector<1x16xf32> to vector<16xf32>
    %swap3A_182 = vector.shape_cast %broadcast_in_dim3A_3 : vector<16xf32> to vector<1x16xf32>
    tpu.vector_store %arg9[%swap3A_178, %swap3A_179], %swap3A_182 {strides = array<i32>} : memref<208x16xf32, #tpu.memory_space<vmem>>, vector<1x16xf32>,
    %swap3A_183 = arith.constant 206 : i32
    %swap3A_184 = arith.index_cast %swap3A_183 : i32 to index
    %swap3A_185 = arith.constant 0 : index
    %swap3A_186 = tpu.vector_load %arg9[%swap3A_184, %swap3A_185] {strides = array<i32>} : memref<208x16xf32, #tpu.memory_space<vmem>>, vector<1x16xf32>,
    %swap3A_187 = vector.shape_cast %swap3A_186 : vector<1x16xf32> to vector<16xf32>
    %swap3A_188 = vector.shape_cast %broadcast_in_dim3A_3 : vector<16xf32> to vector<1x16xf32>
    tpu.vector_store %arg9[%swap3A_184, %swap3A_185], %swap3A_188 {strides = array<i32>} : memref<208x16xf32, #tpu.memory_space<vmem>>, vector<1x16xf32>,
    %swap3A_189 = arith.constant 207 : i32
    %swap3A_190 = arith.index_cast %swap3A_189 : i32 to index
    %swap3A_191 = arith.constant 0 : index
    %swap3A_192 = tpu.vector_load %arg9[%swap3A_190, %swap3A_191] {strides = array<i32>} : memref<208x16xf32, #tpu.memory_space<vmem>>, vector<1x16xf32>,
    %swap3A_193 = vector.shape_cast %swap3A_192 : vector<1x16xf32> to vector<16xf32>
    %swap3A_194 = vector.shape_cast %broadcast_in_dim3A_3 : vector<16xf32> to vector<1x16xf32>
    tpu.vector_store %arg9[%swap3A_190, %swap3A_191], %swap3A_194 {strides = array<i32>} : memref<208x16xf32, #tpu.memory_space<vmem>>, vector<1x16xf32>,
    %swap3A_195 = arith.constant 200 : i32
    %swap3A_196 = arith.index_cast %swap3A_195 : i32 to index
    %swap3A_197 = arith.constant 0 : index
    %swap3A_198 = tpu.vector_load %arg10[%swap3A_196, %swap3A_197] {strides = array<i32>} : memref<208x16xf32, #tpu.memory_space<vmem>>, vector<1x16xf32>,
    %swap3A_199 = vector.shape_cast %swap3A_198 : vector<1x16xf32> to vector<16xf32>
    %swap3A_200 = vector.shape_cast %broadcast_in_dim3A_3 : vector<16xf32> to vector<1x16xf32>
    tpu.vector_store %arg10[%swap3A_196, %swap3A_197], %swap3A_200 {strides = array<i32>} : memref<208x16xf32, #tpu.memory_space<vmem>>, vector<1x16xf32>,
    %swap3A_201 = arith.constant 201 : i32
    %swap3A_202 = arith.index_cast %swap3A_201 : i32 to index
    %swap3A_203 = arith.constant 0 : index
    %swap3A_204 = tpu.vector_load %arg10[%swap3A_202, %swap3A_203] {strides = array<i32>} : memref<208x16xf32, #tpu.memory_space<vmem>>, vector<1x16xf32>,
    %swap3A_205 = vector.shape_cast %swap3A_204 : vector<1x16xf32> to vector<16xf32>
    %swap3A_206 = vector.shape_cast %broadcast_in_dim3A_3 : vector<16xf32> to vector<1x16xf32>
    tpu.vector_store %arg10[%swap3A_202, %swap3A_203], %swap3A_206 {strides = array<i32>} : memref<208x16xf32, #tpu.memory_space<vmem>>, vector<1x16xf32>,
    %swap3A_207 = arith.constant 202 : i32
    %swap3A_208 = arith.index_cast %swap3A_207 : i32 to index
    %swap3A_209 = arith.constant 0 : index
    %swap3A_210 = tpu.vector_load %arg10[%swap3A_208, %swap3A_209] {strides = array<i32>} : memref<208x16xf32, #tpu.memory_space<vmem>>, vector<1x16xf32>,
    %swap3A_211 = vector.shape_cast %swap3A_210 : vector<1x16xf32> to vector<16xf32>
    %swap3A_212 = vector.shape_cast %broadcast_in_dim3A_3 : vector<16xf32> to vector<1x16xf32>
    tpu.vector_store %arg10[%swap3A_208, %swap3A_209], %swap3A_212 {strides = array<i32>} : memref<208x16xf32, #tpu.memory_space<vmem>>, vector<1x16xf32>,
    %swap3A_213 = arith.constant 203 : i32
    %swap3A_214 = arith.index_cast %swap3A_213 : i32 to index
    %swap3A_215 = arith.constant 0 : index
    %swap3A_216 = tpu.vector_load %arg10[%swap3A_214, %swap3A_215] {strides = array<i32>} : memref<208x16xf32, #tpu.memory_space<vmem>>, vector<1x16xf32>,
    %swap3A_217 = vector.shape_cast %swap3A_216 : vector<1x16xf32> to vector<16xf32>
    %swap3A_218 = vector.shape_cast %broadcast_in_dim3A_3 : vector<16xf32> to vector<1x16xf32>
    tpu.vector_store %arg10[%swap3A_214, %swap3A_215], %swap3A_218 {strides = array<i32>} : memref<208x16xf32, #tpu.memory_space<vmem>>, vector<1x16xf32>,
    %swap3A_219 = arith.constant 204 : i32
    %swap3A_220 = arith.index_cast %swap3A_219 : i32 to index
    %swap3A_221 = arith.constant 0 : index
    %swap3A_222 = tpu.vector_load %arg10[%swap3A_220, %swap3A_221] {strides = array<i32>} : memref<208x16xf32, #tpu.memory_space<vmem>>, vector<1x16xf32>,
    %swap3A_223 = vector.shape_cast %swap3A_222 : vector<1x16xf32> to vector<16xf32>
    %swap3A_224 = vector.shape_cast %broadcast_in_dim3A_3 : vector<16xf32> to vector<1x16xf32>
    tpu.vector_store %arg10[%swap3A_220, %swap3A_221], %swap3A_224 {strides = array<i32>} : memref<208x16xf32, #tpu.memory_space<vmem>>, vector<1x16xf32>,
    %swap3A_225 = arith.constant 205 : i32
    %swap3A_226 = arith.index_cast %swap3A_225 : i32 to index
    %swap3A_227 = arith.constant 0 : index
    %swap3A_228 = tpu.vector_load %arg10[%swap3A_226, %swap3A_227] {strides = array<i32>} : memref<208x16xf32, #tpu.memory_space<vmem>>, vector<1x16xf32>,
    %swap3A_229 = vector.shape_cast %swap3A_228 : vector<1x16xf32> to vector<16xf32>
    %swap3A_230 = vector.shape_cast %broadcast_in_dim3A_3 : vector<16xf32> to vector<1x16xf32>
    tpu.vector_store %arg10[%swap3A_226, %swap3A_227], %swap3A_230 {strides = array<i32>} : memref<208x16xf32, #tpu.memory_space<vmem>>, vector<1x16xf32>,
    %swap3A_231 = arith.constant 206 : i32
    %swap3A_232 = arith.index_cast %swap3A_231 : i32 to index
    %swap3A_233 = arith.constant 0 : index
    %swap3A_234 = tpu.vector_load %arg10[%swap3A_232, %swap3A_233] {strides = array<i32>} : memref<208x16xf32, #tpu.memory_space<vmem>>, vector<1x16xf32>,
    %swap3A_235 = vector.shape_cast %swap3A_234 : vector<1x16xf32> to vector<16xf32>
    %swap3A_236 = vector.shape_cast %broadcast_in_dim3A_3 : vector<16xf32> to vector<1x16xf32>
    tpu.vector_store %arg10[%swap3A_232, %swap3A_233], %swap3A_236 {strides = array<i32>} : memref<208x16xf32, #tpu.memory_space<vmem>>, vector<1x16xf32>,
    %swap3A_237 = arith.constant 207 : i32
    %swap3A_238 = arith.index_cast %swap3A_237 : i32 to index
    %swap3A_239 = arith.constant 0 : index
    %swap3A_240 = tpu.vector_load %arg10[%swap3A_238, %swap3A_239] {strides = array<i32>} : memref<208x16xf32, #tpu.memory_space<vmem>>, vector<1x16xf32>,
    %swap3A_241 = vector.shape_cast %swap3A_240 : vector<1x16xf32> to vector<16xf32>
    %swap3A_242 = vector.shape_cast %broadcast_in_dim3A_3 : vector<16xf32> to vector<1x16xf32>
    tpu.vector_store %arg10[%swap3A_238, %swap3A_239], %swap3A_242 {strides = array<i32>} : memref<208x16xf32, #tpu.memory_space<vmem>>, vector<1x16xf32>,
    %swap3A_243 = arith.constant 200 : i32
    %swap3A_244 = arith.index_cast %swap3A_243 : i32 to index
    %swap3A_245 = arith.constant 0 : index
    %swap3A_246 = tpu.vector_load %arg11[%swap3A_244, %swap3A_245] {strides = array<i32>} : memref<208x16xf32, #tpu.memory_space<vmem>>, vector<1x16xf32>,
    %swap3A_247 = vector.shape_cast %swap3A_246 : vector<1x16xf32> to vector<16xf32>
    %swap3A_248 = vector.shape_cast %broadcast_in_dim3A_3 : vector<16xf32> to vector<1x16xf32>
    tpu.vector_store %arg11[%swap3A_244, %swap3A_245], %swap3A_248 {strides = array<i32>} : memref<208x16xf32, #tpu.memory_space<vmem>>, vector<1x16xf32>,
    %swap3A_249 = arith.constant 201 : i32
    %swap3A_250 = arith.index_cast %swap3A_249 : i32 to index
    %swap3A_251 = arith.constant 0 : index
    %swap3A_252 = tpu.vector_load %arg11[%swap3A_250, %swap3A_251] {strides = array<i32>} : memref<208x16xf32, #tpu.memory_space<vmem>>, vector<1x16xf32>,
    %swap3A_253 = vector.shape_cast %swap3A_252 : vector<1x16xf32> to vector<16xf32>
    %swap3A_254 = vector.shape_cast %broadcast_in_dim3A_3 : vector<16xf32> to vector<1x16xf32>
    tpu.vector_store %arg11[%swap3A_250, %swap3A_251], %swap3A_254 {strides = array<i32>} : memref<208x16xf32, #tpu.memory_space<vmem>>, vector<1x16xf32>,
    %swap3A_255 = arith.constant 202 : i32
    %swap3A_256 = arith.index_cast %swap3A_255 : i32 to index
    %swap3A_257 = arith.constant 0 : index
    %swap3A_258 = tpu.vector_load %arg11[%swap3A_256, %swap3A_257] {strides = array<i32>} : memref<208x16xf32, #tpu.memory_space<vmem>>, vector<1x16xf32>,
    %swap3A_259 = vector.shape_cast %swap3A_258 : vector<1x16xf32> to vector<16xf32>
    %swap3A_260 = vector.shape_cast %broadcast_in_dim3A_3 : vector<16xf32> to vector<1x16xf32>
    tpu.vector_store %arg11[%swap3A_256, %swap3A_257], %swap3A_260 {strides = array<i32>} : memref<208x16xf32, #tpu.memory_space<vmem>>, vector<1x16xf32>,
    %swap3A_261 = arith.constant 203 : i32
    %swap3A_262 = arith.index_cast %swap3A_261 : i32 to index
    %swap3A_263 = arith.constant 0 : index
    %swap3A_264 = tpu.vector_load %arg11[%swap3A_262, %swap3A_263] {strides = array<i32>} : memref<208x16xf32, #tpu.memory_space<vmem>>, vector<1x16xf32>,
    %swap3A_265 = vector.shape_cast %swap3A_264 : vector<1x16xf32> to vector<16xf32>
    %swap3A_266 = vector.shape_cast %broadcast_in_dim3A_3 : vector<16xf32> to vector<1x16xf32>
    tpu.vector_store %arg11[%swap3A_262, %swap3A_263], %swap3A_266 {strides = array<i32>} : memref<208x16xf32, #tpu.memory_space<vmem>>, vector<1x16xf32>,
    %swap3A_267 = arith.constant 204 : i32
    %swap3A_268 = arith.index_cast %swap3A_267 : i32 to index
    %swap3A_269 = arith.constant 0 : index
    %swap3A_270 = tpu.vector_load %arg11[%swap3A_268, %swap3A_269] {strides = array<i32>} : memref<208x16xf32, #tpu.memory_space<vmem>>, vector<1x16xf32>,
    %swap3A_271 = vector.shape_cast %swap3A_270 : vector<1x16xf32> to vector<16xf32>
    %swap3A_272 = vector.shape_cast %broadcast_in_dim3A_3 : vector<16xf32> to vector<1x16xf32>
    tpu.vector_store %arg11[%swap3A_268, %swap3A_269], %swap3A_272 {strides = array<i32>} : memref<208x16xf32, #tpu.memory_space<vmem>>, vector<1x16xf32>,
    %swap3A_273 = arith.constant 205 : i32
    %swap3A_274 = arith.index_cast %swap3A_273 : i32 to index
    %swap3A_275 = arith.constant 0 : index
    %swap3A_276 = tpu.vector_load %arg11[%swap3A_274, %swap3A_275] {strides = array<i32>} : memref<208x16xf32, #tpu.memory_space<vmem>>, vector<1x16xf32>,
    %swap3A_277 = vector.shape_cast %swap3A_276 : vector<1x16xf32> to vector<16xf32>
    %swap3A_278 = vector.shape_cast %broadcast_in_dim3A_3 : vector<16xf32> to vector<1x16xf32>
    tpu.vector_store %arg11[%swap3A_274, %swap3A_275], %swap3A_278 {strides = array<i32>} : memref<208x16xf32, #tpu.memory_space<vmem>>, vector<1x16xf32>,
    %swap3A_279 = arith.constant 206 : i32
    %swap3A_280 = arith.index_cast %swap3A_279 : i32 to index
    %swap3A_281 = arith.constant 0 : index
    %swap3A_282 = tpu.vector_load %arg11[%swap3A_280, %swap3A_281] {strides = array<i32>} : memref<208x16xf32, #tpu.memory_space<vmem>>, vector<1x16xf32>,
    %swap3A_283 = vector.shape_cast %swap3A_282 : vector<1x16xf32> to vector<16xf32>
    %swap3A_284 = vector.shape_cast %broadcast_in_dim3A_3 : vector<16xf32> to vector<1x16xf32>
    tpu.vector_store %arg11[%swap3A_280, %swap3A_281], %swap3A_284 {strides = array<i32>} : memref<208x16xf32, #tpu.memory_space<vmem>>, vector<1x16xf32>,
    %swap3A_285 = arith.constant 207 : i32
    %swap3A_286 = arith.index_cast %swap3A_285 : i32 to index
    %swap3A_287 = arith.constant 0 : index
    %swap3A_288 = tpu.vector_load %arg11[%swap3A_286, %swap3A_287] {strides = array<i32>} : memref<208x16xf32, #tpu.memory_space<vmem>>, vector<1x16xf32>,
    %swap3A_289 = vector.shape_cast %swap3A_288 : vector<1x16xf32> to vector<16xf32>
    %swap3A_290 = vector.shape_cast %broadcast_in_dim3A_3 : vector<16xf32> to vector<1x16xf32>
    tpu.vector_store %arg11[%swap3A_286, %swap3A_287], %swap3A_290 {strides = array<i32>} : memref<208x16xf32, #tpu.memory_space<vmem>>, vector<1x16xf32>,
    %swap3A_291 = arith.constant 200 : i32
    %swap3A_292 = arith.index_cast %swap3A_291 : i32 to index
    %swap3A_293 = arith.constant 0 : index
    %swap3A_294 = tpu.vector_load %arg12[%swap3A_292, %swap3A_293] {strides = array<i32>} : memref<208x16xf32, #tpu.memory_space<vmem>>, vector<1x16xf32>,
    %swap3A_295 = vector.shape_cast %swap3A_294 : vector<1x16xf32> to vector<16xf32>
    %swap3A_296 = vector.shape_cast %broadcast_in_dim3A_3 : vector<16xf32> to vector<1x16xf32>
    tpu.vector_store %arg12[%swap3A_292, %swap3A_293], %swap3A_296 {strides = array<i32>} : memref<208x16xf32, #tpu.memory_space<vmem>>, vector<1x16xf32>,
    %swap3A_297 = arith.constant 201 : i32
    %swap3A_298 = arith.index_cast %swap3A_297 : i32 to index
    %swap3A_299 = arith.constant 0 : index
    %swap3A_300 = tpu.vector_load %arg12[%swap3A_298, %swap3A_299] {strides = array<i32>} : memref<208x16xf32, #tpu.memory_space<vmem>>, vector<1x16xf32>,
    %swap3A_301 = vector.shape_cast %swap3A_300 : vector<1x16xf32> to vector<16xf32>
    %swap3A_302 = vector.shape_cast %broadcast_in_dim3A_3 : vector<16xf32> to vector<1x16xf32>
    tpu.vector_store %arg12[%swap3A_298, %swap3A_299], %swap3A_302 {strides = array<i32>} : memref<208x16xf32, #tpu.memory_space<vmem>>, vector<1x16xf32>,
    %swap3A_303 = arith.constant 202 : i32
    %swap3A_304 = arith.index_cast %swap3A_303 : i32 to index
    %swap3A_305 = arith.constant 0 : index
    %swap3A_306 = tpu.vector_load %arg12[%swap3A_304, %swap3A_305] {strides = array<i32>} : memref<208x16xf32, #tpu.memory_space<vmem>>, vector<1x16xf32>,
    %swap3A_307 = vector.shape_cast %swap3A_306 : vector<1x16xf32> to vector<16xf32>
    %swap3A_308 = vector.shape_cast %broadcast_in_dim3A_3 : vector<16xf32> to vector<1x16xf32>
    tpu.vector_store %arg12[%swap3A_304, %swap3A_305], %swap3A_308 {strides = array<i32>} : memref<208x16xf32, #tpu.memory_space<vmem>>, vector<1x16xf32>,
    %swap3A_309 = arith.constant 203 : i32
    %swap3A_310 = arith.index_cast %swap3A_309 : i32 to index
    %swap3A_311 = arith.constant 0 : index
    %swap3A_312 = tpu.vector_load %arg12[%swap3A_310, %swap3A_311] {strides = array<i32>} : memref<208x16xf32, #tpu.memory_space<vmem>>, vector<1x16xf32>,
    %swap3A_313 = vector.shape_cast %swap3A_312 : vector<1x16xf32> to vector<16xf32>
    %swap3A_314 = vector.shape_cast %broadcast_in_dim3A_3 : vector<16xf32> to vector<1x16xf32>
    tpu.vector_store %arg12[%swap3A_310, %swap3A_311], %swap3A_314 {strides = array<i32>} : memref<208x16xf32, #tpu.memory_space<vmem>>, vector<1x16xf32>,
    %swap3A_315 = arith.constant 204 : i32
    %swap3A_316 = arith.index_cast %swap3A_315 : i32 to index
    %swap3A_317 = arith.constant 0 : index
    %swap3A_318 = tpu.vector_load %arg12[%swap3A_316, %swap3A_317] {strides = array<i32>} : memref<208x16xf32, #tpu.memory_space<vmem>>, vector<1x16xf32>,
    %swap3A_319 = vector.shape_cast %swap3A_318 : vector<1x16xf32> to vector<16xf32>
    %swap3A_320 = vector.shape_cast %broadcast_in_dim3A_3 : vector<16xf32> to vector<1x16xf32>
    tpu.vector_store %arg12[%swap3A_316, %swap3A_317], %swap3A_320 {strides = array<i32>} : memref<208x16xf32, #tpu.memory_space<vmem>>, vector<1x16xf32>,
    %swap3A_321 = arith.constant 205 : i32
    %swap3A_322 = arith.index_cast %swap3A_321 : i32 to index
    %swap3A_323 = arith.constant 0 : index
    %swap3A_324 = tpu.vector_load %arg12[%swap3A_322, %swap3A_323] {strides = array<i32>} : memref<208x16xf32, #tpu.memory_space<vmem>>, vector<1x16xf32>,
    %swap3A_325 = vector.shape_cast %swap3A_324 : vector<1x16xf32> to vector<16xf32>
    %swap3A_326 = vector.shape_cast %broadcast_in_dim3A_3 : vector<16xf32> to vector<1x16xf32>
    tpu.vector_store %arg12[%swap3A_322, %swap3A_323], %swap3A_326 {strides = array<i32>} : memref<208x16xf32, #tpu.memory_space<vmem>>, vector<1x16xf32>,
    %swap3A_327 = arith.constant 206 : i32
    %swap3A_328 = arith.index_cast %swap3A_327 : i32 to index
    %swap3A_329 = arith.constant 0 : index
    %swap3A_330 = tpu.vector_load %arg12[%swap3A_328, %swap3A_329] {strides = array<i32>} : memref<208x16xf32, #tpu.memory_space<vmem>>, vector<1x16xf32>,
    %swap3A_331 = vector.shape_cast %swap3A_330 : vector<1x16xf32> to vector<16xf32>
    %swap3A_332 = vector.shape_cast %broadcast_in_dim3A_3 : vector<16xf32> to vector<1x16xf32>
    tpu.vector_store %arg12[%swap3A_328, %swap3A_329], %swap3A_332 {strides = array<i32>} : memref<208x16xf32, #tpu.memory_space<vmem>>, vector<1x16xf32>,
    %swap3A_333 = arith.constant 207 : i32
    %swap3A_334 = arith.index_cast %swap3A_333 : i32 to index
    %swap3A_335 = arith.constant 0 : index
    %swap3A_336 = tpu.vector_load %arg12[%swap3A_334, %swap3A_335] {strides = array<i32>} : memref<208x16xf32, #tpu.memory_space<vmem>>, vector<1x16xf32>,
    %swap3A_337 = vector.shape_cast %swap3A_336 : vector<1x16xf32> to vector<16xf32>
    %swap3A_338 = vector.shape_cast %broadcast_in_dim3A_3 : vector<16xf32> to vector<1x16xf32>
    tpu.vector_store %arg12[%swap3A_334, %swap3A_335], %swap3A_338 {strides = array<i32>} : memref<208x16xf32, #tpu.memory_space<vmem>>, vector<1x16xf32>,
    %swap3A_339 = arith.constant 200 : i32
    %swap3A_340 = arith.index_cast %swap3A_339 : i32 to index
    %swap3A_341 = arith.constant 0 : index
    %swap3A_342 = tpu.vector_load %arg13[%swap3A_340, %swap3A_341] {strides = array<i32>} : memref<208x16xf32, #tpu.memory_space<vmem>>, vector<1x16xf32>,
    %swap3A_343 = vector.shape_cast %swap3A_342 : vector<1x16xf32> to vector<16xf32>
    %swap3A_344 = vector.shape_cast %broadcast_in_dim3A_3 : vector<16xf32> to vector<1x16xf32>
    tpu.vector_store %arg13[%swap3A_340, %swap3A_341], %swap3A_344 {strides = array<i32>} : memref<208x16xf32, #tpu.memory_space<vmem>>, vector<1x16xf32>,
    %swap3A_345 = arith.constant 201 : i32
    %swap3A_346 = arith.index_cast %swap3A_345 : i32 to index
    %swap3A_347 = arith.constant 0 : index
    %swap3A_348 = tpu.vector_load %arg13[%swap3A_346, %swap3A_347] {strides = array<i32>} : memref<208x16xf32, #tpu.memory_space<vmem>>, vector<1x16xf32>,
    %swap3A_349 = vector.shape_cast %swap3A_348 : vector<1x16xf32> to vector<16xf32>
    %swap3A_350 = vector.shape_cast %broadcast_in_dim3A_3 : vector<16xf32> to vector<1x16xf32>
    tpu.vector_store %arg13[%swap3A_346, %swap3A_347], %swap3A_350 {strides = array<i32>} : memref<208x16xf32, #tpu.memory_space<vmem>>, vector<1x16xf32>,
    %swap3A_351 = arith.constant 202 : i32
    %swap3A_352 = arith.index_cast %swap3A_351 : i32 to index
    %swap3A_353 = arith.constant 0 : index
    %swap3A_354 = tpu.vector_load %arg13[%swap3A_352, %swap3A_353] {strides = array<i32>} : memref<208x16xf32, #tpu.memory_space<vmem>>, vector<1x16xf32>,
    %swap3A_355 = vector.shape_cast %swap3A_354 : vector<1x16xf32> to vector<16xf32>
    %swap3A_356 = vector.shape_cast %broadcast_in_dim3A_3 : vector<16xf32> to vector<1x16xf32>
    tpu.vector_store %arg13[%swap3A_352, %swap3A_353], %swap3A_356 {strides = array<i32>} : memref<208x16xf32, #tpu.memory_space<vmem>>, vector<1x16xf32>,
    %swap3A_357 = arith.constant 203 : i32
    %swap3A_358 = arith.index_cast %swap3A_357 : i32 to index
    %swap3A_359 = arith.constant 0 : index
    %swap3A_360 = tpu.vector_load %arg13[%swap3A_358, %swap3A_359] {strides = array<i32>} : memref<208x16xf32, #tpu.memory_space<vmem>>, vector<1x16xf32>,
    %swap3A_361 = vector.shape_cast %swap3A_360 : vector<1x16xf32> to vector<16xf32>
    %swap3A_362 = vector.shape_cast %broadcast_in_dim3A_3 : vector<16xf32> to vector<1x16xf32>
    tpu.vector_store %arg13[%swap3A_358, %swap3A_359], %swap3A_362 {strides = array<i32>} : memref<208x16xf32, #tpu.memory_space<vmem>>, vector<1x16xf32>,
    %swap3A_363 = arith.constant 204 : i32
    %swap3A_364 = arith.index_cast %swap3A_363 : i32 to index
    %swap3A_365 = arith.constant 0 : index
    %swap3A_366 = tpu.vector_load %arg13[%swap3A_364, %swap3A_365] {strides = array<i32>} : memref<208x16xf32, #tpu.memory_space<vmem>>, vector<1x16xf32>,
    %swap3A_367 = vector.shape_cast %swap3A_366 : vector<1x16xf32> to vector<16xf32>
    %swap3A_368 = vector.shape_cast %broadcast_in_dim3A_3 : vector<16xf32> to vector<1x16xf32>
    tpu.vector_store %arg13[%swap3A_364, %swap3A_365], %swap3A_368 {strides = array<i32>} : memref<208x16xf32, #tpu.memory_space<vmem>>, vector<1x16xf32>,
    %swap3A_369 = arith.constant 205 : i32
    %swap3A_370 = arith.index_cast %swap3A_369 : i32 to index
    %swap3A_371 = arith.constant 0 : index
    %swap3A_372 = tpu.vector_load %arg13[%swap3A_370, %swap3A_371] {strides = array<i32>} : memref<208x16xf32, #tpu.memory_space<vmem>>, vector<1x16xf32>,
    %swap3A_373 = vector.shape_cast %swap3A_372 : vector<1x16xf32> to vector<16xf32>
    %swap3A_374 = vector.shape_cast %broadcast_in_dim3A_3 : vector<16xf32> to vector<1x16xf32>
    tpu.vector_store %arg13[%swap3A_370, %swap3A_371], %swap3A_374 {strides = array<i32>} : memref<208x16xf32, #tpu.memory_space<vmem>>, vector<1x16xf32>,
    %swap3A_375 = arith.constant 206 : i32
    %swap3A_376 = arith.index_cast %swap3A_375 : i32 to index
    %swap3A_377 = arith.constant 0 : index
    %swap3A_378 = tpu.vector_load %arg13[%swap3A_376, %swap3A_377] {strides = array<i32>} : memref<208x16xf32, #tpu.memory_space<vmem>>, vector<1x16xf32>,
    %swap3A_379 = vector.shape_cast %swap3A_378 : vector<1x16xf32> to vector<16xf32>
    %swap3A_380 = vector.shape_cast %broadcast_in_dim3A_3 : vector<16xf32> to vector<1x16xf32>
    tpu.vector_store %arg13[%swap3A_376, %swap3A_377], %swap3A_380 {strides = array<i32>} : memref<208x16xf32, #tpu.memory_space<vmem>>, vector<1x16xf32>,
    %swap3A_381 = arith.constant 207 : i32
    %swap3A_382 = arith.index_cast %swap3A_381 : i32 to index
    %swap3A_383 = arith.constant 0 : index
    %swap3A_384 = tpu.vector_load %arg13[%swap3A_382, %swap3A_383] {strides = array<i32>} : memref<208x16xf32, #tpu.memory_space<vmem>>, vector<1x16xf32>,
    %swap3A_385 = vector.shape_cast %swap3A_384 : vector<1x16xf32> to vector<16xf32>
    %swap3A_386 = vector.shape_cast %broadcast_in_dim3A_3 : vector<16xf32> to vector<1x16xf32>
    tpu.vector_store %arg13[%swap3A_382, %swap3A_383], %swap3A_386 {strides = array<i32>} : memref<208x16xf32, #tpu.memory_space<vmem>>, vector<1x16xf32>,
    %mul3A_387 = arith.constant 256 : i32
    %mul3A_388 = arith.muli %mul3A_2, %mul3A_387 : i32
    "tpu.region"() ({
      %run_scoped3A = tpu.sem_alloc : memref<!tpu.dma_semaphore, #tpu.memory_space<semaphore_mem>>
      %dma_start3A_533 = tpu.memref_slice %arg2[%mul3A_388] : memref<1048576xi32, #tpu.memory_space<hbm>> -> memref<32768xi32, #tpu.memory_space<hbm>>
      %dma_start3A_534 = tpu.memref_slice %arg2[%mul3A_388] : memref<1048576xi32, #tpu.memory_space<hbm>> -> memref<32768xi32, #tpu.memory_space<hbm>>
      tpu.enqueue_dma source(%dma_start3A_534 : memref<32768xi32, #tpu.memory_space<hbm>>) target(%arg5 : memref<32768xi32, #tpu.memory_space<vmem>>) target_semaphore(%run_scoped3A : memref<!tpu.dma_semaphore, #tpu.memory_space<semaphore_mem>>)
      %dma_wait3A = tpu.memref_slice %arg2[%mul3A_388] : memref<1048576xi32, #tpu.memory_space<hbm>> -> memref<32768xi32, #tpu.memory_space<hbm>>
      %dma_wait3A_535 = tpu.memref_slice %arg2[%mul3A_388] : memref<1048576xi32, #tpu.memory_space<hbm>> -> memref<32768xi32, #tpu.memory_space<hbm>>
      tpu.wait_dma2 semaphore(%run_scoped3A : memref<!tpu.dma_semaphore, #tpu.memory_space<semaphore_mem>>) src(%dma_wait3A_535 : memref<32768xi32, #tpu.memory_space<hbm>>) dst(%arg5 : memref<32768xi32, #tpu.memory_space<vmem>>)
      tpu.yield
    }) : () -> ()
    %iota3A = tpu.iota {dimensions = array<i32: 0>} : vector<16xi32>
    %add3A_389 = arith.constant 8 : i32
    %add3A_390 = vector.broadcast %add3A_389 : i32 to vector<16xi32>
    %add3A_391 = arith.addi %iota3A, %add3A_390 : vector<16xi32>
    %and3A = arith.constant 15 : i32
    %and3A_392 = vector.broadcast %and3A : i32 to vector<16xi32>
    %and3A_393 = arith.andi %add3A_391, %and3A_392 : vector<16xi32>
    %broadcast_in_dim3A_394 = vector.shape_cast %and3A_393 : vector<16xi32> to vector<16x1xi32>
    %add3A_395 = arith.constant 4 : i32
    %add3A_396 = vector.broadcast %add3A_395 : i32 to vector<16xi32>
    %add3A_397 = arith.addi %iota3A, %add3A_396 : vector<16xi32>
    %and3A_398 = arith.constant 15 : i32
    %and3A_399 = vector.broadcast %and3A_398 : i32 to vector<16xi32>
    %and3A_400 = arith.andi %add3A_397, %and3A_399 : vector<16xi32>
    %broadcast_in_dim3A_401 = vector.shape_cast %and3A_400 : vector<16xi32> to vector<16x1xi32>
    %add3A_402 = arith.constant 2 : i32
    %add3A_403 = vector.broadcast %add3A_402 : i32 to vector<16xi32>
    %add3A_404 = arith.addi %iota3A, %add3A_403 : vector<16xi32>
    %and3A_405 = arith.constant 15 : i32
    %and3A_406 = vector.broadcast %and3A_405 : i32 to vector<16xi32>
    %and3A_407 = arith.andi %add3A_404, %and3A_406 : vector<16xi32>
    %broadcast_in_dim3A_408 = vector.shape_cast %and3A_407 : vector<16xi32> to vector<16x1xi32>
    %add3A_409 = arith.constant 1 : i32
    %add3A_410 = vector.broadcast %add3A_409 : i32 to vector<16xi32>
    %add3A_411 = arith.addi %iota3A, %add3A_410 : vector<16xi32>
    %and3A_412 = arith.constant 15 : i32
    %and3A_413 = vector.broadcast %and3A_412 : i32 to vector<16xi32>
    %and3A_414 = arith.andi %add3A_411, %and3A_413 : vector<16xi32>
    %broadcast_in_dim3A_415 = vector.shape_cast %and3A_414 : vector<16xi32> to vector<16x1xi32>
    %dma_start3A = arith.constant 0 : i32
    %dma_start3A_416 = arith.constant 0 : i32
    %dma_start3A_417 = tpu.memref_slice %arg6[%dma_start3A, %dma_start3A_416] : memref<208x16xf32, #tpu.memory_space<vmem>> -> memref<128x16xf32, #tpu.memory_space<vmem>>
    %dma_start3A_418 = arith.constant 0 : i32
    %dma_start3A_419 = tpu.memref_slice %arg5[%dma_start3A_418] : memref<32768xi32, #tpu.memory_space<vmem>> -> memref<128xi32, #tpu.memory_space<vmem>>
    %dma_start3A_420 = arith.constant 0 : i32
    %dma_start3A_421 = arith.constant 0 : i32
    %dma_start3A_422 = tpu.memref_slice %arg3[%dma_start3A_420, %dma_start3A_421] : memref<1000000x16xf32, #tpu.memory_space<hbm>> -> memref<1000000x16xf32, #tpu.memory_space<hbm>>
    tpu.enqueue_indirect_dma source(%dma_start3A_422 : memref<1000000x16xf32, #tpu.memory_space<hbm>>) target(%dma_start3A_417 : memref<128x16xf32, #tpu.memory_space<vmem>>) offsets(%dma_start3A_419 : memref<128xi32, #tpu.memory_space<vmem>>) semaphore(%arg15 : memref<!tpu.dma_semaphore, #tpu.memory_space<semaphore_mem>>)
    %dma_start3A_423 = arith.constant 128 : i32
    %dma_start3A_424 = arith.constant 0 : i32
    %dma_start3A_425 = tpu.memref_slice %arg6[%dma_start3A_423, %dma_start3A_424] : memref<208x16xf32, #tpu.memory_space<vmem>> -> memref<72x16xf32, #tpu.memory_space<vmem>>
    %dma_start3A_426 = arith.constant 128 : i32
    %dma_start3A_427 = tpu.memref_slice %arg5[%dma_start3A_426] : memref<32768xi32, #tpu.memory_space<vmem>> -> memref<72xi32, #tpu.memory_space<vmem>>
    %dma_start3A_428 = arith.constant 0 : i32
    %dma_start3A_429 = arith.constant 0 : i32
    %dma_start3A_430 = tpu.memref_slice %arg3[%dma_start3A_428, %dma_start3A_429] : memref<1000000x16xf32, #tpu.memory_space<hbm>> -> memref<1000000x16xf32, #tpu.memory_space<hbm>>
    tpu.enqueue_indirect_dma source(%dma_start3A_430 : memref<1000000x16xf32, #tpu.memory_space<hbm>>) target(%dma_start3A_425 : memref<72x16xf32, #tpu.memory_space<vmem>>) offsets(%dma_start3A_427 : memref<72xi32, #tpu.memory_space<vmem>>) semaphore(%arg15 : memref<!tpu.dma_semaphore, #tpu.memory_space<semaphore_mem>>)
    %dma_start3A_431 = arith.constant 0 : i32
    %dma_start3A_432 = arith.constant 0 : i32
    %dma_start3A_433 = tpu.memref_slice %arg7[%dma_start3A_431, %dma_start3A_432] : memref<208x16xf32, #tpu.memory_space<vmem>> -> memref<128x16xf32, #tpu.memory_space<vmem>>
    %dma_start3A_434 = arith.constant 256 : i32
    %dma_start3A_435 = tpu.memref_slice %arg5[%dma_start3A_434] : memref<32768xi32, #tpu.memory_space<vmem>> -> memref<128xi32, #tpu.memory_space<vmem>>
    %dma_start3A_436 = arith.constant 0 : i32
    %dma_start3A_437 = arith.constant 0 : i32
    %dma_start3A_438 = tpu.memref_slice %arg3[%dma_start3A_436, %dma_start3A_437] : memref<1000000x16xf32, #tpu.memory_space<hbm>> -> memref<1000000x16xf32, #tpu.memory_space<hbm>>
    tpu.enqueue_indirect_dma source(%dma_start3A_438 : memref<1000000x16xf32, #tpu.memory_space<hbm>>) target(%dma_start3A_433 : memref<128x16xf32, #tpu.memory_space<vmem>>) offsets(%dma_start3A_435 : memref<128xi32, #tpu.memory_space<vmem>>) semaphore(%arg16 : memref<!tpu.dma_semaphore, #tpu.memory_space<semaphore_mem>>)
    %dma_start3A_439 = arith.constant 128 : i32
    %dma_start3A_440 = arith.constant 0 : i32
    %dma_start3A_441 = tpu.memref_slice %arg7[%dma_start3A_439, %dma_start3A_440] : memref<208x16xf32, #tpu.memory_space<vmem>> -> memref<72x16xf32, #tpu.memory_space<vmem>>
    %dma_start3A_442 = arith.constant 384 : i32
    %dma_start3A_443 = tpu.memref_slice %arg5[%dma_start3A_442] : memref<32768xi32, #tpu.memory_space<vmem>> -> memref<72xi32, #tpu.memory_space<vmem>>
    %dma_start3A_444 = arith.constant 0 : i32
    %dma_start3A_445 = arith.constant 0 : i32
    %dma_start3A_446 = tpu.memref_slice %arg3[%dma_start3A_444, %dma_start3A_445] : memref<1000000x16xf32, #tpu.memory_space<hbm>> -> memref<1000000x16xf32, #tpu.memory_space<hbm>>
    tpu.enqueue_indirect_dma source(%dma_start3A_446 : memref<1000000x16xf32, #tpu.memory_space<hbm>>) target(%dma_start3A_441 : memref<72x16xf32, #tpu.memory_space<vmem>>) offsets(%dma_start3A_443 : memref<72xi32, #tpu.memory_space<vmem>>) semaphore(%arg16 : memref<!tpu.dma_semaphore, #tpu.memory_space<semaphore_mem>>)
    %dma_start3A_447 = arith.constant 0 : i32
    %dma_start3A_448 = arith.constant 0 : i32
    %dma_start3A_449 = tpu.memref_slice %arg8[%dma_start3A_447, %dma_start3A_448] : memref<208x16xf32, #tpu.memory_space<vmem>> -> memref<128x16xf32, #tpu.memory_space<vmem>>
    %dma_start3A_450 = arith.constant 512 : i32
    %dma_start3A_451 = tpu.memref_slice %arg5[%dma_start3A_450] : memref<32768xi32, #tpu.memory_space<vmem>> -> memref<128xi32, #tpu.memory_space<vmem>>
    %dma_start3A_452 = arith.constant 0 : i32
    %dma_start3A_453 = arith.constant 0 : i32
    %dma_start3A_454 = tpu.memref_slice %arg3[%dma_start3A_452, %dma_start3A_453] : memref<1000000x16xf32, #tpu.memory_space<hbm>> -> memref<1000000x16xf32, #tpu.memory_space<hbm>>
    tpu.enqueue_indirect_dma source(%dma_start3A_454 : memref<1000000x16xf32, #tpu.memory_space<hbm>>) target(%dma_start3A_449 : memref<128x16xf32, #tpu.memory_space<vmem>>) offsets(%dma_start3A_451 : memref<128xi32, #tpu.memory_space<vmem>>) semaphore(%arg17 : memref<!tpu.dma_semaphore, #tpu.memory_space<semaphore_mem>>)
    %dma_start3A_455 = arith.constant 128 : i32
    %dma_start3A_456 = arith.constant 0 : i32
    %dma_start3A_457 = tpu.memref_slice %arg8[%dma_start3A_455, %dma_start3A_456] : memref<208x16xf32, #tpu.memory_space<vmem>> -> memref<72x16xf32, #tpu.memory_space<vmem>>
    %dma_start3A_458 = arith.constant 640 : i32
    %dma_start3A_459 = tpu.memref_slice %arg5[%dma_start3A_458] : memref<32768xi32, #tpu.memory_space<vmem>> -> memref<72xi32, #tpu.memory_space<vmem>>
    %dma_start3A_460 = arith.constant 0 : i32
    %dma_start3A_461 = arith.constant 0 : i32
    %dma_start3A_462 = tpu.memref_slice %arg3[%dma_start3A_460, %dma_start3A_461] : memref<1000000x16xf32, #tpu.memory_space<hbm>> -> memref<1000000x16xf32, #tpu.memory_space<hbm>>
    tpu.enqueue_indirect_dma source(%dma_start3A_462 : memref<1000000x16xf32, #tpu.memory_space<hbm>>) target(%dma_start3A_457 : memref<72x16xf32, #tpu.memory_space<vmem>>) offsets(%dma_start3A_459 : memref<72xi32, #tpu.memory_space<vmem>>) semaphore(%arg17 : memref<!tpu.dma_semaphore, #tpu.memory_space<semaphore_mem>>)
    %dma_start3A_463 = arith.constant 0 : i32
    %dma_start3A_464 = arith.constant 0 : i32
    %dma_start3A_465 = tpu.memref_slice %arg9[%dma_start3A_463, %dma_start3A_464] : memref<208x16xf32, #tpu.memory_space<vmem>> -> memref<128x16xf32, #tpu.memory_space<vmem>>
    %dma_start3A_466 = arith.constant 768 : i32
    %dma_start3A_467 = tpu.memref_slice %arg5[%dma_start3A_466] : memref<32768xi32, #tpu.memory_space<vmem>> -> memref<128xi32, #tpu.memory_space<vmem>>
    %dma_start3A_468 = arith.constant 0 : i32
    %dma_start3A_469 = arith.constant 0 : i32
    %dma_start3A_470 = tpu.memref_slice %arg3[%dma_start3A_468, %dma_start3A_469] : memref<1000000x16xf32, #tpu.memory_space<hbm>> -> memref<1000000x16xf32, #tpu.memory_space<hbm>>
    tpu.enqueue_indirect_dma source(%dma_start3A_470 : memref<1000000x16xf32, #tpu.memory_space<hbm>>) target(%dma_start3A_465 : memref<128x16xf32, #tpu.memory_space<vmem>>) offsets(%dma_start3A_467 : memref<128xi32, #tpu.memory_space<vmem>>) semaphore(%arg18 : memref<!tpu.dma_semaphore, #tpu.memory_space<semaphore_mem>>)
    %dma_start3A_471 = arith.constant 128 : i32
    %dma_start3A_472 = arith.constant 0 : i32
    %dma_start3A_473 = tpu.memref_slice %arg9[%dma_start3A_471, %dma_start3A_472] : memref<208x16xf32, #tpu.memory_space<vmem>> -> memref<72x16xf32, #tpu.memory_space<vmem>>
    %dma_start3A_474 = arith.constant 896 : i32
    %dma_start3A_475 = tpu.memref_slice %arg5[%dma_start3A_474] : memref<32768xi32, #tpu.memory_space<vmem>> -> memref<72xi32, #tpu.memory_space<vmem>>
    %dma_start3A_476 = arith.constant 0 : i32
    %dma_start3A_477 = arith.constant 0 : i32
    %dma_start3A_478 = tpu.memref_slice %arg3[%dma_start3A_476, %dma_start3A_477] : memref<1000000x16xf32, #tpu.memory_space<hbm>> -> memref<1000000x16xf32, #tpu.memory_space<hbm>>
    tpu.enqueue_indirect_dma source(%dma_start3A_478 : memref<1000000x16xf32, #tpu.memory_space<hbm>>) target(%dma_start3A_473 : memref<72x16xf32, #tpu.memory_space<vmem>>) offsets(%dma_start3A_475 : memref<72xi32, #tpu.memory_space<vmem>>) semaphore(%arg18 : memref<!tpu.dma_semaphore, #tpu.memory_space<semaphore_mem>>)
    %dma_start3A_479 = arith.constant 0 : i32
    %dma_start3A_480 = arith.constant 0 : i32
    %dma_start3A_481 = tpu.memref_slice %arg10[%dma_start3A_479, %dma_start3A_480] : memref<208x16xf32, #tpu.memory_space<vmem>> -> memref<128x16xf32, #tpu.memory_space<vmem>>
    %dma_start3A_482 = arith.constant 1024 : i32
    %dma_start3A_483 = tpu.memref_slice %arg5[%dma_start3A_482] : memref<32768xi32, #tpu.memory_space<vmem>> -> memref<128xi32, #tpu.memory_space<vmem>>
    %dma_start3A_484 = arith.constant 0 : i32
    %dma_start3A_485 = arith.constant 0 : i32
    %dma_start3A_486 = tpu.memref_slice %arg3[%dma_start3A_484, %dma_start3A_485] : memref<1000000x16xf32, #tpu.memory_space<hbm>> -> memref<1000000x16xf32, #tpu.memory_space<hbm>>
    tpu.enqueue_indirect_dma source(%dma_start3A_486 : memref<1000000x16xf32, #tpu.memory_space<hbm>>) target(%dma_start3A_481 : memref<128x16xf32, #tpu.memory_space<vmem>>) offsets(%dma_start3A_483 : memref<128xi32, #tpu.memory_space<vmem>>) semaphore(%arg19 : memref<!tpu.dma_semaphore, #tpu.memory_space<semaphore_mem>>)
    %dma_start3A_487 = arith.constant 128 : i32
    %dma_start3A_488 = arith.constant 0 : i32
    %dma_start3A_489 = tpu.memref_slice %arg10[%dma_start3A_487, %dma_start3A_488] : memref<208x16xf32, #tpu.memory_space<vmem>> -> memref<72x16xf32, #tpu.memory_space<vmem>>
    %dma_start3A_490 = arith.constant 1152 : i32
    %dma_start3A_491 = tpu.memref_slice %arg5[%dma_start3A_490] : memref<32768xi32, #tpu.memory_space<vmem>> -> memref<72xi32, #tpu.memory_space<vmem>>
    %dma_start3A_492 = arith.constant 0 : i32
    %dma_start3A_493 = arith.constant 0 : i32
    %dma_start3A_494 = tpu.memref_slice %arg3[%dma_start3A_492, %dma_start3A_493] : memref<1000000x16xf32, #tpu.memory_space<hbm>> -> memref<1000000x16xf32, #tpu.memory_space<hbm>>
    tpu.enqueue_indirect_dma source(%dma_start3A_494 : memref<1000000x16xf32, #tpu.memory_space<hbm>>) target(%dma_start3A_489 : memref<72x16xf32, #tpu.memory_space<vmem>>) offsets(%dma_start3A_491 : memref<72xi32, #tpu.memory_space<vmem>>) semaphore(%arg19 : memref<!tpu.dma_semaphore, #tpu.memory_space<semaphore_mem>>)
    %dma_start3A_495 = arith.constant 0 : i32
    %dma_start3A_496 = arith.constant 0 : i32
    %dma_start3A_497 = tpu.memref_slice %arg11[%dma_start3A_495, %dma_start3A_496] : memref<208x16xf32, #tpu.memory_space<vmem>> -> memref<128x16xf32, #tpu.memory_space<vmem>>
    %dma_start3A_498 = arith.constant 1280 : i32
    %dma_start3A_499 = tpu.memref_slice %arg5[%dma_start3A_498] : memref<32768xi32, #tpu.memory_space<vmem>> -> memref<128xi32, #tpu.memory_space<vmem>>
    %dma_start3A_500 = arith.constant 0 : i32
    %dma_start3A_501 = arith.constant 0 : i32
    %dma_start3A_502 = tpu.memref_slice %arg3[%dma_start3A_500, %dma_start3A_501] : memref<1000000x16xf32, #tpu.memory_space<hbm>> -> memref<1000000x16xf32, #tpu.memory_space<hbm>>
    tpu.enqueue_indirect_dma source(%dma_start3A_502 : memref<1000000x16xf32, #tpu.memory_space<hbm>>) target(%dma_start3A_497 : memref<128x16xf32, #tpu.memory_space<vmem>>) offsets(%dma_start3A_499 : memref<128xi32, #tpu.memory_space<vmem>>) semaphore(%arg20 : memref<!tpu.dma_semaphore, #tpu.memory_space<semaphore_mem>>)
    %dma_start3A_503 = arith.constant 128 : i32
    %dma_start3A_504 = arith.constant 0 : i32
    %dma_start3A_505 = tpu.memref_slice %arg11[%dma_start3A_503, %dma_start3A_504] : memref<208x16xf32, #tpu.memory_space<vmem>> -> memref<72x16xf32, #tpu.memory_space<vmem>>
    %dma_start3A_506 = arith.constant 1408 : i32
    %dma_start3A_507 = tpu.memref_slice %arg5[%dma_start3A_506] : memref<32768xi32, #tpu.memory_space<vmem>> -> memref<72xi32, #tpu.memory_space<vmem>>
    %dma_start3A_508 = arith.constant 0 : i32
    %dma_start3A_509 = arith.constant 0 : i32
    %dma_start3A_510 = tpu.memref_slice %arg3[%dma_start3A_508, %dma_start3A_509] : memref<1000000x16xf32, #tpu.memory_space<hbm>> -> memref<1000000x16xf32, #tpu.memory_space<hbm>>
    tpu.enqueue_indirect_dma source(%dma_start3A_510 : memref<1000000x16xf32, #tpu.memory_space<hbm>>) target(%dma_start3A_505 : memref<72x16xf32, #tpu.memory_space<vmem>>) offsets(%dma_start3A_507 : memref<72xi32, #tpu.memory_space<vmem>>) semaphore(%arg20 : memref<!tpu.dma_semaphore, #tpu.memory_space<semaphore_mem>>)
    %dma_start3A_511 = arith.constant 0 : i32
    %dma_start3A_512 = arith.constant 0 : i32
    %dma_start3A_513 = tpu.memref_slice %arg12[%dma_start3A_511, %dma_start3A_512] : memref<208x16xf32, #tpu.memory_space<vmem>> -> memref<128x16xf32, #tpu.memory_space<vmem>>
    %dma_start3A_514 = arith.constant 1536 : i32
    %dma_start3A_515 = tpu.memref_slice %arg5[%dma_start3A_514] : memref<32768xi32, #tpu.memory_space<vmem>> -> memref<128xi32, #tpu.memory_space<vmem>>
    %dma_start3A_516 = arith.constant 0 : i32
    %dma_start3A_517 = arith.constant 0 : i32
    %dma_start3A_518 = tpu.memref_slice %arg3[%dma_start3A_516, %dma_start3A_517] : memref<1000000x16xf32, #tpu.memory_space<hbm>> -> memref<1000000x16xf32, #tpu.memory_space<hbm>>
    tpu.enqueue_indirect_dma source(%dma_start3A_518 : memref<1000000x16xf32, #tpu.memory_space<hbm>>) target(%dma_start3A_513 : memref<128x16xf32, #tpu.memory_space<vmem>>) offsets(%dma_start3A_515 : memref<128xi32, #tpu.memory_space<vmem>>) semaphore(%arg21 : memref<!tpu.dma_semaphore, #tpu.memory_space<semaphore_mem>>)
    %dma_start3A_519 = arith.constant 128 : i32
    %dma_start3A_520 = arith.constant 0 : i32
    %dma_start3A_521 = tpu.memref_slice %arg12[%dma_start3A_519, %dma_start3A_520] : memref<208x16xf32, #tpu.memory_space<vmem>> -> memref<72x16xf32, #tpu.memory_space<vmem>>
    %dma_start3A_522 = arith.constant 1664 : i32
    %dma_start3A_523 = tpu.memref_slice %arg5[%dma_start3A_522] : memref<32768xi32, #tpu.memory_space<vmem>> -> memref<72xi32, #tpu.memory_space<vmem>>
    %dma_start3A_524 = arith.constant 0 : i32
    %dma_start3A_525 = arith.constant 0 : i32
    %dma_start3A_526 = tpu.memref_slice %arg3[%dma_start3A_524, %dma_start3A_525] : memref<1000000x16xf32, #tpu.memory_space<hbm>> -> memref<1000000x16xf32, #tpu.memory_space<hbm>>
    tpu.enqueue_indirect_dma source(%dma_start3A_526 : memref<1000000x16xf32, #tpu.memory_space<hbm>>) target(%dma_start3A_521 : memref<72x16xf32, #tpu.memory_space<vmem>>) offsets(%dma_start3A_523 : memref<72xi32, #tpu.memory_space<vmem>>) semaphore(%arg21 : memref<!tpu.dma_semaphore, #tpu.memory_space<semaphore_mem>>)
    %scan3A = arith.constant 0 : i32
    %scan3A_527 = arith.constant 0 : i32
    %scan3A_528 = arith.constant 16 : i32
    %scan3A_529 = arith.addi %scan3A_527, %scan3A_528 : i32
    %scan3A_530 = arith.constant 1 : i32
    %scan3A_531 = scf.for %scan3A_533 = %scan3A_527 to %scan3A_529 step %scan3A_530 iter_args(%scan3A_534 = %scan3A) -> (i32)  : i32 {
      %mul3A_535 = arith.constant 8 : i32
      %mul3A_536 = arith.muli %scan3A_533, %mul3A_535 : i32
      %add3A_537 = arith.constant 0 : i32
      %add3A_538 = arith.addi %mul3A_536, %add3A_537 : i32
      %add3A_539 = arith.constant 7 : i32
      %add3A_540 = arith.addi %add3A_538, %add3A_539 : i32
      %lt3A = arith.constant 128 : i32
      %lt3A_541 = arith.cmpi slt, %add3A_540, %lt3A : i32
      %convert_element_type3A = arith.extui %lt3A_541 : i1 to i32
      %cond3A = arith.constant 0 : i32
      %cond3A_542 = arith.cmpi ne, %convert_element_type3A, %cond3A : i32
      scf.if %cond3A_542 {
        %add3A_1027 = arith.constant 0 : i32
        %add3A_1028 = arith.addi %mul3A_536, %add3A_1027 : i32
        %add3A_1029 = arith.constant 7 : i32
        %add3A_1030 = arith.addi %add3A_1028, %add3A_1029 : i32
        %mul3A_1031 = arith.constant 256 : i32
        %mul3A_1032 = arith.muli %add3A_1030, %mul3A_1031 : i32
        %dma_start3A_1033 = arith.constant 0 : i32
        %dma_start3A_1034 = arith.constant 0 : i32
        %dma_start3A_1035 = tpu.memref_slice %arg13[%dma_start3A_1033, %dma_start3A_1034] : memref<208x16xf32, #tpu.memory_space<vmem>> -> memref<128x16xf32, #tpu.memory_space<vmem>>
        %dma_start3A_1036 = tpu.memref_slice %arg5[%mul3A_1032] : memref<32768xi32, #tpu.memory_space<vmem>> -> memref<128xi32, #tpu.memory_space<vmem>>
        %dma_start3A_1037 = arith.constant 0 : i32
        %dma_start3A_1038 = arith.constant 0 : i32
        %dma_start3A_1039 = tpu.memref_slice %arg3[%dma_start3A_1037, %dma_start3A_1038] : memref<1000000x16xf32, #tpu.memory_space<hbm>> -> memref<1000000x16xf32, #tpu.memory_space<hbm>>
        tpu.enqueue_indirect_dma source(%dma_start3A_1039 : memref<1000000x16xf32, #tpu.memory_space<hbm>>) target(%dma_start3A_1035 : memref<128x16xf32, #tpu.memory_space<vmem>>) offsets(%dma_start3A_1036 : memref<128xi32, #tpu.memory_space<vmem>>) semaphore(%arg22 : memref<!tpu.dma_semaphore, #tpu.memory_space<semaphore_mem>>)
        %add3A_1040 = arith.constant 128 : i32
        %add3A_1041 = arith.addi %mul3A_1032, %add3A_1040 : i32
        %dma_start3A_1042 = arith.constant 128 : i32
        %dma_start3A_1043 = arith.constant 0 : i32
        %dma_start3A_1044 = tpu.memref_slice %arg13[%dma_start3A_1042, %dma_start3A_1043] : memref<208x16xf32, #tpu.memory_space<vmem>> -> memref<72x16xf32, #tpu.memory_space<vmem>>
        %dma_start3A_1045 = tpu.memref_slice %arg5[%add3A_1041] : memref<32768xi32, #tpu.memory_space<vmem>> -> memref<72xi32, #tpu.memory_space<vmem>>
        %dma_start3A_1046 = arith.constant 0 : i32
        %dma_start3A_1047 = arith.constant 0 : i32
        %dma_start3A_1048 = tpu.memref_slice %arg3[%dma_start3A_1046, %dma_start3A_1047] : memref<1000000x16xf32, #tpu.memory_space<hbm>> -> memref<1000000x16xf32, #tpu.memory_space<hbm>>
        tpu.enqueue_indirect_dma source(%dma_start3A_1048 : memref<1000000x16xf32, #tpu.memory_space<hbm>>) target(%dma_start3A_1044 : memref<72x16xf32, #tpu.memory_space<vmem>>) offsets(%dma_start3A_1045 : memref<72xi32, #tpu.memory_space<vmem>>) semaphore(%arg22 : memref<!tpu.dma_semaphore, #tpu.memory_space<semaphore_mem>>)
      } else {
      }
      %add3A_543 = arith.constant 0 : i32
      %add3A_544 = arith.addi %mul3A_536, %add3A_543 : i32
      %mul3A_545 = arith.constant 256 : i32
      %mul3A_546 = arith.muli %add3A_544, %mul3A_545 : i32
      %dma_wait3A = arith.constant 0 : i32
      %dma_wait3A_547 = arith.constant 0 : i32
      %dma_wait3A_548 = tpu.memref_slice %arg6[%dma_wait3A, %dma_wait3A_547] : memref<208x16xf32, #tpu.memory_space<vmem>> -> memref<128x16xf32, #tpu.memory_space<vmem>>
      %dma_wait3A_549 = tpu.memref_slice %arg5[%mul3A_546] : memref<32768xi32, #tpu.memory_space<vmem>> -> memref<128xi32, #tpu.memory_space<vmem>>
      %dma_wait3A_550 = arith.constant 0 : i32
      %dma_wait3A_551 = arith.constant 0 : i32
      %dma_wait3A_552 = tpu.memref_slice %arg3[%dma_wait3A_550, %dma_wait3A_551] : memref<1000000x16xf32, #tpu.memory_space<hbm>> -> memref<1000000x16xf32, #tpu.memory_space<hbm>>
      tpu.wait_indirect_dma semaphore(%arg15 : memref<!tpu.dma_semaphore, #tpu.memory_space<semaphore_mem>>) src(%dma_wait3A_552 : memref<1000000x16xf32, #tpu.memory_space<hbm>>) dst(%dma_wait3A_548 : memref<128x16xf32, #tpu.memory_space<vmem>>)
      %add3A_553 = arith.constant 128 : i32
      %add3A_554 = arith.addi %mul3A_546, %add3A_553 : i32
      %dma_wait3A_555 = arith.constant 128 : i32
      %dma_wait3A_556 = arith.constant 0 : i32
      %dma_wait3A_557 = tpu.memref_slice %arg6[%dma_wait3A_555, %dma_wait3A_556] : memref<208x16xf32, #tpu.memory_space<vmem>> -> memref<72x16xf32, #tpu.memory_space<vmem>>
      %dma_wait3A_558 = tpu.memref_slice %arg5[%add3A_554] : memref<32768xi32, #tpu.memory_space<vmem>> -> memref<72xi32, #tpu.memory_space<vmem>>
      %dma_wait3A_559 = arith.constant 0 : i32
      %dma_wait3A_560 = arith.constant 0 : i32
      %dma_wait3A_561 = tpu.memref_slice %arg3[%dma_wait3A_559, %dma_wait3A_560] : memref<1000000x16xf32, #tpu.memory_space<hbm>> -> memref<1000000x16xf32, #tpu.memory_space<hbm>>
      tpu.wait_indirect_dma semaphore(%arg15 : memref<!tpu.dma_semaphore, #tpu.memory_space<semaphore_mem>>) src(%dma_wait3A_561 : memref<1000000x16xf32, #tpu.memory_space<hbm>>) dst(%dma_wait3A_557 : memref<72x16xf32, #tpu.memory_space<vmem>>)
      %add3A_562 = arith.constant 0 : i32
      %add3A_563 = arith.addi %mul3A_536, %add3A_562 : i32
      %mul3A_564 = arith.constant 256 : i32
      %mul3A_565 = arith.muli %add3A_563, %mul3A_564 : i32
      %broadcast_in_dim3A_566 = arith.constant 0.000000e+00 : f32
      %broadcast_in_dim3A_567 = vector.broadcast %broadcast_in_dim3A_566 : f32 to vector<16xf32>
      %scan3A_568 = arith.constant 0 : i32
      %scan3A_569 = arith.constant 13 : i32
      %scan3A_570 = arith.addi %scan3A_568, %scan3A_569 : i32
      %scan3A_571 = arith.constant 1 : i32
      %scan3A_572:2 = scf.for %scan3A_1027 = %scan3A_568 to %scan3A_570 step %scan3A_571 iter_args(%scan3A_1028 = %broadcast_in_dim3A_567, %scan3A_1029 = %broadcast_in_dim3A_567) -> (vector<16xf32>, vector<16xf32>)  : i32 {
        %mul3A_1030 = arith.constant 16 : i32
        %mul3A_1031 = arith.muli %scan3A_1027, %mul3A_1030 : i32
        %add3A_1032 = arith.constant 0 : i32
        %add3A_1033 = arith.addi %mul3A_1031, %add3A_1032 : i32
        %get3A = arith.index_cast %add3A_1033 : i32 to index
        %get3A_1034 = arith.constant 0 : index
        %get3A_1035 = tpu.vector_load %arg6[%get3A, %get3A_1034] {strides = array<i32>} : memref<208x16xf32, #tpu.memory_space<vmem>>, vector<1x16xf32>,
        %get3A_1036 = vector.shape_cast %get3A_1035 : vector<1x16xf32> to vector<16xf32>
        %add3A_1037 = arith.constant 0 : i32
        %add3A_1038 = arith.addi %mul3A_1031, %add3A_1037 : i32
        %add3A_1039 = arith.constant 1 : i32
        %add3A_1040 = arith.addi %add3A_1038, %add3A_1039 : i32
        %get3A_1041 = arith.index_cast %add3A_1040 : i32 to index
        %get3A_1042 = arith.constant 0 : index
        %get3A_1043 = tpu.vector_load %arg6[%get3A_1041, %get3A_1042] {strides = array<i32>} : memref<208x16xf32, #tpu.memory_space<vmem>>, vector<1x16xf32>,
        %get3A_1044 = vector.shape_cast %get3A_1043 : vector<1x16xf32> to vector<16xf32>
        %add3A_1045 = arith.addf %get3A_1036, %get3A_1044 : vector<16xf32>
        %add3A_1046 = arith.addf %scan3A_1028, %add3A_1045 : vector<16xf32>
        %add3A_1047 = arith.constant 2 : i32
        %add3A_1048 = arith.addi %mul3A_1031, %add3A_1047 : i32
        %get3A_1049 = arith.index_cast %add3A_1048 : i32 to index
        %get3A_1050 = arith.constant 0 : index
        %get3A_1051 = tpu.vector_load %arg6[%get3A_1049, %get3A_1050] {strides = array<i32>} : memref<208x16xf32, #tpu.memory_space<vmem>>, vector<1x16xf32>,
        %get3A_1052 = vector.shape_cast %get3A_1051 : vector<1x16xf32> to vector<16xf32>
        %add3A_1053 = arith.constant 2 : i32
        %add3A_1054 = arith.addi %mul3A_1031, %add3A_1053 : i32
        %add3A_1055 = arith.constant 1 : i32
        %add3A_1056 = arith.addi %add3A_1054, %add3A_1055 : i32
        %get3A_1057 = arith.index_cast %add3A_1056 : i32 to index
        %get3A_1058 = arith.constant 0 : index
        %get3A_1059 = tpu.vector_load %arg6[%get3A_1057, %get3A_1058] {strides = array<i32>} : memref<208x16xf32, #tpu.memory_space<vmem>>, vector<1x16xf32>,
        %get3A_1060 = vector.shape_cast %get3A_1059 : vector<1x16xf32> to vector<16xf32>
        %add3A_1061 = arith.addf %get3A_1052, %get3A_1060 : vector<16xf32>
        %add3A_1062 = arith.addf %add3A_1046, %add3A_1061 : vector<16xf32>
        %add3A_1063 = arith.constant 4 : i32
        %add3A_1064 = arith.addi %mul3A_1031, %add3A_1063 : i32
        %get3A_1065 = arith.index_cast %add3A_1064 : i32 to index
        %get3A_1066 = arith.constant 0 : index
        %get3A_1067 = tpu.vector_load %arg6[%get3A_1065, %get3A_1066] {strides = array<i32>} : memref<208x16xf32, #tpu.memory_space<vmem>>, vector<1x16xf32>,
        %get3A_1068 = vector.shape_cast %get3A_1067 : vector<1x16xf32> to vector<16xf32>
        %add3A_1069 = arith.constant 4 : i32
        %add3A_1070 = arith.addi %mul3A_1031, %add3A_1069 : i32
        %add3A_1071 = arith.constant 1 : i32
        %add3A_1072 = arith.addi %add3A_1070, %add3A_1071 : i32
        %get3A_1073 = arith.index_cast %add3A_1072 : i32 to index
        %get3A_1074 = arith.constant 0 : index
        %get3A_1075 = tpu.vector_load %arg6[%get3A_1073, %get3A_1074] {strides = array<i32>} : memref<208x16xf32, #tpu.memory_space<vmem>>, vector<1x16xf32>,
        %get3A_1076 = vector.shape_cast %get3A_1075 : vector<1x16xf32> to vector<16xf32>
        %add3A_1077 = arith.addf %get3A_1068, %get3A_1076 : vector<16xf32>
        %add3A_1078 = arith.addf %add3A_1062, %add3A_1077 : vector<16xf32>
        %add3A_1079 = arith.constant 6 : i32
        %add3A_1080 = arith.addi %mul3A_1031, %add3A_1079 : i32
        %get3A_1081 = arith.index_cast %add3A_1080 : i32 to index
        %get3A_1082 = arith.constant 0 : index
        %get3A_1083 = tpu.vector_load %arg6[%get3A_1081, %get3A_1082] {strides = array<i32>} : memref<208x16xf32, #tpu.memory_space<vmem>>, vector<1x16xf32>,
        %get3A_1084 = vector.shape_cast %get3A_1083 : vector<1x16xf32> to vector<16xf32>
        %add3A_1085 = arith.constant 6 : i32
        %add3A_1086 = arith.addi %mul3A_1031, %add3A_1085 : i32
        %add3A_1087 = arith.constant 1 : i32
        %add3A_1088 = arith.addi %add3A_1086, %add3A_1087 : i32
        %get3A_1089 = arith.index_cast %add3A_1088 : i32 to index
        %get3A_1090 = arith.constant 0 : index
        %get3A_1091 = tpu.vector_load %arg6[%get3A_1089, %get3A_1090] {strides = array<i32>} : memref<208x16xf32, #tpu.memory_space<vmem>>, vector<1x16xf32>,
        %get3A_1092 = vector.shape_cast %get3A_1091 : vector<1x16xf32> to vector<16xf32>
        %add3A_1093 = arith.addf %get3A_1084, %get3A_1092 : vector<16xf32>
        %add3A_1094 = arith.addf %add3A_1078, %add3A_1093 : vector<16xf32>
        %add3A_1095 = arith.constant 8 : i32
        %add3A_1096 = arith.addi %mul3A_1031, %add3A_1095 : i32
        %get3A_1097 = arith.index_cast %add3A_1096 : i32 to index
        %get3A_1098 = arith.constant 0 : index
        %get3A_1099 = tpu.vector_load %arg6[%get3A_1097, %get3A_1098] {strides = array<i32>} : memref<208x16xf32, #tpu.memory_space<vmem>>, vector<1x16xf32>,
        %get3A_1100 = vector.shape_cast %get3A_1099 : vector<1x16xf32> to vector<16xf32>
        %add3A_1101 = arith.constant 8 : i32
        %add3A_1102 = arith.addi %mul3A_1031, %add3A_1101 : i32
        %add3A_1103 = arith.constant 1 : i32
        %add3A_1104 = arith.addi %add3A_1102, %add3A_1103 : i32
        %get3A_1105 = arith.index_cast %add3A_1104 : i32 to index
        %get3A_1106 = arith.constant 0 : index
        %get3A_1107 = tpu.vector_load %arg6[%get3A_1105, %get3A_1106] {strides = array<i32>} : memref<208x16xf32, #tpu.memory_space<vmem>>, vector<1x16xf32>,
        %get3A_1108 = vector.shape_cast %get3A_1107 : vector<1x16xf32> to vector<16xf32>
        %add3A_1109 = arith.addf %get3A_1100, %get3A_1108 : vector<16xf32>
        %add3A_1110 = arith.addf %add3A_1094, %add3A_1109 : vector<16xf32>
        %add3A_1111 = arith.constant 10 : i32
        %add3A_1112 = arith.addi %mul3A_1031, %add3A_1111 : i32
        %get3A_1113 = arith.index_cast %add3A_1112 : i32 to index
        %get3A_1114 = arith.constant 0 : index
        %get3A_1115 = tpu.vector_load %arg6[%get3A_1113, %get3A_1114] {strides = array<i32>} : memref<208x16xf32, #tpu.memory_space<vmem>>, vector<1x16xf32>,
        %get3A_1116 = vector.shape_cast %get3A_1115 : vector<1x16xf32> to vector<16xf32>
        %add3A_1117 = arith.constant 10 : i32
        %add3A_1118 = arith.addi %mul3A_1031, %add3A_1117 : i32
        %add3A_1119 = arith.constant 1 : i32
        %add3A_1120 = arith.addi %add3A_1118, %add3A_1119 : i32
        %get3A_1121 = arith.index_cast %add3A_1120 : i32 to index
        %get3A_1122 = arith.constant 0 : index
        %get3A_1123 = tpu.vector_load %arg6[%get3A_1121, %get3A_1122] {strides = array<i32>} : memref<208x16xf32, #tpu.memory_space<vmem>>, vector<1x16xf32>,
        %get3A_1124 = vector.shape_cast %get3A_1123 : vector<1x16xf32> to vector<16xf32>
        %add3A_1125 = arith.addf %get3A_1116, %get3A_1124 : vector<16xf32>
        %add3A_1126 = arith.addf %add3A_1110, %add3A_1125 : vector<16xf32>
        %add3A_1127 = arith.constant 12 : i32
        %add3A_1128 = arith.addi %mul3A_1031, %add3A_1127 : i32
        %get3A_1129 = arith.index_cast %add3A_1128 : i32 to index
        %get3A_1130 = arith.constant 0 : index
        %get3A_1131 = tpu.vector_load %arg6[%get3A_1129, %get3A_1130] {strides = array<i32>} : memref<208x16xf32, #tpu.memory_space<vmem>>, vector<1x16xf32>,
        %get3A_1132 = vector.shape_cast %get3A_1131 : vector<1x16xf32> to vector<16xf32>
        %add3A_1133 = arith.constant 12 : i32
        %add3A_1134 = arith.addi %mul3A_1031, %add3A_1133 : i32
        %add3A_1135 = arith.constant 1 : i32
        %add3A_1136 = arith.addi %add3A_1134, %add3A_1135 : i32
        %get3A_1137 = arith.index_cast %add3A_1136 : i32 to index
        %get3A_1138 = arith.constant 0 : index
        %get3A_1139 = tpu.vector_load %arg6[%get3A_1137, %get3A_1138] {strides = array<i32>} : memref<208x16xf32, #tpu.memory_space<vmem>>, vector<1x16xf32>,
        %get3A_1140 = vector.shape_cast %get3A_1139 : vector<1x16xf32> to vector<16xf32>
        %add3A_1141 = arith.addf %get3A_1132, %get3A_1140 : vector<16xf32>
        %add3A_1142 = arith.addf %add3A_1126, %add3A_1141 : vector<16xf32>
        %add3A_1143 = arith.constant 14 : i32
        %add3A_1144 = arith.addi %mul3A_1031, %add3A_1143 : i32
        %get3A_1145 = arith.index_cast %add3A_1144 : i32 to index
        %get3A_1146 = arith.constant 0 : index
        %get3A_1147 = tpu.vector_load %arg6[%get3A_1145, %get3A_1146] {strides = array<i32>} : memref<208x16xf32, #tpu.memory_space<vmem>>, vector<1x16xf32>,
        %get3A_1148 = vector.shape_cast %get3A_1147 : vector<1x16xf32> to vector<16xf32>
        %add3A_1149 = arith.constant 14 : i32
        %add3A_1150 = arith.addi %mul3A_1031, %add3A_1149 : i32
        %add3A_1151 = arith.constant 1 : i32
        %add3A_1152 = arith.addi %add3A_1150, %add3A_1151 : i32
        %get3A_1153 = arith.index_cast %add3A_1152 : i32 to index
        %get3A_1154 = arith.constant 0 : index
        %get3A_1155 = tpu.vector_load %arg6[%get3A_1153, %get3A_1154] {strides = array<i32>} : memref<208x16xf32, #tpu.memory_space<vmem>>, vector<1x16xf32>,
        %get3A_1156 = vector.shape_cast %get3A_1155 : vector<1x16xf32> to vector<16xf32>
        %add3A_1157 = arith.addf %get3A_1148, %get3A_1156 : vector<16xf32>
        %add3A_1158 = arith.addf %add3A_1142, %add3A_1157 : vector<16xf32>
        %add3A_1159 = arith.addi %mul3A_565, %mul3A_1031 : i32
        %get3A_1160 = arith.index_cast %add3A_1159 : i32 to index
        %get3A_1161 = tpu.vector_load %arg5[%get3A_1160] {strides = array<i32>} : memref<32768xi32, #tpu.memory_space<vmem>>, vector<16xi32>,
        %get3A_1162 = vector.shape_cast %get3A_1161 : vector<16xi32> to vector<16xi32>
        %ne3A = arith.constant 0 : i32
        %ne3A_1163 = vector.broadcast %ne3A : i32 to vector<16xi32>
        %ne3A_1164 = arith.cmpi ne, %get3A_1162, %ne3A_1163 : vector<16xi32>
        %jit3A = arith.constant 1.000000e+00 : f32
        %jit3A_1165 = arith.constant 0.000000e+00 : f32
        %broadcast_in_dim3A_1166 = vector.broadcast %jit3A : f32 to vector<16xf32>
        %broadcast_in_dim3A_1167 = vector.broadcast %jit3A_1165 : f32 to vector<16xf32>
        %select_n3A = arith.select %ne3A_1164, %broadcast_in_dim3A_1166, %broadcast_in_dim3A_1167 : vector<16xi1>, vector<16xf32>
        %add3A_1168 = arith.addf %scan3A_1029, %select_n3A : vector<16xf32>
        scf.yield %add3A_1158, %add3A_1168 : vector<16xf32>, vector<16xf32>
      }
      %scan3A_573 = arith.constant 13 : i32
      %gather3A = vector.shape_cast %broadcast_in_dim3A_394 : vector<16x1xi32> to vector<16xi32>
      %gather3A_574 = tpu.dynamic_gather %scan3A_572#1[%gather3A] in [0] : vector<16xf32>, vector<16xi32> -> vector<16xf32>
      %add3A_575 = arith.addf %scan3A_572#1, %gather3A_574 : vector<16xf32>
      %gather3A_576 = vector.shape_cast %broadcast_in_dim3A_401 : vector<16x1xi32> to vector<16xi32>
      %gather3A_577 = tpu.dynamic_gather %add3A_575[%gather3A_576] in [0] : vector<16xf32>, vector<16xi32> -> vector<16xf32>
      %add3A_578 = arith.addf %add3A_575, %gather3A_577 : vector<16xf32>
      %gather3A_579 = vector.shape_cast %broadcast_in_dim3A_408 : vector<16x1xi32> to vector<16xi32>
      %gather3A_580 = tpu.dynamic_gather %add3A_578[%gather3A_579] in [0] : vector<16xf32>, vector<16xi32> -> vector<16xf32>
      %add3A_581 = arith.addf %add3A_578, %gather3A_580 : vector<16xf32>
      %gather3A_582 = vector.shape_cast %broadcast_in_dim3A_415 : vector<16x1xi32> to vector<16xi32>
      %gather3A_583 = tpu.dynamic_gather %add3A_581[%gather3A_582] in [0] : vector<16xf32>, vector<16xi32> -> vector<16xf32>
      %add3A_584 = arith.addf %add3A_581, %gather3A_583 : vector<16xf32>
      %max3A = arith.constant 1.000000e+00 : f32
      %max3A_585 = vector.broadcast %max3A : f32 to vector<16xf32>
      %max3A_586 = arith.maximumf %add3A_584, %max3A_585 : vector<16xf32>
      %div3A = arith.divf %scan3A_572#0, %max3A_586 : vector<16xf32>
      %swap3A_587 = arith.index_cast %add3A_563 : i32 to index
      %swap3A_588 = arith.constant 0 : index
      %swap3A_589 = tpu.vector_load %arg14[%swap3A_587, %swap3A_588] {strides = array<i32>} : memref<128x16xf32, #tpu.memory_space<vmem>>, vector<1x16xf32>,
      %swap3A_590 = vector.shape_cast %swap3A_589 : vector<1x16xf32> to vector<16xf32>
      %swap3A_591 = vector.shape_cast %div3A : vector<16xf32> to vector<1x16xf32>
      tpu.vector_store %arg14[%swap3A_587, %swap3A_588], %swap3A_591 {strides = array<i32>} : memref<128x16xf32, #tpu.memory_space<vmem>>, vector<1x16xf32>,
      %add3A_592 = arith.constant 1 : i32
      %add3A_593 = arith.addi %mul3A_536, %add3A_592 : i32
      %add3A_594 = arith.constant 7 : i32
      %add3A_595 = arith.addi %add3A_593, %add3A_594 : i32
      %lt3A_596 = arith.constant 128 : i32
      %lt3A_597 = arith.cmpi slt, %add3A_595, %lt3A_596 : i32
      %convert_element_type3A_598 = arith.extui %lt3A_597 : i1 to i32
      %cond3A_599 = arith.constant 0 : i32
      %cond3A_600 = arith.cmpi ne, %convert_element_type3A_598, %cond3A_599 : i32
      scf.if %cond3A_600 {
        %add3A_1027 = arith.constant 1 : i32
        %add3A_1028 = arith.addi %mul3A_536, %add3A_1027 : i32
        %add3A_1029 = arith.constant 7 : i32
        %add3A_1030 = arith.addi %add3A_1028, %add3A_1029 : i32
        %mul3A_1031 = arith.constant 256 : i32
        %mul3A_1032 = arith.muli %add3A_1030, %mul3A_1031 : i32
        %dma_start3A_1033 = arith.constant 0 : i32
        %dma_start3A_1034 = arith.constant 0 : i32
        %dma_start3A_1035 = tpu.memref_slice %arg6[%dma_start3A_1033, %dma_start3A_1034] : memref<208x16xf32, #tpu.memory_space<vmem>> -> memref<128x16xf32, #tpu.memory_space<vmem>>
        %dma_start3A_1036 = tpu.memref_slice %arg5[%mul3A_1032] : memref<32768xi32, #tpu.memory_space<vmem>> -> memref<128xi32, #tpu.memory_space<vmem>>
        %dma_start3A_1037 = arith.constant 0 : i32
        %dma_start3A_1038 = arith.constant 0 : i32
        %dma_start3A_1039 = tpu.memref_slice %arg3[%dma_start3A_1037, %dma_start3A_1038] : memref<1000000x16xf32, #tpu.memory_space<hbm>> -> memref<1000000x16xf32, #tpu.memory_space<hbm>>
        tpu.enqueue_indirect_dma source(%dma_start3A_1039 : memref<1000000x16xf32, #tpu.memory_space<hbm>>) target(%dma_start3A_1035 : memref<128x16xf32, #tpu.memory_space<vmem>>) offsets(%dma_start3A_1036 : memref<128xi32, #tpu.memory_space<vmem>>) semaphore(%arg15 : memref<!tpu.dma_semaphore, #tpu.memory_space<semaphore_mem>>)
        %add3A_1040 = arith.constant 128 : i32
        %add3A_1041 = arith.addi %mul3A_1032, %add3A_1040 : i32
        %dma_start3A_1042 = arith.constant 128 : i32
        %dma_start3A_1043 = arith.constant 0 : i32
        %dma_start3A_1044 = tpu.memref_slice %arg6[%dma_start3A_1042, %dma_start3A_1043] : memref<208x16xf32, #tpu.memory_space<vmem>> -> memref<72x16xf32, #tpu.memory_space<vmem>>
        %dma_start3A_1045 = tpu.memref_slice %arg5[%add3A_1041] : memref<32768xi32, #tpu.memory_space<vmem>> -> memref<72xi32, #tpu.memory_space<vmem>>
        %dma_start3A_1046 = arith.constant 0 : i32
        %dma_start3A_1047 = arith.constant 0 : i32
        %dma_start3A_1048 = tpu.memref_slice %arg3[%dma_start3A_1046, %dma_start3A_1047] : memref<1000000x16xf32, #tpu.memory_space<hbm>> -> memref<1000000x16xf32, #tpu.memory_space<hbm>>
        tpu.enqueue_indirect_dma source(%dma_start3A_1048 : memref<1000000x16xf32, #tpu.memory_space<hbm>>) target(%dma_start3A_1044 : memref<72x16xf32, #tpu.memory_space<vmem>>) offsets(%dma_start3A_1045 : memref<72xi32, #tpu.memory_space<vmem>>) semaphore(%arg15 : memref<!tpu.dma_semaphore, #tpu.memory_space<semaphore_mem>>)
      } else {
      }
      %add3A_601 = arith.constant 1 : i32
      %add3A_602 = arith.addi %mul3A_536, %add3A_601 : i32
      %mul3A_603 = arith.constant 256 : i32
      %mul3A_604 = arith.muli %add3A_602, %mul3A_603 : i32
      %dma_wait3A_605 = arith.constant 0 : i32
      %dma_wait3A_606 = arith.constant 0 : i32
      %dma_wait3A_607 = tpu.memref_slice %arg7[%dma_wait3A_605, %dma_wait3A_606] : memref<208x16xf32, #tpu.memory_space<vmem>> -> memref<128x16xf32, #tpu.memory_space<vmem>>
      %dma_wait3A_608 = tpu.memref_slice %arg5[%mul3A_604] : memref<32768xi32, #tpu.memory_space<vmem>> -> memref<128xi32, #tpu.memory_space<vmem>>
      %dma_wait3A_609 = arith.constant 0 : i32
      %dma_wait3A_610 = arith.constant 0 : i32
      %dma_wait3A_611 = tpu.memref_slice %arg3[%dma_wait3A_609, %dma_wait3A_610] : memref<1000000x16xf32, #tpu.memory_space<hbm>> -> memref<1000000x16xf32, #tpu.memory_space<hbm>>
      tpu.wait_indirect_dma semaphore(%arg16 : memref<!tpu.dma_semaphore, #tpu.memory_space<semaphore_mem>>) src(%dma_wait3A_611 : memref<1000000x16xf32, #tpu.memory_space<hbm>>) dst(%dma_wait3A_607 : memref<128x16xf32, #tpu.memory_space<vmem>>)
      %add3A_612 = arith.constant 128 : i32
      %add3A_613 = arith.addi %mul3A_604, %add3A_612 : i32
      %dma_wait3A_614 = arith.constant 128 : i32
      %dma_wait3A_615 = arith.constant 0 : i32
      %dma_wait3A_616 = tpu.memref_slice %arg7[%dma_wait3A_614, %dma_wait3A_615] : memref<208x16xf32, #tpu.memory_space<vmem>> -> memref<72x16xf32, #tpu.memory_space<vmem>>
      %dma_wait3A_617 = tpu.memref_slice %arg5[%add3A_613] : memref<32768xi32, #tpu.memory_space<vmem>> -> memref<72xi32, #tpu.memory_space<vmem>>
      %dma_wait3A_618 = arith.constant 0 : i32
      %dma_wait3A_619 = arith.constant 0 : i32
      %dma_wait3A_620 = tpu.memref_slice %arg3[%dma_wait3A_618, %dma_wait3A_619] : memref<1000000x16xf32, #tpu.memory_space<hbm>> -> memref<1000000x16xf32, #tpu.memory_space<hbm>>
      tpu.wait_indirect_dma semaphore(%arg16 : memref<!tpu.dma_semaphore, #tpu.memory_space<semaphore_mem>>) src(%dma_wait3A_620 : memref<1000000x16xf32, #tpu.memory_space<hbm>>) dst(%dma_wait3A_616 : memref<72x16xf32, #tpu.memory_space<vmem>>)
      %add3A_621 = arith.constant 1 : i32
      %add3A_622 = arith.addi %mul3A_536, %add3A_621 : i32
      %mul3A_623 = arith.constant 256 : i32
      %mul3A_624 = arith.muli %add3A_622, %mul3A_623 : i32
      %broadcast_in_dim3A_625 = arith.constant 0.000000e+00 : f32
      %broadcast_in_dim3A_626 = vector.broadcast %broadcast_in_dim3A_625 : f32 to vector<16xf32>
      %scan3A_627 = arith.constant 0 : i32
      %scan3A_628 = arith.constant 13 : i32
      %scan3A_629 = arith.addi %scan3A_627, %scan3A_628 : i32
      %scan3A_630 = arith.constant 1 : i32
      %scan3A_631:2 = scf.for %scan3A_1027 = %scan3A_627 to %scan3A_629 step %scan3A_630 iter_args(%scan3A_1028 = %broadcast_in_dim3A_626, %scan3A_1029 = %broadcast_in_dim3A_626) -> (vector<16xf32>, vector<16xf32>)  : i32 {
        %mul3A_1030 = arith.constant 16 : i32
        %mul3A_1031 = arith.muli %scan3A_1027, %mul3A_1030 : i32
        %add3A_1032 = arith.constant 0 : i32
        %add3A_1033 = arith.addi %mul3A_1031, %add3A_1032 : i32
        %get3A = arith.index_cast %add3A_1033 : i32 to index
        %get3A_1034 = arith.constant 0 : index
        %get3A_1035 = tpu.vector_load %arg7[%get3A, %get3A_1034] {strides = array<i32>} : memref<208x16xf32, #tpu.memory_space<vmem>>, vector<1x16xf32>,
        %get3A_1036 = vector.shape_cast %get3A_1035 : vector<1x16xf32> to vector<16xf32>
        %add3A_1037 = arith.constant 0 : i32
        %add3A_1038 = arith.addi %mul3A_1031, %add3A_1037 : i32
        %add3A_1039 = arith.constant 1 : i32
        %add3A_1040 = arith.addi %add3A_1038, %add3A_1039 : i32
        %get3A_1041 = arith.index_cast %add3A_1040 : i32 to index
        %get3A_1042 = arith.constant 0 : index
        %get3A_1043 = tpu.vector_load %arg7[%get3A_1041, %get3A_1042] {strides = array<i32>} : memref<208x16xf32, #tpu.memory_space<vmem>>, vector<1x16xf32>,
        %get3A_1044 = vector.shape_cast %get3A_1043 : vector<1x16xf32> to vector<16xf32>
        %add3A_1045 = arith.addf %get3A_1036, %get3A_1044 : vector<16xf32>
        %add3A_1046 = arith.addf %scan3A_1028, %add3A_1045 : vector<16xf32>
        %add3A_1047 = arith.constant 2 : i32
        %add3A_1048 = arith.addi %mul3A_1031, %add3A_1047 : i32
        %get3A_1049 = arith.index_cast %add3A_1048 : i32 to index
        %get3A_1050 = arith.constant 0 : index
        %get3A_1051 = tpu.vector_load %arg7[%get3A_1049, %get3A_1050] {strides = array<i32>} : memref<208x16xf32, #tpu.memory_space<vmem>>, vector<1x16xf32>,
        %get3A_1052 = vector.shape_cast %get3A_1051 : vector<1x16xf32> to vector<16xf32>
        %add3A_1053 = arith.constant 2 : i32
        %add3A_1054 = arith.addi %mul3A_1031, %add3A_1053 : i32
        %add3A_1055 = arith.constant 1 : i32
        %add3A_1056 = arith.addi %add3A_1054, %add3A_1055 : i32
        %get3A_1057 = arith.index_cast %add3A_1056 : i32 to index
        %get3A_1058 = arith.constant 0 : index
        %get3A_1059 = tpu.vector_load %arg7[%get3A_1057, %get3A_1058] {strides = array<i32>} : memref<208x16xf32, #tpu.memory_space<vmem>>, vector<1x16xf32>,
        %get3A_1060 = vector.shape_cast %get3A_1059 : vector<1x16xf32> to vector<16xf32>
        %add3A_1061 = arith.addf %get3A_1052, %get3A_1060 : vector<16xf32>
        %add3A_1062 = arith.addf %add3A_1046, %add3A_1061 : vector<16xf32>
        %add3A_1063 = arith.constant 4 : i32
        %add3A_1064 = arith.addi %mul3A_1031, %add3A_1063 : i32
        %get3A_1065 = arith.index_cast %add3A_1064 : i32 to index
        %get3A_1066 = arith.constant 0 : index
        %get3A_1067 = tpu.vector_load %arg7[%get3A_1065, %get3A_1066] {strides = array<i32>} : memref<208x16xf32, #tpu.memory_space<vmem>>, vector<1x16xf32>,
        %get3A_1068 = vector.shape_cast %get3A_1067 : vector<1x16xf32> to vector<16xf32>
        %add3A_1069 = arith.constant 4 : i32
        %add3A_1070 = arith.addi %mul3A_1031, %add3A_1069 : i32
        %add3A_1071 = arith.constant 1 : i32
        %add3A_1072 = arith.addi %add3A_1070, %add3A_1071 : i32
        %get3A_1073 = arith.index_cast %add3A_1072 : i32 to index
        %get3A_1074 = arith.constant 0 : index
        %get3A_1075 = tpu.vector_load %arg7[%get3A_1073, %get3A_1074] {strides = array<i32>} : memref<208x16xf32, #tpu.memory_space<vmem>>, vector<1x16xf32>,
        %get3A_1076 = vector.shape_cast %get3A_1075 : vector<1x16xf32> to vector<16xf32>
        %add3A_1077 = arith.addf %get3A_1068, %get3A_1076 : vector<16xf32>
        %add3A_1078 = arith.addf %add3A_1062, %add3A_1077 : vector<16xf32>
        %add3A_1079 = arith.constant 6 : i32
        %add3A_1080 = arith.addi %mul3A_1031, %add3A_1079 : i32
        %get3A_1081 = arith.index_cast %add3A_1080 : i32 to index
        %get3A_1082 = arith.constant 0 : index
        %get3A_1083 = tpu.vector_load %arg7[%get3A_1081, %get3A_1082] {strides = array<i32>} : memref<208x16xf32, #tpu.memory_space<vmem>>, vector<1x16xf32>,
        %get3A_1084 = vector.shape_cast %get3A_1083 : vector<1x16xf32> to vector<16xf32>
        %add3A_1085 = arith.constant 6 : i32
        %add3A_1086 = arith.addi %mul3A_1031, %add3A_1085 : i32
        %add3A_1087 = arith.constant 1 : i32
        %add3A_1088 = arith.addi %add3A_1086, %add3A_1087 : i32
        %get3A_1089 = arith.index_cast %add3A_1088 : i32 to index
        %get3A_1090 = arith.constant 0 : index
        %get3A_1091 = tpu.vector_load %arg7[%get3A_1089, %get3A_1090] {strides = array<i32>} : memref<208x16xf32, #tpu.memory_space<vmem>>, vector<1x16xf32>,
        %get3A_1092 = vector.shape_cast %get3A_1091 : vector<1x16xf32> to vector<16xf32>
        %add3A_1093 = arith.addf %get3A_1084, %get3A_1092 : vector<16xf32>
        %add3A_1094 = arith.addf %add3A_1078, %add3A_1093 : vector<16xf32>
        %add3A_1095 = arith.constant 8 : i32
        %add3A_1096 = arith.addi %mul3A_1031, %add3A_1095 : i32
        %get3A_1097 = arith.index_cast %add3A_1096 : i32 to index
        %get3A_1098 = arith.constant 0 : index
        %get3A_1099 = tpu.vector_load %arg7[%get3A_1097, %get3A_1098] {strides = array<i32>} : memref<208x16xf32, #tpu.memory_space<vmem>>, vector<1x16xf32>,
        %get3A_1100 = vector.shape_cast %get3A_1099 : vector<1x16xf32> to vector<16xf32>
        %add3A_1101 = arith.constant 8 : i32
        %add3A_1102 = arith.addi %mul3A_1031, %add3A_1101 : i32
        %add3A_1103 = arith.constant 1 : i32
        %add3A_1104 = arith.addi %add3A_1102, %add3A_1103 : i32
        %get3A_1105 = arith.index_cast %add3A_1104 : i32 to index
        %get3A_1106 = arith.constant 0 : index
        %get3A_1107 = tpu.vector_load %arg7[%get3A_1105, %get3A_1106] {strides = array<i32>} : memref<208x16xf32, #tpu.memory_space<vmem>>, vector<1x16xf32>,
        %get3A_1108 = vector.shape_cast %get3A_1107 : vector<1x16xf32> to vector<16xf32>
        %add3A_1109 = arith.addf %get3A_1100, %get3A_1108 : vector<16xf32>
        %add3A_1110 = arith.addf %add3A_1094, %add3A_1109 : vector<16xf32>
        %add3A_1111 = arith.constant 10 : i32
        %add3A_1112 = arith.addi %mul3A_1031, %add3A_1111 : i32
        %get3A_1113 = arith.index_cast %add3A_1112 : i32 to index
        %get3A_1114 = arith.constant 0 : index
        %get3A_1115 = tpu.vector_load %arg7[%get3A_1113, %get3A_1114] {strides = array<i32>} : memref<208x16xf32, #tpu.memory_space<vmem>>, vector<1x16xf32>,
        %get3A_1116 = vector.shape_cast %get3A_1115 : vector<1x16xf32> to vector<16xf32>
        %add3A_1117 = arith.constant 10 : i32
        %add3A_1118 = arith.addi %mul3A_1031, %add3A_1117 : i32
        %add3A_1119 = arith.constant 1 : i32
        %add3A_1120 = arith.addi %add3A_1118, %add3A_1119 : i32
        %get3A_1121 = arith.index_cast %add3A_1120 : i32 to index
        %get3A_1122 = arith.constant 0 : index
        %get3A_1123 = tpu.vector_load %arg7[%get3A_1121, %get3A_1122] {strides = array<i32>} : memref<208x16xf32, #tpu.memory_space<vmem>>, vector<1x16xf32>,
        %get3A_1124 = vector.shape_cast %get3A_1123 : vector<1x16xf32> to vector<16xf32>
        %add3A_1125 = arith.addf %get3A_1116, %get3A_1124 : vector<16xf32>
        %add3A_1126 = arith.addf %add3A_1110, %add3A_1125 : vector<16xf32>
        %add3A_1127 = arith.constant 12 : i32
        %add3A_1128 = arith.addi %mul3A_1031, %add3A_1127 : i32
        %get3A_1129 = arith.index_cast %add3A_1128 : i32 to index
        %get3A_1130 = arith.constant 0 : index
        %get3A_1131 = tpu.vector_load %arg7[%get3A_1129, %get3A_1130] {strides = array<i32>} : memref<208x16xf32, #tpu.memory_space<vmem>>, vector<1x16xf32>,
        %get3A_1132 = vector.shape_cast %get3A_1131 : vector<1x16xf32> to vector<16xf32>
        %add3A_1133 = arith.constant 12 : i32
        %add3A_1134 = arith.addi %mul3A_1031, %add3A_1133 : i32
        %add3A_1135 = arith.constant 1 : i32
        %add3A_1136 = arith.addi %add3A_1134, %add3A_1135 : i32
        %get3A_1137 = arith.index_cast %add3A_1136 : i32 to index
        %get3A_1138 = arith.constant 0 : index
        %get3A_1139 = tpu.vector_load %arg7[%get3A_1137, %get3A_1138] {strides = array<i32>} : memref<208x16xf32, #tpu.memory_space<vmem>>, vector<1x16xf32>,
        %get3A_1140 = vector.shape_cast %get3A_1139 : vector<1x16xf32> to vector<16xf32>
        %add3A_1141 = arith.addf %get3A_1132, %get3A_1140 : vector<16xf32>
        %add3A_1142 = arith.addf %add3A_1126, %add3A_1141 : vector<16xf32>
        %add3A_1143 = arith.constant 14 : i32
        %add3A_1144 = arith.addi %mul3A_1031, %add3A_1143 : i32
        %get3A_1145 = arith.index_cast %add3A_1144 : i32 to index
        %get3A_1146 = arith.constant 0 : index
        %get3A_1147 = tpu.vector_load %arg7[%get3A_1145, %get3A_1146] {strides = array<i32>} : memref<208x16xf32, #tpu.memory_space<vmem>>, vector<1x16xf32>,
        %get3A_1148 = vector.shape_cast %get3A_1147 : vector<1x16xf32> to vector<16xf32>
        %add3A_1149 = arith.constant 14 : i32
        %add3A_1150 = arith.addi %mul3A_1031, %add3A_1149 : i32
        %add3A_1151 = arith.constant 1 : i32
        %add3A_1152 = arith.addi %add3A_1150, %add3A_1151 : i32
        %get3A_1153 = arith.index_cast %add3A_1152 : i32 to index
        %get3A_1154 = arith.constant 0 : index
        %get3A_1155 = tpu.vector_load %arg7[%get3A_1153, %get3A_1154] {strides = array<i32>} : memref<208x16xf32, #tpu.memory_space<vmem>>, vector<1x16xf32>,
        %get3A_1156 = vector.shape_cast %get3A_1155 : vector<1x16xf32> to vector<16xf32>
        %add3A_1157 = arith.addf %get3A_1148, %get3A_1156 : vector<16xf32>
        %add3A_1158 = arith.addf %add3A_1142, %add3A_1157 : vector<16xf32>
        %add3A_1159 = arith.addi %mul3A_624, %mul3A_1031 : i32
        %get3A_1160 = arith.index_cast %add3A_1159 : i32 to index
        %get3A_1161 = tpu.vector_load %arg5[%get3A_1160] {strides = array<i32>} : memref<32768xi32, #tpu.memory_space<vmem>>, vector<16xi32>,
        %get3A_1162 = vector.shape_cast %get3A_1161 : vector<16xi32> to vector<16xi32>
        %ne3A = arith.constant 0 : i32
        %ne3A_1163 = vector.broadcast %ne3A : i32 to vector<16xi32>
        %ne3A_1164 = arith.cmpi ne, %get3A_1162, %ne3A_1163 : vector<16xi32>
        %jit3A = arith.constant 1.000000e+00 : f32
        %jit3A_1165 = arith.constant 0.000000e+00 : f32
        %broadcast_in_dim3A_1166 = vector.broadcast %jit3A : f32 to vector<16xf32>
        %broadcast_in_dim3A_1167 = vector.broadcast %jit3A_1165 : f32 to vector<16xf32>
        %select_n3A = arith.select %ne3A_1164, %broadcast_in_dim3A_1166, %broadcast_in_dim3A_1167 : vector<16xi1>, vector<16xf32>
        %add3A_1168 = arith.addf %scan3A_1029, %select_n3A : vector<16xf32>
        scf.yield %add3A_1158, %add3A_1168 : vector<16xf32>, vector<16xf32>
      }
      %scan3A_632 = arith.constant 13 : i32
      %gather3A_633 = vector.shape_cast %broadcast_in_dim3A_394 : vector<16x1xi32> to vector<16xi32>
      %gather3A_634 = tpu.dynamic_gather %scan3A_631#1[%gather3A_633] in [0] : vector<16xf32>, vector<16xi32> -> vector<16xf32>
      %add3A_635 = arith.addf %scan3A_631#1, %gather3A_634 : vector<16xf32>
      %gather3A_636 = vector.shape_cast %broadcast_in_dim3A_401 : vector<16x1xi32> to vector<16xi32>
      %gather3A_637 = tpu.dynamic_gather %add3A_635[%gather3A_636] in [0] : vector<16xf32>, vector<16xi32> -> vector<16xf32>
      %add3A_638 = arith.addf %add3A_635, %gather3A_637 : vector<16xf32>
      %gather3A_639 = vector.shape_cast %broadcast_in_dim3A_408 : vector<16x1xi32> to vector<16xi32>
      %gather3A_640 = tpu.dynamic_gather %add3A_638[%gather3A_639] in [0] : vector<16xf32>, vector<16xi32> -> vector<16xf32>
      %add3A_641 = arith.addf %add3A_638, %gather3A_640 : vector<16xf32>
      %gather3A_642 = vector.shape_cast %broadcast_in_dim3A_415 : vector<16x1xi32> to vector<16xi32>
      %gather3A_643 = tpu.dynamic_gather %add3A_641[%gather3A_642] in [0] : vector<16xf32>, vector<16xi32> -> vector<16xf32>
      %add3A_644 = arith.addf %add3A_641, %gather3A_643 : vector<16xf32>
      %max3A_645 = arith.constant 1.000000e+00 : f32
      %max3A_646 = vector.broadcast %max3A_645 : f32 to vector<16xf32>
      %max3A_647 = arith.maximumf %add3A_644, %max3A_646 : vector<16xf32>
      %div3A_648 = arith.divf %scan3A_631#0, %max3A_647 : vector<16xf32>
      %swap3A_649 = arith.index_cast %add3A_622 : i32 to index
      %swap3A_650 = arith.constant 0 : index
      %swap3A_651 = tpu.vector_load %arg14[%swap3A_649, %swap3A_650] {strides = array<i32>} : memref<128x16xf32, #tpu.memory_space<vmem>>, vector<1x16xf32>,
      %swap3A_652 = vector.shape_cast %swap3A_651 : vector<1x16xf32> to vector<16xf32>
      %swap3A_653 = vector.shape_cast %div3A_648 : vector<16xf32> to vector<1x16xf32>
      tpu.vector_store %arg14[%swap3A_649, %swap3A_650], %swap3A_653 {strides = array<i32>} : memref<128x16xf32, #tpu.memory_space<vmem>>, vector<1x16xf32>,
      %add3A_654 = arith.constant 2 : i32
      %add3A_655 = arith.addi %mul3A_536, %add3A_654 : i32
      %add3A_656 = arith.constant 7 : i32
      %add3A_657 = arith.addi %add3A_655, %add3A_656 : i32
      %lt3A_658 = arith.constant 128 : i32
      %lt3A_659 = arith.cmpi slt, %add3A_657, %lt3A_658 : i32
      %convert_element_type3A_660 = arith.extui %lt3A_659 : i1 to i32
      %cond3A_661 = arith.constant 0 : i32
      %cond3A_662 = arith.cmpi ne, %convert_element_type3A_660, %cond3A_661 : i32
      scf.if %cond3A_662 {
        %add3A_1027 = arith.constant 2 : i32
        %add3A_1028 = arith.addi %mul3A_536, %add3A_1027 : i32
        %add3A_1029 = arith.constant 7 : i32
        %add3A_1030 = arith.addi %add3A_1028, %add3A_1029 : i32
        %mul3A_1031 = arith.constant 256 : i32
        %mul3A_1032 = arith.muli %add3A_1030, %mul3A_1031 : i32
        %dma_start3A_1033 = arith.constant 0 : i32
        %dma_start3A_1034 = arith.constant 0 : i32
        %dma_start3A_1035 = tpu.memref_slice %arg7[%dma_start3A_1033, %dma_start3A_1034] : memref<208x16xf32, #tpu.memory_space<vmem>> -> memref<128x16xf32, #tpu.memory_space<vmem>>
        %dma_start3A_1036 = tpu.memref_slice %arg5[%mul3A_1032] : memref<32768xi32, #tpu.memory_space<vmem>> -> memref<128xi32, #tpu.memory_space<vmem>>
        %dma_start3A_1037 = arith.constant 0 : i32
        %dma_start3A_1038 = arith.constant 0 : i32
        %dma_start3A_1039 = tpu.memref_slice %arg3[%dma_start3A_1037, %dma_start3A_1038] : memref<1000000x16xf32, #tpu.memory_space<hbm>> -> memref<1000000x16xf32, #tpu.memory_space<hbm>>
        tpu.enqueue_indirect_dma source(%dma_start3A_1039 : memref<1000000x16xf32, #tpu.memory_space<hbm>>) target(%dma_start3A_1035 : memref<128x16xf32, #tpu.memory_space<vmem>>) offsets(%dma_start3A_1036 : memref<128xi32, #tpu.memory_space<vmem>>) semaphore(%arg16 : memref<!tpu.dma_semaphore, #tpu.memory_space<semaphore_mem>>)
        %add3A_1040 = arith.constant 128 : i32
        %add3A_1041 = arith.addi %mul3A_1032, %add3A_1040 : i32
        %dma_start3A_1042 = arith.constant 128 : i32
        %dma_start3A_1043 = arith.constant 0 : i32
        %dma_start3A_1044 = tpu.memref_slice %arg7[%dma_start3A_1042, %dma_start3A_1043] : memref<208x16xf32, #tpu.memory_space<vmem>> -> memref<72x16xf32, #tpu.memory_space<vmem>>
        %dma_start3A_1045 = tpu.memref_slice %arg5[%add3A_1041] : memref<32768xi32, #tpu.memory_space<vmem>> -> memref<72xi32, #tpu.memory_space<vmem>>
        %dma_start3A_1046 = arith.constant 0 : i32
        %dma_start3A_1047 = arith.constant 0 : i32
        %dma_start3A_1048 = tpu.memref_slice %arg3[%dma_start3A_1046, %dma_start3A_1047] : memref<1000000x16xf32, #tpu.memory_space<hbm>> -> memref<1000000x16xf32, #tpu.memory_space<hbm>>
        tpu.enqueue_indirect_dma source(%dma_start3A_1048 : memref<1000000x16xf32, #tpu.memory_space<hbm>>) target(%dma_start3A_1044 : memref<72x16xf32, #tpu.memory_space<vmem>>) offsets(%dma_start3A_1045 : memref<72xi32, #tpu.memory_space<vmem>>) semaphore(%arg16 : memref<!tpu.dma_semaphore, #tpu.memory_space<semaphore_mem>>)
      } else {
      }
      %add3A_663 = arith.constant 2 : i32
      %add3A_664 = arith.addi %mul3A_536, %add3A_663 : i32
      %mul3A_665 = arith.constant 256 : i32
      %mul3A_666 = arith.muli %add3A_664, %mul3A_665 : i32
      %dma_wait3A_667 = arith.constant 0 : i32
      %dma_wait3A_668 = arith.constant 0 : i32
      %dma_wait3A_669 = tpu.memref_slice %arg8[%dma_wait3A_667, %dma_wait3A_668] : memref<208x16xf32, #tpu.memory_space<vmem>> -> memref<128x16xf32, #tpu.memory_space<vmem>>
      %dma_wait3A_670 = tpu.memref_slice %arg5[%mul3A_666] : memref<32768xi32, #tpu.memory_space<vmem>> -> memref<128xi32, #tpu.memory_space<vmem>>
      %dma_wait3A_671 = arith.constant 0 : i32
      %dma_wait3A_672 = arith.constant 0 : i32
      %dma_wait3A_673 = tpu.memref_slice %arg3[%dma_wait3A_671, %dma_wait3A_672] : memref<1000000x16xf32, #tpu.memory_space<hbm>> -> memref<1000000x16xf32, #tpu.memory_space<hbm>>
      tpu.wait_indirect_dma semaphore(%arg17 : memref<!tpu.dma_semaphore, #tpu.memory_space<semaphore_mem>>) src(%dma_wait3A_673 : memref<1000000x16xf32, #tpu.memory_space<hbm>>) dst(%dma_wait3A_669 : memref<128x16xf32, #tpu.memory_space<vmem>>)
      %add3A_674 = arith.constant 128 : i32
      %add3A_675 = arith.addi %mul3A_666, %add3A_674 : i32
      %dma_wait3A_676 = arith.constant 128 : i32
      %dma_wait3A_677 = arith.constant 0 : i32
      %dma_wait3A_678 = tpu.memref_slice %arg8[%dma_wait3A_676, %dma_wait3A_677] : memref<208x16xf32, #tpu.memory_space<vmem>> -> memref<72x16xf32, #tpu.memory_space<vmem>>
      %dma_wait3A_679 = tpu.memref_slice %arg5[%add3A_675] : memref<32768xi32, #tpu.memory_space<vmem>> -> memref<72xi32, #tpu.memory_space<vmem>>
      %dma_wait3A_680 = arith.constant 0 : i32
      %dma_wait3A_681 = arith.constant 0 : i32
      %dma_wait3A_682 = tpu.memref_slice %arg3[%dma_wait3A_680, %dma_wait3A_681] : memref<1000000x16xf32, #tpu.memory_space<hbm>> -> memref<1000000x16xf32, #tpu.memory_space<hbm>>
      tpu.wait_indirect_dma semaphore(%arg17 : memref<!tpu.dma_semaphore, #tpu.memory_space<semaphore_mem>>) src(%dma_wait3A_682 : memref<1000000x16xf32, #tpu.memory_space<hbm>>) dst(%dma_wait3A_678 : memref<72x16xf32, #tpu.memory_space<vmem>>)
      %add3A_683 = arith.constant 2 : i32
      %add3A_684 = arith.addi %mul3A_536, %add3A_683 : i32
      %mul3A_685 = arith.constant 256 : i32
      %mul3A_686 = arith.muli %add3A_684, %mul3A_685 : i32
      %broadcast_in_dim3A_687 = arith.constant 0.000000e+00 : f32
      %broadcast_in_dim3A_688 = vector.broadcast %broadcast_in_dim3A_687 : f32 to vector<16xf32>
      %scan3A_689 = arith.constant 0 : i32
      %scan3A_690 = arith.constant 13 : i32
      %scan3A_691 = arith.addi %scan3A_689, %scan3A_690 : i32
      %scan3A_692 = arith.constant 1 : i32
      %scan3A_693:2 = scf.for %scan3A_1027 = %scan3A_689 to %scan3A_691 step %scan3A_692 iter_args(%scan3A_1028 = %broadcast_in_dim3A_688, %scan3A_1029 = %broadcast_in_dim3A_688) -> (vector<16xf32>, vector<16xf32>)  : i32 {
        %mul3A_1030 = arith.constant 16 : i32
        %mul3A_1031 = arith.muli %scan3A_1027, %mul3A_1030 : i32
        %add3A_1032 = arith.constant 0 : i32
        %add3A_1033 = arith.addi %mul3A_1031, %add3A_1032 : i32
        %get3A = arith.index_cast %add3A_1033 : i32 to index
        %get3A_1034 = arith.constant 0 : index
        %get3A_1035 = tpu.vector_load %arg8[%get3A, %get3A_1034] {strides = array<i32>} : memref<208x16xf32, #tpu.memory_space<vmem>>, vector<1x16xf32>,
        %get3A_1036 = vector.shape_cast %get3A_1035 : vector<1x16xf32> to vector<16xf32>
        %add3A_1037 = arith.constant 0 : i32
        %add3A_1038 = arith.addi %mul3A_1031, %add3A_1037 : i32
        %add3A_1039 = arith.constant 1 : i32
        %add3A_1040 = arith.addi %add3A_1038, %add3A_1039 : i32
        %get3A_1041 = arith.index_cast %add3A_1040 : i32 to index
        %get3A_1042 = arith.constant 0 : index
        %get3A_1043 = tpu.vector_load %arg8[%get3A_1041, %get3A_1042] {strides = array<i32>} : memref<208x16xf32, #tpu.memory_space<vmem>>, vector<1x16xf32>,
        %get3A_1044 = vector.shape_cast %get3A_1043 : vector<1x16xf32> to vector<16xf32>
        %add3A_1045 = arith.addf %get3A_1036, %get3A_1044 : vector<16xf32>
        %add3A_1046 = arith.addf %scan3A_1028, %add3A_1045 : vector<16xf32>
        %add3A_1047 = arith.constant 2 : i32
        %add3A_1048 = arith.addi %mul3A_1031, %add3A_1047 : i32
        %get3A_1049 = arith.index_cast %add3A_1048 : i32 to index
        %get3A_1050 = arith.constant 0 : index
        %get3A_1051 = tpu.vector_load %arg8[%get3A_1049, %get3A_1050] {strides = array<i32>} : memref<208x16xf32, #tpu.memory_space<vmem>>, vector<1x16xf32>,
        %get3A_1052 = vector.shape_cast %get3A_1051 : vector<1x16xf32> to vector<16xf32>
        %add3A_1053 = arith.constant 2 : i32
        %add3A_1054 = arith.addi %mul3A_1031, %add3A_1053 : i32
        %add3A_1055 = arith.constant 1 : i32
        %add3A_1056 = arith.addi %add3A_1054, %add3A_1055 : i32
        %get3A_1057 = arith.index_cast %add3A_1056 : i32 to index
        %get3A_1058 = arith.constant 0 : index
        %get3A_1059 = tpu.vector_load %arg8[%get3A_1057, %get3A_1058] {strides = array<i32>} : memref<208x16xf32, #tpu.memory_space<vmem>>, vector<1x16xf32>,
        %get3A_1060 = vector.shape_cast %get3A_1059 : vector<1x16xf32> to vector<16xf32>
        %add3A_1061 = arith.addf %get3A_1052, %get3A_1060 : vector<16xf32>
        %add3A_1062 = arith.addf %add3A_1046, %add3A_1061 : vector<16xf32>
        %add3A_1063 = arith.constant 4 : i32
        %add3A_1064 = arith.addi %mul3A_1031, %add3A_1063 : i32
        %get3A_1065 = arith.index_cast %add3A_1064 : i32 to index
        %get3A_1066 = arith.constant 0 : index
        %get3A_1067 = tpu.vector_load %arg8[%get3A_1065, %get3A_1066] {strides = array<i32>} : memref<208x16xf32, #tpu.memory_space<vmem>>, vector<1x16xf32>,
        %get3A_1068 = vector.shape_cast %get3A_1067 : vector<1x16xf32> to vector<16xf32>
        %add3A_1069 = arith.constant 4 : i32
        %add3A_1070 = arith.addi %mul3A_1031, %add3A_1069 : i32
        %add3A_1071 = arith.constant 1 : i32
        %add3A_1072 = arith.addi %add3A_1070, %add3A_1071 : i32
        %get3A_1073 = arith.index_cast %add3A_1072 : i32 to index
        %get3A_1074 = arith.constant 0 : index
        %get3A_1075 = tpu.vector_load %arg8[%get3A_1073, %get3A_1074] {strides = array<i32>} : memref<208x16xf32, #tpu.memory_space<vmem>>, vector<1x16xf32>,
        %get3A_1076 = vector.shape_cast %get3A_1075 : vector<1x16xf32> to vector<16xf32>
        %add3A_1077 = arith.addf %get3A_1068, %get3A_1076 : vector<16xf32>
        %add3A_1078 = arith.addf %add3A_1062, %add3A_1077 : vector<16xf32>
        %add3A_1079 = arith.constant 6 : i32
        %add3A_1080 = arith.addi %mul3A_1031, %add3A_1079 : i32
        %get3A_1081 = arith.index_cast %add3A_1080 : i32 to index
        %get3A_1082 = arith.constant 0 : index
        %get3A_1083 = tpu.vector_load %arg8[%get3A_1081, %get3A_1082] {strides = array<i32>} : memref<208x16xf32, #tpu.memory_space<vmem>>, vector<1x16xf32>,
        %get3A_1084 = vector.shape_cast %get3A_1083 : vector<1x16xf32> to vector<16xf32>
        %add3A_1085 = arith.constant 6 : i32
        %add3A_1086 = arith.addi %mul3A_1031, %add3A_1085 : i32
        %add3A_1087 = arith.constant 1 : i32
        %add3A_1088 = arith.addi %add3A_1086, %add3A_1087 : i32
        %get3A_1089 = arith.index_cast %add3A_1088 : i32 to index
        %get3A_1090 = arith.constant 0 : index
        %get3A_1091 = tpu.vector_load %arg8[%get3A_1089, %get3A_1090] {strides = array<i32>} : memref<208x16xf32, #tpu.memory_space<vmem>>, vector<1x16xf32>,
        %get3A_1092 = vector.shape_cast %get3A_1091 : vector<1x16xf32> to vector<16xf32>
        %add3A_1093 = arith.addf %get3A_1084, %get3A_1092 : vector<16xf32>
        %add3A_1094 = arith.addf %add3A_1078, %add3A_1093 : vector<16xf32>
        %add3A_1095 = arith.constant 8 : i32
        %add3A_1096 = arith.addi %mul3A_1031, %add3A_1095 : i32
        %get3A_1097 = arith.index_cast %add3A_1096 : i32 to index
        %get3A_1098 = arith.constant 0 : index
        %get3A_1099 = tpu.vector_load %arg8[%get3A_1097, %get3A_1098] {strides = array<i32>} : memref<208x16xf32, #tpu.memory_space<vmem>>, vector<1x16xf32>,
        %get3A_1100 = vector.shape_cast %get3A_1099 : vector<1x16xf32> to vector<16xf32>
        %add3A_1101 = arith.constant 8 : i32
        %add3A_1102 = arith.addi %mul3A_1031, %add3A_1101 : i32
        %add3A_1103 = arith.constant 1 : i32
        %add3A_1104 = arith.addi %add3A_1102, %add3A_1103 : i32
        %get3A_1105 = arith.index_cast %add3A_1104 : i32 to index
        %get3A_1106 = arith.constant 0 : index
        %get3A_1107 = tpu.vector_load %arg8[%get3A_1105, %get3A_1106] {strides = array<i32>} : memref<208x16xf32, #tpu.memory_space<vmem>>, vector<1x16xf32>,
        %get3A_1108 = vector.shape_cast %get3A_1107 : vector<1x16xf32> to vector<16xf32>
        %add3A_1109 = arith.addf %get3A_1100, %get3A_1108 : vector<16xf32>
        %add3A_1110 = arith.addf %add3A_1094, %add3A_1109 : vector<16xf32>
        %add3A_1111 = arith.constant 10 : i32
        %add3A_1112 = arith.addi %mul3A_1031, %add3A_1111 : i32
        %get3A_1113 = arith.index_cast %add3A_1112 : i32 to index
        %get3A_1114 = arith.constant 0 : index
        %get3A_1115 = tpu.vector_load %arg8[%get3A_1113, %get3A_1114] {strides = array<i32>} : memref<208x16xf32, #tpu.memory_space<vmem>>, vector<1x16xf32>,
        %get3A_1116 = vector.shape_cast %get3A_1115 : vector<1x16xf32> to vector<16xf32>
        %add3A_1117 = arith.constant 10 : i32
        %add3A_1118 = arith.addi %mul3A_1031, %add3A_1117 : i32
        %add3A_1119 = arith.constant 1 : i32
        %add3A_1120 = arith.addi %add3A_1118, %add3A_1119 : i32
        %get3A_1121 = arith.index_cast %add3A_1120 : i32 to index
        %get3A_1122 = arith.constant 0 : index
        %get3A_1123 = tpu.vector_load %arg8[%get3A_1121, %get3A_1122] {strides = array<i32>} : memref<208x16xf32, #tpu.memory_space<vmem>>, vector<1x16xf32>,
        %get3A_1124 = vector.shape_cast %get3A_1123 : vector<1x16xf32> to vector<16xf32>
        %add3A_1125 = arith.addf %get3A_1116, %get3A_1124 : vector<16xf32>
        %add3A_1126 = arith.addf %add3A_1110, %add3A_1125 : vector<16xf32>
        %add3A_1127 = arith.constant 12 : i32
        %add3A_1128 = arith.addi %mul3A_1031, %add3A_1127 : i32
        %get3A_1129 = arith.index_cast %add3A_1128 : i32 to index
        %get3A_1130 = arith.constant 0 : index
        %get3A_1131 = tpu.vector_load %arg8[%get3A_1129, %get3A_1130] {strides = array<i32>} : memref<208x16xf32, #tpu.memory_space<vmem>>, vector<1x16xf32>,
        %get3A_1132 = vector.shape_cast %get3A_1131 : vector<1x16xf32> to vector<16xf32>
        %add3A_1133 = arith.constant 12 : i32
        %add3A_1134 = arith.addi %mul3A_1031, %add3A_1133 : i32
        %add3A_1135 = arith.constant 1 : i32
        %add3A_1136 = arith.addi %add3A_1134, %add3A_1135 : i32
        %get3A_1137 = arith.index_cast %add3A_1136 : i32 to index
        %get3A_1138 = arith.constant 0 : index
        %get3A_1139 = tpu.vector_load %arg8[%get3A_1137, %get3A_1138] {strides = array<i32>} : memref<208x16xf32, #tpu.memory_space<vmem>>, vector<1x16xf32>,
        %get3A_1140 = vector.shape_cast %get3A_1139 : vector<1x16xf32> to vector<16xf32>
        %add3A_1141 = arith.addf %get3A_1132, %get3A_1140 : vector<16xf32>
        %add3A_1142 = arith.addf %add3A_1126, %add3A_1141 : vector<16xf32>
        %add3A_1143 = arith.constant 14 : i32
        %add3A_1144 = arith.addi %mul3A_1031, %add3A_1143 : i32
        %get3A_1145 = arith.index_cast %add3A_1144 : i32 to index
        %get3A_1146 = arith.constant 0 : index
        %get3A_1147 = tpu.vector_load %arg8[%get3A_1145, %get3A_1146] {strides = array<i32>} : memref<208x16xf32, #tpu.memory_space<vmem>>, vector<1x16xf32>,
        %get3A_1148 = vector.shape_cast %get3A_1147 : vector<1x16xf32> to vector<16xf32>
        %add3A_1149 = arith.constant 14 : i32
        %add3A_1150 = arith.addi %mul3A_1031, %add3A_1149 : i32
        %add3A_1151 = arith.constant 1 : i32
        %add3A_1152 = arith.addi %add3A_1150, %add3A_1151 : i32
        %get3A_1153 = arith.index_cast %add3A_1152 : i32 to index
        %get3A_1154 = arith.constant 0 : index
        %get3A_1155 = tpu.vector_load %arg8[%get3A_1153, %get3A_1154] {strides = array<i32>} : memref<208x16xf32, #tpu.memory_space<vmem>>, vector<1x16xf32>,
        %get3A_1156 = vector.shape_cast %get3A_1155 : vector<1x16xf32> to vector<16xf32>
        %add3A_1157 = arith.addf %get3A_1148, %get3A_1156 : vector<16xf32>
        %add3A_1158 = arith.addf %add3A_1142, %add3A_1157 : vector<16xf32>
        %add3A_1159 = arith.addi %mul3A_686, %mul3A_1031 : i32
        %get3A_1160 = arith.index_cast %add3A_1159 : i32 to index
        %get3A_1161 = tpu.vector_load %arg5[%get3A_1160] {strides = array<i32>} : memref<32768xi32, #tpu.memory_space<vmem>>, vector<16xi32>,
        %get3A_1162 = vector.shape_cast %get3A_1161 : vector<16xi32> to vector<16xi32>
        %ne3A = arith.constant 0 : i32
        %ne3A_1163 = vector.broadcast %ne3A : i32 to vector<16xi32>
        %ne3A_1164 = arith.cmpi ne, %get3A_1162, %ne3A_1163 : vector<16xi32>
        %jit3A = arith.constant 1.000000e+00 : f32
        %jit3A_1165 = arith.constant 0.000000e+00 : f32
        %broadcast_in_dim3A_1166 = vector.broadcast %jit3A : f32 to vector<16xf32>
        %broadcast_in_dim3A_1167 = vector.broadcast %jit3A_1165 : f32 to vector<16xf32>
        %select_n3A = arith.select %ne3A_1164, %broadcast_in_dim3A_1166, %broadcast_in_dim3A_1167 : vector<16xi1>, vector<16xf32>
        %add3A_1168 = arith.addf %scan3A_1029, %select_n3A : vector<16xf32>
        scf.yield %add3A_1158, %add3A_1168 : vector<16xf32>, vector<16xf32>
      }
      %scan3A_694 = arith.constant 13 : i32
      %gather3A_695 = vector.shape_cast %broadcast_in_dim3A_394 : vector<16x1xi32> to vector<16xi32>
      %gather3A_696 = tpu.dynamic_gather %scan3A_693#1[%gather3A_695] in [0] : vector<16xf32>, vector<16xi32> -> vector<16xf32>
      %add3A_697 = arith.addf %scan3A_693#1, %gather3A_696 : vector<16xf32>
      %gather3A_698 = vector.shape_cast %broadcast_in_dim3A_401 : vector<16x1xi32> to vector<16xi32>
      %gather3A_699 = tpu.dynamic_gather %add3A_697[%gather3A_698] in [0] : vector<16xf32>, vector<16xi32> -> vector<16xf32>
      %add3A_700 = arith.addf %add3A_697, %gather3A_699 : vector<16xf32>
      %gather3A_701 = vector.shape_cast %broadcast_in_dim3A_408 : vector<16x1xi32> to vector<16xi32>
      %gather3A_702 = tpu.dynamic_gather %add3A_700[%gather3A_701] in [0] : vector<16xf32>, vector<16xi32> -> vector<16xf32>
      %add3A_703 = arith.addf %add3A_700, %gather3A_702 : vector<16xf32>
      %gather3A_704 = vector.shape_cast %broadcast_in_dim3A_415 : vector<16x1xi32> to vector<16xi32>
      %gather3A_705 = tpu.dynamic_gather %add3A_703[%gather3A_704] in [0] : vector<16xf32>, vector<16xi32> -> vector<16xf32>
      %add3A_706 = arith.addf %add3A_703, %gather3A_705 : vector<16xf32>
      %max3A_707 = arith.constant 1.000000e+00 : f32
      %max3A_708 = vector.broadcast %max3A_707 : f32 to vector<16xf32>
      %max3A_709 = arith.maximumf %add3A_706, %max3A_708 : vector<16xf32>
      %div3A_710 = arith.divf %scan3A_693#0, %max3A_709 : vector<16xf32>
      %swap3A_711 = arith.index_cast %add3A_684 : i32 to index
      %swap3A_712 = arith.constant 0 : index
      %swap3A_713 = tpu.vector_load %arg14[%swap3A_711, %swap3A_712] {strides = array<i32>} : memref<128x16xf32, #tpu.memory_space<vmem>>, vector<1x16xf32>,
      %swap3A_714 = vector.shape_cast %swap3A_713 : vector<1x16xf32> to vector<16xf32>
      %swap3A_715 = vector.shape_cast %div3A_710 : vector<16xf32> to vector<1x16xf32>
      tpu.vector_store %arg14[%swap3A_711, %swap3A_712], %swap3A_715 {strides = array<i32>} : memref<128x16xf32, #tpu.memory_space<vmem>>, vector<1x16xf32>,
      %add3A_716 = arith.constant 3 : i32
      %add3A_717 = arith.addi %mul3A_536, %add3A_716 : i32
      %add3A_718 = arith.constant 7 : i32
      %add3A_719 = arith.addi %add3A_717, %add3A_718 : i32
      %lt3A_720 = arith.constant 128 : i32
      %lt3A_721 = arith.cmpi slt, %add3A_719, %lt3A_720 : i32
      %convert_element_type3A_722 = arith.extui %lt3A_721 : i1 to i32
      %cond3A_723 = arith.constant 0 : i32
      %cond3A_724 = arith.cmpi ne, %convert_element_type3A_722, %cond3A_723 : i32
      scf.if %cond3A_724 {
        %add3A_1027 = arith.constant 3 : i32
        %add3A_1028 = arith.addi %mul3A_536, %add3A_1027 : i32
        %add3A_1029 = arith.constant 7 : i32
        %add3A_1030 = arith.addi %add3A_1028, %add3A_1029 : i32
        %mul3A_1031 = arith.constant 256 : i32
        %mul3A_1032 = arith.muli %add3A_1030, %mul3A_1031 : i32
        %dma_start3A_1033 = arith.constant 0 : i32
        %dma_start3A_1034 = arith.constant 0 : i32
        %dma_start3A_1035 = tpu.memref_slice %arg8[%dma_start3A_1033, %dma_start3A_1034] : memref<208x16xf32, #tpu.memory_space<vmem>> -> memref<128x16xf32, #tpu.memory_space<vmem>>
        %dma_start3A_1036 = tpu.memref_slice %arg5[%mul3A_1032] : memref<32768xi32, #tpu.memory_space<vmem>> -> memref<128xi32, #tpu.memory_space<vmem>>
        %dma_start3A_1037 = arith.constant 0 : i32
        %dma_start3A_1038 = arith.constant 0 : i32
        %dma_start3A_1039 = tpu.memref_slice %arg3[%dma_start3A_1037, %dma_start3A_1038] : memref<1000000x16xf32, #tpu.memory_space<hbm>> -> memref<1000000x16xf32, #tpu.memory_space<hbm>>
        tpu.enqueue_indirect_dma source(%dma_start3A_1039 : memref<1000000x16xf32, #tpu.memory_space<hbm>>) target(%dma_start3A_1035 : memref<128x16xf32, #tpu.memory_space<vmem>>) offsets(%dma_start3A_1036 : memref<128xi32, #tpu.memory_space<vmem>>) semaphore(%arg17 : memref<!tpu.dma_semaphore, #tpu.memory_space<semaphore_mem>>)
        %add3A_1040 = arith.constant 128 : i32
        %add3A_1041 = arith.addi %mul3A_1032, %add3A_1040 : i32
        %dma_start3A_1042 = arith.constant 128 : i32
        %dma_start3A_1043 = arith.constant 0 : i32
        %dma_start3A_1044 = tpu.memref_slice %arg8[%dma_start3A_1042, %dma_start3A_1043] : memref<208x16xf32, #tpu.memory_space<vmem>> -> memref<72x16xf32, #tpu.memory_space<vmem>>
        %dma_start3A_1045 = tpu.memref_slice %arg5[%add3A_1041] : memref<32768xi32, #tpu.memory_space<vmem>> -> memref<72xi32, #tpu.memory_space<vmem>>
        %dma_start3A_1046 = arith.constant 0 : i32
        %dma_start3A_1047 = arith.constant 0 : i32
        %dma_start3A_1048 = tpu.memref_slice %arg3[%dma_start3A_1046, %dma_start3A_1047] : memref<1000000x16xf32, #tpu.memory_space<hbm>> -> memref<1000000x16xf32, #tpu.memory_space<hbm>>
        tpu.enqueue_indirect_dma source(%dma_start3A_1048 : memref<1000000x16xf32, #tpu.memory_space<hbm>>) target(%dma_start3A_1044 : memref<72x16xf32, #tpu.memory_space<vmem>>) offsets(%dma_start3A_1045 : memref<72xi32, #tpu.memory_space<vmem>>) semaphore(%arg17 : memref<!tpu.dma_semaphore, #tpu.memory_space<semaphore_mem>>)
      } else {
      }
      %add3A_725 = arith.constant 3 : i32
      %add3A_726 = arith.addi %mul3A_536, %add3A_725 : i32
      %mul3A_727 = arith.constant 256 : i32
      %mul3A_728 = arith.muli %add3A_726, %mul3A_727 : i32
      %dma_wait3A_729 = arith.constant 0 : i32
      %dma_wait3A_730 = arith.constant 0 : i32
      %dma_wait3A_731 = tpu.memref_slice %arg9[%dma_wait3A_729, %dma_wait3A_730] : memref<208x16xf32, #tpu.memory_space<vmem>> -> memref<128x16xf32, #tpu.memory_space<vmem>>
      %dma_wait3A_732 = tpu.memref_slice %arg5[%mul3A_728] : memref<32768xi32, #tpu.memory_space<vmem>> -> memref<128xi32, #tpu.memory_space<vmem>>
      %dma_wait3A_733 = arith.constant 0 : i32
      %dma_wait3A_734 = arith.constant 0 : i32
      %dma_wait3A_735 = tpu.memref_slice %arg3[%dma_wait3A_733, %dma_wait3A_734] : memref<1000000x16xf32, #tpu.memory_space<hbm>> -> memref<1000000x16xf32, #tpu.memory_space<hbm>>
      tpu.wait_indirect_dma semaphore(%arg18 : memref<!tpu.dma_semaphore, #tpu.memory_space<semaphore_mem>>) src(%dma_wait3A_735 : memref<1000000x16xf32, #tpu.memory_space<hbm>>) dst(%dma_wait3A_731 : memref<128x16xf32, #tpu.memory_space<vmem>>)
      %add3A_736 = arith.constant 128 : i32
      %add3A_737 = arith.addi %mul3A_728, %add3A_736 : i32
      %dma_wait3A_738 = arith.constant 128 : i32
      %dma_wait3A_739 = arith.constant 0 : i32
      %dma_wait3A_740 = tpu.memref_slice %arg9[%dma_wait3A_738, %dma_wait3A_739] : memref<208x16xf32, #tpu.memory_space<vmem>> -> memref<72x16xf32, #tpu.memory_space<vmem>>
      %dma_wait3A_741 = tpu.memref_slice %arg5[%add3A_737] : memref<32768xi32, #tpu.memory_space<vmem>> -> memref<72xi32, #tpu.memory_space<vmem>>
      %dma_wait3A_742 = arith.constant 0 : i32
      %dma_wait3A_743 = arith.constant 0 : i32
      %dma_wait3A_744 = tpu.memref_slice %arg3[%dma_wait3A_742, %dma_wait3A_743] : memref<1000000x16xf32, #tpu.memory_space<hbm>> -> memref<1000000x16xf32, #tpu.memory_space<hbm>>
      tpu.wait_indirect_dma semaphore(%arg18 : memref<!tpu.dma_semaphore, #tpu.memory_space<semaphore_mem>>) src(%dma_wait3A_744 : memref<1000000x16xf32, #tpu.memory_space<hbm>>) dst(%dma_wait3A_740 : memref<72x16xf32, #tpu.memory_space<vmem>>)
      %add3A_745 = arith.constant 3 : i32
      %add3A_746 = arith.addi %mul3A_536, %add3A_745 : i32
      %mul3A_747 = arith.constant 256 : i32
      %mul3A_748 = arith.muli %add3A_746, %mul3A_747 : i32
      %broadcast_in_dim3A_749 = arith.constant 0.000000e+00 : f32
      %broadcast_in_dim3A_750 = vector.broadcast %broadcast_in_dim3A_749 : f32 to vector<16xf32>
      %scan3A_751 = arith.constant 0 : i32
      %scan3A_752 = arith.constant 13 : i32
      %scan3A_753 = arith.addi %scan3A_751, %scan3A_752 : i32
      %scan3A_754 = arith.constant 1 : i32
      %scan3A_755:2 = scf.for %scan3A_1027 = %scan3A_751 to %scan3A_753 step %scan3A_754 iter_args(%scan3A_1028 = %broadcast_in_dim3A_750, %scan3A_1029 = %broadcast_in_dim3A_750) -> (vector<16xf32>, vector<16xf32>)  : i32 {
        %mul3A_1030 = arith.constant 16 : i32
        %mul3A_1031 = arith.muli %scan3A_1027, %mul3A_1030 : i32
        %add3A_1032 = arith.constant 0 : i32
        %add3A_1033 = arith.addi %mul3A_1031, %add3A_1032 : i32
        %get3A = arith.index_cast %add3A_1033 : i32 to index
        %get3A_1034 = arith.constant 0 : index
        %get3A_1035 = tpu.vector_load %arg9[%get3A, %get3A_1034] {strides = array<i32>} : memref<208x16xf32, #tpu.memory_space<vmem>>, vector<1x16xf32>,
        %get3A_1036 = vector.shape_cast %get3A_1035 : vector<1x16xf32> to vector<16xf32>
        %add3A_1037 = arith.constant 0 : i32
        %add3A_1038 = arith.addi %mul3A_1031, %add3A_1037 : i32
        %add3A_1039 = arith.constant 1 : i32
        %add3A_1040 = arith.addi %add3A_1038, %add3A_1039 : i32
        %get3A_1041 = arith.index_cast %add3A_1040 : i32 to index
        %get3A_1042 = arith.constant 0 : index
        %get3A_1043 = tpu.vector_load %arg9[%get3A_1041, %get3A_1042] {strides = array<i32>} : memref<208x16xf32, #tpu.memory_space<vmem>>, vector<1x16xf32>,
        %get3A_1044 = vector.shape_cast %get3A_1043 : vector<1x16xf32> to vector<16xf32>
        %add3A_1045 = arith.addf %get3A_1036, %get3A_1044 : vector<16xf32>
        %add3A_1046 = arith.addf %scan3A_1028, %add3A_1045 : vector<16xf32>
        %add3A_1047 = arith.constant 2 : i32
        %add3A_1048 = arith.addi %mul3A_1031, %add3A_1047 : i32
        %get3A_1049 = arith.index_cast %add3A_1048 : i32 to index
        %get3A_1050 = arith.constant 0 : index
        %get3A_1051 = tpu.vector_load %arg9[%get3A_1049, %get3A_1050] {strides = array<i32>} : memref<208x16xf32, #tpu.memory_space<vmem>>, vector<1x16xf32>,
        %get3A_1052 = vector.shape_cast %get3A_1051 : vector<1x16xf32> to vector<16xf32>
        %add3A_1053 = arith.constant 2 : i32
        %add3A_1054 = arith.addi %mul3A_1031, %add3A_1053 : i32
        %add3A_1055 = arith.constant 1 : i32
        %add3A_1056 = arith.addi %add3A_1054, %add3A_1055 : i32
        %get3A_1057 = arith.index_cast %add3A_1056 : i32 to index
        %get3A_1058 = arith.constant 0 : index
        %get3A_1059 = tpu.vector_load %arg9[%get3A_1057, %get3A_1058] {strides = array<i32>} : memref<208x16xf32, #tpu.memory_space<vmem>>, vector<1x16xf32>,
        %get3A_1060 = vector.shape_cast %get3A_1059 : vector<1x16xf32> to vector<16xf32>
        %add3A_1061 = arith.addf %get3A_1052, %get3A_1060 : vector<16xf32>
        %add3A_1062 = arith.addf %add3A_1046, %add3A_1061 : vector<16xf32>
        %add3A_1063 = arith.constant 4 : i32
        %add3A_1064 = arith.addi %mul3A_1031, %add3A_1063 : i32
        %get3A_1065 = arith.index_cast %add3A_1064 : i32 to index
        %get3A_1066 = arith.constant 0 : index
        %get3A_1067 = tpu.vector_load %arg9[%get3A_1065, %get3A_1066] {strides = array<i32>} : memref<208x16xf32, #tpu.memory_space<vmem>>, vector<1x16xf32>,
        %get3A_1068 = vector.shape_cast %get3A_1067 : vector<1x16xf32> to vector<16xf32>
        %add3A_1069 = arith.constant 4 : i32
        %add3A_1070 = arith.addi %mul3A_1031, %add3A_1069 : i32
        %add3A_1071 = arith.constant 1 : i32
        %add3A_1072 = arith.addi %add3A_1070, %add3A_1071 : i32
        %get3A_1073 = arith.index_cast %add3A_1072 : i32 to index
        %get3A_1074 = arith.constant 0 : index
        %get3A_1075 = tpu.vector_load %arg9[%get3A_1073, %get3A_1074] {strides = array<i32>} : memref<208x16xf32, #tpu.memory_space<vmem>>, vector<1x16xf32>,
        %get3A_1076 = vector.shape_cast %get3A_1075 : vector<1x16xf32> to vector<16xf32>
        %add3A_1077 = arith.addf %get3A_1068, %get3A_1076 : vector<16xf32>
        %add3A_1078 = arith.addf %add3A_1062, %add3A_1077 : vector<16xf32>
        %add3A_1079 = arith.constant 6 : i32
        %add3A_1080 = arith.addi %mul3A_1031, %add3A_1079 : i32
        %get3A_1081 = arith.index_cast %add3A_1080 : i32 to index
        %get3A_1082 = arith.constant 0 : index
        %get3A_1083 = tpu.vector_load %arg9[%get3A_1081, %get3A_1082] {strides = array<i32>} : memref<208x16xf32, #tpu.memory_space<vmem>>, vector<1x16xf32>,
        %get3A_1084 = vector.shape_cast %get3A_1083 : vector<1x16xf32> to vector<16xf32>
        %add3A_1085 = arith.constant 6 : i32
        %add3A_1086 = arith.addi %mul3A_1031, %add3A_1085 : i32
        %add3A_1087 = arith.constant 1 : i32
        %add3A_1088 = arith.addi %add3A_1086, %add3A_1087 : i32
        %get3A_1089 = arith.index_cast %add3A_1088 : i32 to index
        %get3A_1090 = arith.constant 0 : index
        %get3A_1091 = tpu.vector_load %arg9[%get3A_1089, %get3A_1090] {strides = array<i32>} : memref<208x16xf32, #tpu.memory_space<vmem>>, vector<1x16xf32>,
        %get3A_1092 = vector.shape_cast %get3A_1091 : vector<1x16xf32> to vector<16xf32>
        %add3A_1093 = arith.addf %get3A_1084, %get3A_1092 : vector<16xf32>
        %add3A_1094 = arith.addf %add3A_1078, %add3A_1093 : vector<16xf32>
        %add3A_1095 = arith.constant 8 : i32
        %add3A_1096 = arith.addi %mul3A_1031, %add3A_1095 : i32
        %get3A_1097 = arith.index_cast %add3A_1096 : i32 to index
        %get3A_1098 = arith.constant 0 : index
        %get3A_1099 = tpu.vector_load %arg9[%get3A_1097, %get3A_1098] {strides = array<i32>} : memref<208x16xf32, #tpu.memory_space<vmem>>, vector<1x16xf32>,
        %get3A_1100 = vector.shape_cast %get3A_1099 : vector<1x16xf32> to vector<16xf32>
        %add3A_1101 = arith.constant 8 : i32
        %add3A_1102 = arith.addi %mul3A_1031, %add3A_1101 : i32
        %add3A_1103 = arith.constant 1 : i32
        %add3A_1104 = arith.addi %add3A_1102, %add3A_1103 : i32
        %get3A_1105 = arith.index_cast %add3A_1104 : i32 to index
        %get3A_1106 = arith.constant 0 : index
        %get3A_1107 = tpu.vector_load %arg9[%get3A_1105, %get3A_1106] {strides = array<i32>} : memref<208x16xf32, #tpu.memory_space<vmem>>, vector<1x16xf32>,
        %get3A_1108 = vector.shape_cast %get3A_1107 : vector<1x16xf32> to vector<16xf32>
        %add3A_1109 = arith.addf %get3A_1100, %get3A_1108 : vector<16xf32>
        %add3A_1110 = arith.addf %add3A_1094, %add3A_1109 : vector<16xf32>
        %add3A_1111 = arith.constant 10 : i32
        %add3A_1112 = arith.addi %mul3A_1031, %add3A_1111 : i32
        %get3A_1113 = arith.index_cast %add3A_1112 : i32 to index
        %get3A_1114 = arith.constant 0 : index
        %get3A_1115 = tpu.vector_load %arg9[%get3A_1113, %get3A_1114] {strides = array<i32>} : memref<208x16xf32, #tpu.memory_space<vmem>>, vector<1x16xf32>,
        %get3A_1116 = vector.shape_cast %get3A_1115 : vector<1x16xf32> to vector<16xf32>
        %add3A_1117 = arith.constant 10 : i32
        %add3A_1118 = arith.addi %mul3A_1031, %add3A_1117 : i32
        %add3A_1119 = arith.constant 1 : i32
        %add3A_1120 = arith.addi %add3A_1118, %add3A_1119 : i32
        %get3A_1121 = arith.index_cast %add3A_1120 : i32 to index
        %get3A_1122 = arith.constant 0 : index
        %get3A_1123 = tpu.vector_load %arg9[%get3A_1121, %get3A_1122] {strides = array<i32>} : memref<208x16xf32, #tpu.memory_space<vmem>>, vector<1x16xf32>,
        %get3A_1124 = vector.shape_cast %get3A_1123 : vector<1x16xf32> to vector<16xf32>
        %add3A_1125 = arith.addf %get3A_1116, %get3A_1124 : vector<16xf32>
        %add3A_1126 = arith.addf %add3A_1110, %add3A_1125 : vector<16xf32>
        %add3A_1127 = arith.constant 12 : i32
        %add3A_1128 = arith.addi %mul3A_1031, %add3A_1127 : i32
        %get3A_1129 = arith.index_cast %add3A_1128 : i32 to index
        %get3A_1130 = arith.constant 0 : index
        %get3A_1131 = tpu.vector_load %arg9[%get3A_1129, %get3A_1130] {strides = array<i32>} : memref<208x16xf32, #tpu.memory_space<vmem>>, vector<1x16xf32>,
        %get3A_1132 = vector.shape_cast %get3A_1131 : vector<1x16xf32> to vector<16xf32>
        %add3A_1133 = arith.constant 12 : i32
        %add3A_1134 = arith.addi %mul3A_1031, %add3A_1133 : i32
        %add3A_1135 = arith.constant 1 : i32
        %add3A_1136 = arith.addi %add3A_1134, %add3A_1135 : i32
        %get3A_1137 = arith.index_cast %add3A_1136 : i32 to index
        %get3A_1138 = arith.constant 0 : index
        %get3A_1139 = tpu.vector_load %arg9[%get3A_1137, %get3A_1138] {strides = array<i32>} : memref<208x16xf32, #tpu.memory_space<vmem>>, vector<1x16xf32>,
        %get3A_1140 = vector.shape_cast %get3A_1139 : vector<1x16xf32> to vector<16xf32>
        %add3A_1141 = arith.addf %get3A_1132, %get3A_1140 : vector<16xf32>
        %add3A_1142 = arith.addf %add3A_1126, %add3A_1141 : vector<16xf32>
        %add3A_1143 = arith.constant 14 : i32
        %add3A_1144 = arith.addi %mul3A_1031, %add3A_1143 : i32
        %get3A_1145 = arith.index_cast %add3A_1144 : i32 to index
        %get3A_1146 = arith.constant 0 : index
        %get3A_1147 = tpu.vector_load %arg9[%get3A_1145, %get3A_1146] {strides = array<i32>} : memref<208x16xf32, #tpu.memory_space<vmem>>, vector<1x16xf32>,
        %get3A_1148 = vector.shape_cast %get3A_1147 : vector<1x16xf32> to vector<16xf32>
        %add3A_1149 = arith.constant 14 : i32
        %add3A_1150 = arith.addi %mul3A_1031, %add3A_1149 : i32
        %add3A_1151 = arith.constant 1 : i32
        %add3A_1152 = arith.addi %add3A_1150, %add3A_1151 : i32
        %get3A_1153 = arith.index_cast %add3A_1152 : i32 to index
        %get3A_1154 = arith.constant 0 : index
        %get3A_1155 = tpu.vector_load %arg9[%get3A_1153, %get3A_1154] {strides = array<i32>} : memref<208x16xf32, #tpu.memory_space<vmem>>, vector<1x16xf32>,
        %get3A_1156 = vector.shape_cast %get3A_1155 : vector<1x16xf32> to vector<16xf32>
        %add3A_1157 = arith.addf %get3A_1148, %get3A_1156 : vector<16xf32>
        %add3A_1158 = arith.addf %add3A_1142, %add3A_1157 : vector<16xf32>
        %add3A_1159 = arith.addi %mul3A_748, %mul3A_1031 : i32
        %get3A_1160 = arith.index_cast %add3A_1159 : i32 to index
        %get3A_1161 = tpu.vector_load %arg5[%get3A_1160] {strides = array<i32>} : memref<32768xi32, #tpu.memory_space<vmem>>, vector<16xi32>,
        %get3A_1162 = vector.shape_cast %get3A_1161 : vector<16xi32> to vector<16xi32>
        %ne3A = arith.constant 0 : i32
        %ne3A_1163 = vector.broadcast %ne3A : i32 to vector<16xi32>
        %ne3A_1164 = arith.cmpi ne, %get3A_1162, %ne3A_1163 : vector<16xi32>
        %jit3A = arith.constant 1.000000e+00 : f32
        %jit3A_1165 = arith.constant 0.000000e+00 : f32
        %broadcast_in_dim3A_1166 = vector.broadcast %jit3A : f32 to vector<16xf32>
        %broadcast_in_dim3A_1167 = vector.broadcast %jit3A_1165 : f32 to vector<16xf32>
        %select_n3A = arith.select %ne3A_1164, %broadcast_in_dim3A_1166, %broadcast_in_dim3A_1167 : vector<16xi1>, vector<16xf32>
        %add3A_1168 = arith.addf %scan3A_1029, %select_n3A : vector<16xf32>
        scf.yield %add3A_1158, %add3A_1168 : vector<16xf32>, vector<16xf32>
      }
      %scan3A_756 = arith.constant 13 : i32
      %gather3A_757 = vector.shape_cast %broadcast_in_dim3A_394 : vector<16x1xi32> to vector<16xi32>
      %gather3A_758 = tpu.dynamic_gather %scan3A_755#1[%gather3A_757] in [0] : vector<16xf32>, vector<16xi32> -> vector<16xf32>
      %add3A_759 = arith.addf %scan3A_755#1, %gather3A_758 : vector<16xf32>
      %gather3A_760 = vector.shape_cast %broadcast_in_dim3A_401 : vector<16x1xi32> to vector<16xi32>
      %gather3A_761 = tpu.dynamic_gather %add3A_759[%gather3A_760] in [0] : vector<16xf32>, vector<16xi32> -> vector<16xf32>
      %add3A_762 = arith.addf %add3A_759, %gather3A_761 : vector<16xf32>
      %gather3A_763 = vector.shape_cast %broadcast_in_dim3A_408 : vector<16x1xi32> to vector<16xi32>
      %gather3A_764 = tpu.dynamic_gather %add3A_762[%gather3A_763] in [0] : vector<16xf32>, vector<16xi32> -> vector<16xf32>
      %add3A_765 = arith.addf %add3A_762, %gather3A_764 : vector<16xf32>
      %gather3A_766 = vector.shape_cast %broadcast_in_dim3A_415 : vector<16x1xi32> to vector<16xi32>
      %gather3A_767 = tpu.dynamic_gather %add3A_765[%gather3A_766] in [0] : vector<16xf32>, vector<16xi32> -> vector<16xf32>
      %add3A_768 = arith.addf %add3A_765, %gather3A_767 : vector<16xf32>
      %max3A_769 = arith.constant 1.000000e+00 : f32
      %max3A_770 = vector.broadcast %max3A_769 : f32 to vector<16xf32>
      %max3A_771 = arith.maximumf %add3A_768, %max3A_770 : vector<16xf32>
      %div3A_772 = arith.divf %scan3A_755#0, %max3A_771 : vector<16xf32>
      %swap3A_773 = arith.index_cast %add3A_746 : i32 to index
      %swap3A_774 = arith.constant 0 : index
      %swap3A_775 = tpu.vector_load %arg14[%swap3A_773, %swap3A_774] {strides = array<i32>} : memref<128x16xf32, #tpu.memory_space<vmem>>, vector<1x16xf32>,
      %swap3A_776 = vector.shape_cast %swap3A_775 : vector<1x16xf32> to vector<16xf32>
      %swap3A_777 = vector.shape_cast %div3A_772 : vector<16xf32> to vector<1x16xf32>
      tpu.vector_store %arg14[%swap3A_773, %swap3A_774], %swap3A_777 {strides = array<i32>} : memref<128x16xf32, #tpu.memory_space<vmem>>, vector<1x16xf32>,
      %add3A_778 = arith.constant 4 : i32
      %add3A_779 = arith.addi %mul3A_536, %add3A_778 : i32
      %add3A_780 = arith.constant 7 : i32
      %add3A_781 = arith.addi %add3A_779, %add3A_780 : i32
      %lt3A_782 = arith.constant 128 : i32
      %lt3A_783 = arith.cmpi slt, %add3A_781, %lt3A_782 : i32
      %convert_element_type3A_784 = arith.extui %lt3A_783 : i1 to i32
      %cond3A_785 = arith.constant 0 : i32
      %cond3A_786 = arith.cmpi ne, %convert_element_type3A_784, %cond3A_785 : i32
      scf.if %cond3A_786 {
        %add3A_1027 = arith.constant 4 : i32
        %add3A_1028 = arith.addi %mul3A_536, %add3A_1027 : i32
        %add3A_1029 = arith.constant 7 : i32
        %add3A_1030 = arith.addi %add3A_1028, %add3A_1029 : i32
        %mul3A_1031 = arith.constant 256 : i32
        %mul3A_1032 = arith.muli %add3A_1030, %mul3A_1031 : i32
        %dma_start3A_1033 = arith.constant 0 : i32
        %dma_start3A_1034 = arith.constant 0 : i32
        %dma_start3A_1035 = tpu.memref_slice %arg9[%dma_start3A_1033, %dma_start3A_1034] : memref<208x16xf32, #tpu.memory_space<vmem>> -> memref<128x16xf32, #tpu.memory_space<vmem>>
        %dma_start3A_1036 = tpu.memref_slice %arg5[%mul3A_1032] : memref<32768xi32, #tpu.memory_space<vmem>> -> memref<128xi32, #tpu.memory_space<vmem>>
        %dma_start3A_1037 = arith.constant 0 : i32
        %dma_start3A_1038 = arith.constant 0 : i32
        %dma_start3A_1039 = tpu.memref_slice %arg3[%dma_start3A_1037, %dma_start3A_1038] : memref<1000000x16xf32, #tpu.memory_space<hbm>> -> memref<1000000x16xf32, #tpu.memory_space<hbm>>
        tpu.enqueue_indirect_dma source(%dma_start3A_1039 : memref<1000000x16xf32, #tpu.memory_space<hbm>>) target(%dma_start3A_1035 : memref<128x16xf32, #tpu.memory_space<vmem>>) offsets(%dma_start3A_1036 : memref<128xi32, #tpu.memory_space<vmem>>) semaphore(%arg18 : memref<!tpu.dma_semaphore, #tpu.memory_space<semaphore_mem>>)
        %add3A_1040 = arith.constant 128 : i32
        %add3A_1041 = arith.addi %mul3A_1032, %add3A_1040 : i32
        %dma_start3A_1042 = arith.constant 128 : i32
        %dma_start3A_1043 = arith.constant 0 : i32
        %dma_start3A_1044 = tpu.memref_slice %arg9[%dma_start3A_1042, %dma_start3A_1043] : memref<208x16xf32, #tpu.memory_space<vmem>> -> memref<72x16xf32, #tpu.memory_space<vmem>>
        %dma_start3A_1045 = tpu.memref_slice %arg5[%add3A_1041] : memref<32768xi32, #tpu.memory_space<vmem>> -> memref<72xi32, #tpu.memory_space<vmem>>
        %dma_start3A_1046 = arith.constant 0 : i32
        %dma_start3A_1047 = arith.constant 0 : i32
        %dma_start3A_1048 = tpu.memref_slice %arg3[%dma_start3A_1046, %dma_start3A_1047] : memref<1000000x16xf32, #tpu.memory_space<hbm>> -> memref<1000000x16xf32, #tpu.memory_space<hbm>>
        tpu.enqueue_indirect_dma source(%dma_start3A_1048 : memref<1000000x16xf32, #tpu.memory_space<hbm>>) target(%dma_start3A_1044 : memref<72x16xf32, #tpu.memory_space<vmem>>) offsets(%dma_start3A_1045 : memref<72xi32, #tpu.memory_space<vmem>>) semaphore(%arg18 : memref<!tpu.dma_semaphore, #tpu.memory_space<semaphore_mem>>)
      } else {
      }
      %add3A_787 = arith.constant 4 : i32
      %add3A_788 = arith.addi %mul3A_536, %add3A_787 : i32
      %mul3A_789 = arith.constant 256 : i32
      %mul3A_790 = arith.muli %add3A_788, %mul3A_789 : i32
      %dma_wait3A_791 = arith.constant 0 : i32
      %dma_wait3A_792 = arith.constant 0 : i32
      %dma_wait3A_793 = tpu.memref_slice %arg10[%dma_wait3A_791, %dma_wait3A_792] : memref<208x16xf32, #tpu.memory_space<vmem>> -> memref<128x16xf32, #tpu.memory_space<vmem>>
      %dma_wait3A_794 = tpu.memref_slice %arg5[%mul3A_790] : memref<32768xi32, #tpu.memory_space<vmem>> -> memref<128xi32, #tpu.memory_space<vmem>>
      %dma_wait3A_795 = arith.constant 0 : i32
      %dma_wait3A_796 = arith.constant 0 : i32
      %dma_wait3A_797 = tpu.memref_slice %arg3[%dma_wait3A_795, %dma_wait3A_796] : memref<1000000x16xf32, #tpu.memory_space<hbm>> -> memref<1000000x16xf32, #tpu.memory_space<hbm>>
      tpu.wait_indirect_dma semaphore(%arg19 : memref<!tpu.dma_semaphore, #tpu.memory_space<semaphore_mem>>) src(%dma_wait3A_797 : memref<1000000x16xf32, #tpu.memory_space<hbm>>) dst(%dma_wait3A_793 : memref<128x16xf32, #tpu.memory_space<vmem>>)
      %add3A_798 = arith.constant 128 : i32
      %add3A_799 = arith.addi %mul3A_790, %add3A_798 : i32
      %dma_wait3A_800 = arith.constant 128 : i32
      %dma_wait3A_801 = arith.constant 0 : i32
      %dma_wait3A_802 = tpu.memref_slice %arg10[%dma_wait3A_800, %dma_wait3A_801] : memref<208x16xf32, #tpu.memory_space<vmem>> -> memref<72x16xf32, #tpu.memory_space<vmem>>
      %dma_wait3A_803 = tpu.memref_slice %arg5[%add3A_799] : memref<32768xi32, #tpu.memory_space<vmem>> -> memref<72xi32, #tpu.memory_space<vmem>>
      %dma_wait3A_804 = arith.constant 0 : i32
      %dma_wait3A_805 = arith.constant 0 : i32
      %dma_wait3A_806 = tpu.memref_slice %arg3[%dma_wait3A_804, %dma_wait3A_805] : memref<1000000x16xf32, #tpu.memory_space<hbm>> -> memref<1000000x16xf32, #tpu.memory_space<hbm>>
      tpu.wait_indirect_dma semaphore(%arg19 : memref<!tpu.dma_semaphore, #tpu.memory_space<semaphore_mem>>) src(%dma_wait3A_806 : memref<1000000x16xf32, #tpu.memory_space<hbm>>) dst(%dma_wait3A_802 : memref<72x16xf32, #tpu.memory_space<vmem>>)
      %add3A_807 = arith.constant 4 : i32
      %add3A_808 = arith.addi %mul3A_536, %add3A_807 : i32
      %mul3A_809 = arith.constant 256 : i32
      %mul3A_810 = arith.muli %add3A_808, %mul3A_809 : i32
      %broadcast_in_dim3A_811 = arith.constant 0.000000e+00 : f32
      %broadcast_in_dim3A_812 = vector.broadcast %broadcast_in_dim3A_811 : f32 to vector<16xf32>
      %scan3A_813 = arith.constant 0 : i32
      %scan3A_814 = arith.constant 13 : i32
      %scan3A_815 = arith.addi %scan3A_813, %scan3A_814 : i32
      %scan3A_816 = arith.constant 1 : i32
      %scan3A_817:2 = scf.for %scan3A_1027 = %scan3A_813 to %scan3A_815 step %scan3A_816 iter_args(%scan3A_1028 = %broadcast_in_dim3A_812, %scan3A_1029 = %broadcast_in_dim3A_812) -> (vector<16xf32>, vector<16xf32>)  : i32 {
        %mul3A_1030 = arith.constant 16 : i32
        %mul3A_1031 = arith.muli %scan3A_1027, %mul3A_1030 : i32
        %add3A_1032 = arith.constant 0 : i32
        %add3A_1033 = arith.addi %mul3A_1031, %add3A_1032 : i32
        %get3A = arith.index_cast %add3A_1033 : i32 to index
        %get3A_1034 = arith.constant 0 : index
        %get3A_1035 = tpu.vector_load %arg10[%get3A, %get3A_1034] {strides = array<i32>} : memref<208x16xf32, #tpu.memory_space<vmem>>, vector<1x16xf32>,
        %get3A_1036 = vector.shape_cast %get3A_1035 : vector<1x16xf32> to vector<16xf32>
        %add3A_1037 = arith.constant 0 : i32
        %add3A_1038 = arith.addi %mul3A_1031, %add3A_1037 : i32
        %add3A_1039 = arith.constant 1 : i32
        %add3A_1040 = arith.addi %add3A_1038, %add3A_1039 : i32
        %get3A_1041 = arith.index_cast %add3A_1040 : i32 to index
        %get3A_1042 = arith.constant 0 : index
        %get3A_1043 = tpu.vector_load %arg10[%get3A_1041, %get3A_1042] {strides = array<i32>} : memref<208x16xf32, #tpu.memory_space<vmem>>, vector<1x16xf32>,
        %get3A_1044 = vector.shape_cast %get3A_1043 : vector<1x16xf32> to vector<16xf32>
        %add3A_1045 = arith.addf %get3A_1036, %get3A_1044 : vector<16xf32>
        %add3A_1046 = arith.addf %scan3A_1028, %add3A_1045 : vector<16xf32>
        %add3A_1047 = arith.constant 2 : i32
        %add3A_1048 = arith.addi %mul3A_1031, %add3A_1047 : i32
        %get3A_1049 = arith.index_cast %add3A_1048 : i32 to index
        %get3A_1050 = arith.constant 0 : index
        %get3A_1051 = tpu.vector_load %arg10[%get3A_1049, %get3A_1050] {strides = array<i32>} : memref<208x16xf32, #tpu.memory_space<vmem>>, vector<1x16xf32>,
        %get3A_1052 = vector.shape_cast %get3A_1051 : vector<1x16xf32> to vector<16xf32>
        %add3A_1053 = arith.constant 2 : i32
        %add3A_1054 = arith.addi %mul3A_1031, %add3A_1053 : i32
        %add3A_1055 = arith.constant 1 : i32
        %add3A_1056 = arith.addi %add3A_1054, %add3A_1055 : i32
        %get3A_1057 = arith.index_cast %add3A_1056 : i32 to index
        %get3A_1058 = arith.constant 0 : index
        %get3A_1059 = tpu.vector_load %arg10[%get3A_1057, %get3A_1058] {strides = array<i32>} : memref<208x16xf32, #tpu.memory_space<vmem>>, vector<1x16xf32>,
        %get3A_1060 = vector.shape_cast %get3A_1059 : vector<1x16xf32> to vector<16xf32>
        %add3A_1061 = arith.addf %get3A_1052, %get3A_1060 : vector<16xf32>
        %add3A_1062 = arith.addf %add3A_1046, %add3A_1061 : vector<16xf32>
        %add3A_1063 = arith.constant 4 : i32
        %add3A_1064 = arith.addi %mul3A_1031, %add3A_1063 : i32
        %get3A_1065 = arith.index_cast %add3A_1064 : i32 to index
        %get3A_1066 = arith.constant 0 : index
        %get3A_1067 = tpu.vector_load %arg10[%get3A_1065, %get3A_1066] {strides = array<i32>} : memref<208x16xf32, #tpu.memory_space<vmem>>, vector<1x16xf32>,
        %get3A_1068 = vector.shape_cast %get3A_1067 : vector<1x16xf32> to vector<16xf32>
        %add3A_1069 = arith.constant 4 : i32
        %add3A_1070 = arith.addi %mul3A_1031, %add3A_1069 : i32
        %add3A_1071 = arith.constant 1 : i32
        %add3A_1072 = arith.addi %add3A_1070, %add3A_1071 : i32
        %get3A_1073 = arith.index_cast %add3A_1072 : i32 to index
        %get3A_1074 = arith.constant 0 : index
        %get3A_1075 = tpu.vector_load %arg10[%get3A_1073, %get3A_1074] {strides = array<i32>} : memref<208x16xf32, #tpu.memory_space<vmem>>, vector<1x16xf32>,
        %get3A_1076 = vector.shape_cast %get3A_1075 : vector<1x16xf32> to vector<16xf32>
        %add3A_1077 = arith.addf %get3A_1068, %get3A_1076 : vector<16xf32>
        %add3A_1078 = arith.addf %add3A_1062, %add3A_1077 : vector<16xf32>
        %add3A_1079 = arith.constant 6 : i32
        %add3A_1080 = arith.addi %mul3A_1031, %add3A_1079 : i32
        %get3A_1081 = arith.index_cast %add3A_1080 : i32 to index
        %get3A_1082 = arith.constant 0 : index
        %get3A_1083 = tpu.vector_load %arg10[%get3A_1081, %get3A_1082] {strides = array<i32>} : memref<208x16xf32, #tpu.memory_space<vmem>>, vector<1x16xf32>,
        %get3A_1084 = vector.shape_cast %get3A_1083 : vector<1x16xf32> to vector<16xf32>
        %add3A_1085 = arith.constant 6 : i32
        %add3A_1086 = arith.addi %mul3A_1031, %add3A_1085 : i32
        %add3A_1087 = arith.constant 1 : i32
        %add3A_1088 = arith.addi %add3A_1086, %add3A_1087 : i32
        %get3A_1089 = arith.index_cast %add3A_1088 : i32 to index
        %get3A_1090 = arith.constant 0 : index
        %get3A_1091 = tpu.vector_load %arg10[%get3A_1089, %get3A_1090] {strides = array<i32>} : memref<208x16xf32, #tpu.memory_space<vmem>>, vector<1x16xf32>,
        %get3A_1092 = vector.shape_cast %get3A_1091 : vector<1x16xf32> to vector<16xf32>
        %add3A_1093 = arith.addf %get3A_1084, %get3A_1092 : vector<16xf32>
        %add3A_1094 = arith.addf %add3A_1078, %add3A_1093 : vector<16xf32>
        %add3A_1095 = arith.constant 8 : i32
        %add3A_1096 = arith.addi %mul3A_1031, %add3A_1095 : i32
        %get3A_1097 = arith.index_cast %add3A_1096 : i32 to index
        %get3A_1098 = arith.constant 0 : index
        %get3A_1099 = tpu.vector_load %arg10[%get3A_1097, %get3A_1098] {strides = array<i32>} : memref<208x16xf32, #tpu.memory_space<vmem>>, vector<1x16xf32>,
        %get3A_1100 = vector.shape_cast %get3A_1099 : vector<1x16xf32> to vector<16xf32>
        %add3A_1101 = arith.constant 8 : i32
        %add3A_1102 = arith.addi %mul3A_1031, %add3A_1101 : i32
        %add3A_1103 = arith.constant 1 : i32
        %add3A_1104 = arith.addi %add3A_1102, %add3A_1103 : i32
        %get3A_1105 = arith.index_cast %add3A_1104 : i32 to index
        %get3A_1106 = arith.constant 0 : index
        %get3A_1107 = tpu.vector_load %arg10[%get3A_1105, %get3A_1106] {strides = array<i32>} : memref<208x16xf32, #tpu.memory_space<vmem>>, vector<1x16xf32>,
        %get3A_1108 = vector.shape_cast %get3A_1107 : vector<1x16xf32> to vector<16xf32>
        %add3A_1109 = arith.addf %get3A_1100, %get3A_1108 : vector<16xf32>
        %add3A_1110 = arith.addf %add3A_1094, %add3A_1109 : vector<16xf32>
        %add3A_1111 = arith.constant 10 : i32
        %add3A_1112 = arith.addi %mul3A_1031, %add3A_1111 : i32
        %get3A_1113 = arith.index_cast %add3A_1112 : i32 to index
        %get3A_1114 = arith.constant 0 : index
        %get3A_1115 = tpu.vector_load %arg10[%get3A_1113, %get3A_1114] {strides = array<i32>} : memref<208x16xf32, #tpu.memory_space<vmem>>, vector<1x16xf32>,
        %get3A_1116 = vector.shape_cast %get3A_1115 : vector<1x16xf32> to vector<16xf32>
        %add3A_1117 = arith.constant 10 : i32
        %add3A_1118 = arith.addi %mul3A_1031, %add3A_1117 : i32
        %add3A_1119 = arith.constant 1 : i32
        %add3A_1120 = arith.addi %add3A_1118, %add3A_1119 : i32
        %get3A_1121 = arith.index_cast %add3A_1120 : i32 to index
        %get3A_1122 = arith.constant 0 : index
        %get3A_1123 = tpu.vector_load %arg10[%get3A_1121, %get3A_1122] {strides = array<i32>} : memref<208x16xf32, #tpu.memory_space<vmem>>, vector<1x16xf32>,
        %get3A_1124 = vector.shape_cast %get3A_1123 : vector<1x16xf32> to vector<16xf32>
        %add3A_1125 = arith.addf %get3A_1116, %get3A_1124 : vector<16xf32>
        %add3A_1126 = arith.addf %add3A_1110, %add3A_1125 : vector<16xf32>
        %add3A_1127 = arith.constant 12 : i32
        %add3A_1128 = arith.addi %mul3A_1031, %add3A_1127 : i32
        %get3A_1129 = arith.index_cast %add3A_1128 : i32 to index
        %get3A_1130 = arith.constant 0 : index
        %get3A_1131 = tpu.vector_load %arg10[%get3A_1129, %get3A_1130] {strides = array<i32>} : memref<208x16xf32, #tpu.memory_space<vmem>>, vector<1x16xf32>,
        %get3A_1132 = vector.shape_cast %get3A_1131 : vector<1x16xf32> to vector<16xf32>
        %add3A_1133 = arith.constant 12 : i32
        %add3A_1134 = arith.addi %mul3A_1031, %add3A_1133 : i32
        %add3A_1135 = arith.constant 1 : i32
        %add3A_1136 = arith.addi %add3A_1134, %add3A_1135 : i32
        %get3A_1137 = arith.index_cast %add3A_1136 : i32 to index
        %get3A_1138 = arith.constant 0 : index
        %get3A_1139 = tpu.vector_load %arg10[%get3A_1137, %get3A_1138] {strides = array<i32>} : memref<208x16xf32, #tpu.memory_space<vmem>>, vector<1x16xf32>,
        %get3A_1140 = vector.shape_cast %get3A_1139 : vector<1x16xf32> to vector<16xf32>
        %add3A_1141 = arith.addf %get3A_1132, %get3A_1140 : vector<16xf32>
        %add3A_1142 = arith.addf %add3A_1126, %add3A_1141 : vector<16xf32>
        %add3A_1143 = arith.constant 14 : i32
        %add3A_1144 = arith.addi %mul3A_1031, %add3A_1143 : i32
        %get3A_1145 = arith.index_cast %add3A_1144 : i32 to index
        %get3A_1146 = arith.constant 0 : index
        %get3A_1147 = tpu.vector_load %arg10[%get3A_1145, %get3A_1146] {strides = array<i32>} : memref<208x16xf32, #tpu.memory_space<vmem>>, vector<1x16xf32>,
        %get3A_1148 = vector.shape_cast %get3A_1147 : vector<1x16xf32> to vector<16xf32>
        %add3A_1149 = arith.constant 14 : i32
        %add3A_1150 = arith.addi %mul3A_1031, %add3A_1149 : i32
        %add3A_1151 = arith.constant 1 : i32
        %add3A_1152 = arith.addi %add3A_1150, %add3A_1151 : i32
        %get3A_1153 = arith.index_cast %add3A_1152 : i32 to index
        %get3A_1154 = arith.constant 0 : index
        %get3A_1155 = tpu.vector_load %arg10[%get3A_1153, %get3A_1154] {strides = array<i32>} : memref<208x16xf32, #tpu.memory_space<vmem>>, vector<1x16xf32>,
        %get3A_1156 = vector.shape_cast %get3A_1155 : vector<1x16xf32> to vector<16xf32>
        %add3A_1157 = arith.addf %get3A_1148, %get3A_1156 : vector<16xf32>
        %add3A_1158 = arith.addf %add3A_1142, %add3A_1157 : vector<16xf32>
        %add3A_1159 = arith.addi %mul3A_810, %mul3A_1031 : i32
        %get3A_1160 = arith.index_cast %add3A_1159 : i32 to index
        %get3A_1161 = tpu.vector_load %arg5[%get3A_1160] {strides = array<i32>} : memref<32768xi32, #tpu.memory_space<vmem>>, vector<16xi32>,
        %get3A_1162 = vector.shape_cast %get3A_1161 : vector<16xi32> to vector<16xi32>
        %ne3A = arith.constant 0 : i32
        %ne3A_1163 = vector.broadcast %ne3A : i32 to vector<16xi32>
        %ne3A_1164 = arith.cmpi ne, %get3A_1162, %ne3A_1163 : vector<16xi32>
        %jit3A = arith.constant 1.000000e+00 : f32
        %jit3A_1165 = arith.constant 0.000000e+00 : f32
        %broadcast_in_dim3A_1166 = vector.broadcast %jit3A : f32 to vector<16xf32>
        %broadcast_in_dim3A_1167 = vector.broadcast %jit3A_1165 : f32 to vector<16xf32>
        %select_n3A = arith.select %ne3A_1164, %broadcast_in_dim3A_1166, %broadcast_in_dim3A_1167 : vector<16xi1>, vector<16xf32>
        %add3A_1168 = arith.addf %scan3A_1029, %select_n3A : vector<16xf32>
        scf.yield %add3A_1158, %add3A_1168 : vector<16xf32>, vector<16xf32>
      }
      %scan3A_818 = arith.constant 13 : i32
      %gather3A_819 = vector.shape_cast %broadcast_in_dim3A_394 : vector<16x1xi32> to vector<16xi32>
      %gather3A_820 = tpu.dynamic_gather %scan3A_817#1[%gather3A_819] in [0] : vector<16xf32>, vector<16xi32> -> vector<16xf32>
      %add3A_821 = arith.addf %scan3A_817#1, %gather3A_820 : vector<16xf32>
      %gather3A_822 = vector.shape_cast %broadcast_in_dim3A_401 : vector<16x1xi32> to vector<16xi32>
      %gather3A_823 = tpu.dynamic_gather %add3A_821[%gather3A_822] in [0] : vector<16xf32>, vector<16xi32> -> vector<16xf32>
      %add3A_824 = arith.addf %add3A_821, %gather3A_823 : vector<16xf32>
      %gather3A_825 = vector.shape_cast %broadcast_in_dim3A_408 : vector<16x1xi32> to vector<16xi32>
      %gather3A_826 = tpu.dynamic_gather %add3A_824[%gather3A_825] in [0] : vector<16xf32>, vector<16xi32> -> vector<16xf32>
      %add3A_827 = arith.addf %add3A_824, %gather3A_826 : vector<16xf32>
      %gather3A_828 = vector.shape_cast %broadcast_in_dim3A_415 : vector<16x1xi32> to vector<16xi32>
      %gather3A_829 = tpu.dynamic_gather %add3A_827[%gather3A_828] in [0] : vector<16xf32>, vector<16xi32> -> vector<16xf32>
      %add3A_830 = arith.addf %add3A_827, %gather3A_829 : vector<16xf32>
      %max3A_831 = arith.constant 1.000000e+00 : f32
      %max3A_832 = vector.broadcast %max3A_831 : f32 to vector<16xf32>
      %max3A_833 = arith.maximumf %add3A_830, %max3A_832 : vector<16xf32>
      %div3A_834 = arith.divf %scan3A_817#0, %max3A_833 : vector<16xf32>
      %swap3A_835 = arith.index_cast %add3A_808 : i32 to index
      %swap3A_836 = arith.constant 0 : index
      %swap3A_837 = tpu.vector_load %arg14[%swap3A_835, %swap3A_836] {strides = array<i32>} : memref<128x16xf32, #tpu.memory_space<vmem>>, vector<1x16xf32>,
      %swap3A_838 = vector.shape_cast %swap3A_837 : vector<1x16xf32> to vector<16xf32>
      %swap3A_839 = vector.shape_cast %div3A_834 : vector<16xf32> to vector<1x16xf32>
      tpu.vector_store %arg14[%swap3A_835, %swap3A_836], %swap3A_839 {strides = array<i32>} : memref<128x16xf32, #tpu.memory_space<vmem>>, vector<1x16xf32>,
      %add3A_840 = arith.constant 5 : i32
      %add3A_841 = arith.addi %mul3A_536, %add3A_840 : i32
      %add3A_842 = arith.constant 7 : i32
      %add3A_843 = arith.addi %add3A_841, %add3A_842 : i32
      %lt3A_844 = arith.constant 128 : i32
      %lt3A_845 = arith.cmpi slt, %add3A_843, %lt3A_844 : i32
      %convert_element_type3A_846 = arith.extui %lt3A_845 : i1 to i32
      %cond3A_847 = arith.constant 0 : i32
      %cond3A_848 = arith.cmpi ne, %convert_element_type3A_846, %cond3A_847 : i32
      scf.if %cond3A_848 {
        %add3A_1027 = arith.constant 5 : i32
        %add3A_1028 = arith.addi %mul3A_536, %add3A_1027 : i32
        %add3A_1029 = arith.constant 7 : i32
        %add3A_1030 = arith.addi %add3A_1028, %add3A_1029 : i32
        %mul3A_1031 = arith.constant 256 : i32
        %mul3A_1032 = arith.muli %add3A_1030, %mul3A_1031 : i32
        %dma_start3A_1033 = arith.constant 0 : i32
        %dma_start3A_1034 = arith.constant 0 : i32
        %dma_start3A_1035 = tpu.memref_slice %arg10[%dma_start3A_1033, %dma_start3A_1034] : memref<208x16xf32, #tpu.memory_space<vmem>> -> memref<128x16xf32, #tpu.memory_space<vmem>>
        %dma_start3A_1036 = tpu.memref_slice %arg5[%mul3A_1032] : memref<32768xi32, #tpu.memory_space<vmem>> -> memref<128xi32, #tpu.memory_space<vmem>>
        %dma_start3A_1037 = arith.constant 0 : i32
        %dma_start3A_1038 = arith.constant 0 : i32
        %dma_start3A_1039 = tpu.memref_slice %arg3[%dma_start3A_1037, %dma_start3A_1038] : memref<1000000x16xf32, #tpu.memory_space<hbm>> -> memref<1000000x16xf32, #tpu.memory_space<hbm>>
        tpu.enqueue_indirect_dma source(%dma_start3A_1039 : memref<1000000x16xf32, #tpu.memory_space<hbm>>) target(%dma_start3A_1035 : memref<128x16xf32, #tpu.memory_space<vmem>>) offsets(%dma_start3A_1036 : memref<128xi32, #tpu.memory_space<vmem>>) semaphore(%arg19 : memref<!tpu.dma_semaphore, #tpu.memory_space<semaphore_mem>>)
        %add3A_1040 = arith.constant 128 : i32
        %add3A_1041 = arith.addi %mul3A_1032, %add3A_1040 : i32
        %dma_start3A_1042 = arith.constant 128 : i32
        %dma_start3A_1043 = arith.constant 0 : i32
        %dma_start3A_1044 = tpu.memref_slice %arg10[%dma_start3A_1042, %dma_start3A_1043] : memref<208x16xf32, #tpu.memory_space<vmem>> -> memref<72x16xf32, #tpu.memory_space<vmem>>
        %dma_start3A_1045 = tpu.memref_slice %arg5[%add3A_1041] : memref<32768xi32, #tpu.memory_space<vmem>> -> memref<72xi32, #tpu.memory_space<vmem>>
        %dma_start3A_1046 = arith.constant 0 : i32
        %dma_start3A_1047 = arith.constant 0 : i32
        %dma_start3A_1048 = tpu.memref_slice %arg3[%dma_start3A_1046, %dma_start3A_1047] : memref<1000000x16xf32, #tpu.memory_space<hbm>> -> memref<1000000x16xf32, #tpu.memory_space<hbm>>
        tpu.enqueue_indirect_dma source(%dma_start3A_1048 : memref<1000000x16xf32, #tpu.memory_space<hbm>>) target(%dma_start3A_1044 : memref<72x16xf32, #tpu.memory_space<vmem>>) offsets(%dma_start3A_1045 : memref<72xi32, #tpu.memory_space<vmem>>) semaphore(%arg19 : memref<!tpu.dma_semaphore, #tpu.memory_space<semaphore_mem>>)
      } else {
      }
      %add3A_849 = arith.constant 5 : i32
      %add3A_850 = arith.addi %mul3A_536, %add3A_849 : i32
      %mul3A_851 = arith.constant 256 : i32
      %mul3A_852 = arith.muli %add3A_850, %mul3A_851 : i32
      %dma_wait3A_853 = arith.constant 0 : i32
      %dma_wait3A_854 = arith.constant 0 : i32
      %dma_wait3A_855 = tpu.memref_slice %arg11[%dma_wait3A_853, %dma_wait3A_854] : memref<208x16xf32, #tpu.memory_space<vmem>> -> memref<128x16xf32, #tpu.memory_space<vmem>>
      %dma_wait3A_856 = tpu.memref_slice %arg5[%mul3A_852] : memref<32768xi32, #tpu.memory_space<vmem>> -> memref<128xi32, #tpu.memory_space<vmem>>
      %dma_wait3A_857 = arith.constant 0 : i32
      %dma_wait3A_858 = arith.constant 0 : i32
      %dma_wait3A_859 = tpu.memref_slice %arg3[%dma_wait3A_857, %dma_wait3A_858] : memref<1000000x16xf32, #tpu.memory_space<hbm>> -> memref<1000000x16xf32, #tpu.memory_space<hbm>>
      tpu.wait_indirect_dma semaphore(%arg20 : memref<!tpu.dma_semaphore, #tpu.memory_space<semaphore_mem>>) src(%dma_wait3A_859 : memref<1000000x16xf32, #tpu.memory_space<hbm>>) dst(%dma_wait3A_855 : memref<128x16xf32, #tpu.memory_space<vmem>>)
      %add3A_860 = arith.constant 128 : i32
      %add3A_861 = arith.addi %mul3A_852, %add3A_860 : i32
      %dma_wait3A_862 = arith.constant 128 : i32
      %dma_wait3A_863 = arith.constant 0 : i32
      %dma_wait3A_864 = tpu.memref_slice %arg11[%dma_wait3A_862, %dma_wait3A_863] : memref<208x16xf32, #tpu.memory_space<vmem>> -> memref<72x16xf32, #tpu.memory_space<vmem>>
      %dma_wait3A_865 = tpu.memref_slice %arg5[%add3A_861] : memref<32768xi32, #tpu.memory_space<vmem>> -> memref<72xi32, #tpu.memory_space<vmem>>
      %dma_wait3A_866 = arith.constant 0 : i32
      %dma_wait3A_867 = arith.constant 0 : i32
      %dma_wait3A_868 = tpu.memref_slice %arg3[%dma_wait3A_866, %dma_wait3A_867] : memref<1000000x16xf32, #tpu.memory_space<hbm>> -> memref<1000000x16xf32, #tpu.memory_space<hbm>>
      tpu.wait_indirect_dma semaphore(%arg20 : memref<!tpu.dma_semaphore, #tpu.memory_space<semaphore_mem>>) src(%dma_wait3A_868 : memref<1000000x16xf32, #tpu.memory_space<hbm>>) dst(%dma_wait3A_864 : memref<72x16xf32, #tpu.memory_space<vmem>>)
      %add3A_869 = arith.constant 5 : i32
      %add3A_870 = arith.addi %mul3A_536, %add3A_869 : i32
      %mul3A_871 = arith.constant 256 : i32
      %mul3A_872 = arith.muli %add3A_870, %mul3A_871 : i32
      %broadcast_in_dim3A_873 = arith.constant 0.000000e+00 : f32
      %broadcast_in_dim3A_874 = vector.broadcast %broadcast_in_dim3A_873 : f32 to vector<16xf32>
      %scan3A_875 = arith.constant 0 : i32
      %scan3A_876 = arith.constant 13 : i32
      %scan3A_877 = arith.addi %scan3A_875, %scan3A_876 : i32
      %scan3A_878 = arith.constant 1 : i32
      %scan3A_879:2 = scf.for %scan3A_1027 = %scan3A_875 to %scan3A_877 step %scan3A_878 iter_args(%scan3A_1028 = %broadcast_in_dim3A_874, %scan3A_1029 = %broadcast_in_dim3A_874) -> (vector<16xf32>, vector<16xf32>)  : i32 {
        %mul3A_1030 = arith.constant 16 : i32
        %mul3A_1031 = arith.muli %scan3A_1027, %mul3A_1030 : i32
        %add3A_1032 = arith.constant 0 : i32
        %add3A_1033 = arith.addi %mul3A_1031, %add3A_1032 : i32
        %get3A = arith.index_cast %add3A_1033 : i32 to index
        %get3A_1034 = arith.constant 0 : index
        %get3A_1035 = tpu.vector_load %arg11[%get3A, %get3A_1034] {strides = array<i32>} : memref<208x16xf32, #tpu.memory_space<vmem>>, vector<1x16xf32>,
        %get3A_1036 = vector.shape_cast %get3A_1035 : vector<1x16xf32> to vector<16xf32>
        %add3A_1037 = arith.constant 0 : i32
        %add3A_1038 = arith.addi %mul3A_1031, %add3A_1037 : i32
        %add3A_1039 = arith.constant 1 : i32
        %add3A_1040 = arith.addi %add3A_1038, %add3A_1039 : i32
        %get3A_1041 = arith.index_cast %add3A_1040 : i32 to index
        %get3A_1042 = arith.constant 0 : index
        %get3A_1043 = tpu.vector_load %arg11[%get3A_1041, %get3A_1042] {strides = array<i32>} : memref<208x16xf32, #tpu.memory_space<vmem>>, vector<1x16xf32>,
        %get3A_1044 = vector.shape_cast %get3A_1043 : vector<1x16xf32> to vector<16xf32>
        %add3A_1045 = arith.addf %get3A_1036, %get3A_1044 : vector<16xf32>
        %add3A_1046 = arith.addf %scan3A_1028, %add3A_1045 : vector<16xf32>
        %add3A_1047 = arith.constant 2 : i32
        %add3A_1048 = arith.addi %mul3A_1031, %add3A_1047 : i32
        %get3A_1049 = arith.index_cast %add3A_1048 : i32 to index
        %get3A_1050 = arith.constant 0 : index
        %get3A_1051 = tpu.vector_load %arg11[%get3A_1049, %get3A_1050] {strides = array<i32>} : memref<208x16xf32, #tpu.memory_space<vmem>>, vector<1x16xf32>,
        %get3A_1052 = vector.shape_cast %get3A_1051 : vector<1x16xf32> to vector<16xf32>
        %add3A_1053 = arith.constant 2 : i32
        %add3A_1054 = arith.addi %mul3A_1031, %add3A_1053 : i32
        %add3A_1055 = arith.constant 1 : i32
        %add3A_1056 = arith.addi %add3A_1054, %add3A_1055 : i32
        %get3A_1057 = arith.index_cast %add3A_1056 : i32 to index
        %get3A_1058 = arith.constant 0 : index
        %get3A_1059 = tpu.vector_load %arg11[%get3A_1057, %get3A_1058] {strides = array<i32>} : memref<208x16xf32, #tpu.memory_space<vmem>>, vector<1x16xf32>,
        %get3A_1060 = vector.shape_cast %get3A_1059 : vector<1x16xf32> to vector<16xf32>
        %add3A_1061 = arith.addf %get3A_1052, %get3A_1060 : vector<16xf32>
        %add3A_1062 = arith.addf %add3A_1046, %add3A_1061 : vector<16xf32>
        %add3A_1063 = arith.constant 4 : i32
        %add3A_1064 = arith.addi %mul3A_1031, %add3A_1063 : i32
        %get3A_1065 = arith.index_cast %add3A_1064 : i32 to index
        %get3A_1066 = arith.constant 0 : index
        %get3A_1067 = tpu.vector_load %arg11[%get3A_1065, %get3A_1066] {strides = array<i32>} : memref<208x16xf32, #tpu.memory_space<vmem>>, vector<1x16xf32>,
        %get3A_1068 = vector.shape_cast %get3A_1067 : vector<1x16xf32> to vector<16xf32>
        %add3A_1069 = arith.constant 4 : i32
        %add3A_1070 = arith.addi %mul3A_1031, %add3A_1069 : i32
        %add3A_1071 = arith.constant 1 : i32
        %add3A_1072 = arith.addi %add3A_1070, %add3A_1071 : i32
        %get3A_1073 = arith.index_cast %add3A_1072 : i32 to index
        %get3A_1074 = arith.constant 0 : index
        %get3A_1075 = tpu.vector_load %arg11[%get3A_1073, %get3A_1074] {strides = array<i32>} : memref<208x16xf32, #tpu.memory_space<vmem>>, vector<1x16xf32>,
        %get3A_1076 = vector.shape_cast %get3A_1075 : vector<1x16xf32> to vector<16xf32>
        %add3A_1077 = arith.addf %get3A_1068, %get3A_1076 : vector<16xf32>
        %add3A_1078 = arith.addf %add3A_1062, %add3A_1077 : vector<16xf32>
        %add3A_1079 = arith.constant 6 : i32
        %add3A_1080 = arith.addi %mul3A_1031, %add3A_1079 : i32
        %get3A_1081 = arith.index_cast %add3A_1080 : i32 to index
        %get3A_1082 = arith.constant 0 : index
        %get3A_1083 = tpu.vector_load %arg11[%get3A_1081, %get3A_1082] {strides = array<i32>} : memref<208x16xf32, #tpu.memory_space<vmem>>, vector<1x16xf32>,
        %get3A_1084 = vector.shape_cast %get3A_1083 : vector<1x16xf32> to vector<16xf32>
        %add3A_1085 = arith.constant 6 : i32
        %add3A_1086 = arith.addi %mul3A_1031, %add3A_1085 : i32
        %add3A_1087 = arith.constant 1 : i32
        %add3A_1088 = arith.addi %add3A_1086, %add3A_1087 : i32
        %get3A_1089 = arith.index_cast %add3A_1088 : i32 to index
        %get3A_1090 = arith.constant 0 : index
        %get3A_1091 = tpu.vector_load %arg11[%get3A_1089, %get3A_1090] {strides = array<i32>} : memref<208x16xf32, #tpu.memory_space<vmem>>, vector<1x16xf32>,
        %get3A_1092 = vector.shape_cast %get3A_1091 : vector<1x16xf32> to vector<16xf32>
        %add3A_1093 = arith.addf %get3A_1084, %get3A_1092 : vector<16xf32>
        %add3A_1094 = arith.addf %add3A_1078, %add3A_1093 : vector<16xf32>
        %add3A_1095 = arith.constant 8 : i32
        %add3A_1096 = arith.addi %mul3A_1031, %add3A_1095 : i32
        %get3A_1097 = arith.index_cast %add3A_1096 : i32 to index
        %get3A_1098 = arith.constant 0 : index
        %get3A_1099 = tpu.vector_load %arg11[%get3A_1097, %get3A_1098] {strides = array<i32>} : memref<208x16xf32, #tpu.memory_space<vmem>>, vector<1x16xf32>,
        %get3A_1100 = vector.shape_cast %get3A_1099 : vector<1x16xf32> to vector<16xf32>
        %add3A_1101 = arith.constant 8 : i32
        %add3A_1102 = arith.addi %mul3A_1031, %add3A_1101 : i32
        %add3A_1103 = arith.constant 1 : i32
        %add3A_1104 = arith.addi %add3A_1102, %add3A_1103 : i32
        %get3A_1105 = arith.index_cast %add3A_1104 : i32 to index
        %get3A_1106 = arith.constant 0 : index
        %get3A_1107 = tpu.vector_load %arg11[%get3A_1105, %get3A_1106] {strides = array<i32>} : memref<208x16xf32, #tpu.memory_space<vmem>>, vector<1x16xf32>,
        %get3A_1108 = vector.shape_cast %get3A_1107 : vector<1x16xf32> to vector<16xf32>
        %add3A_1109 = arith.addf %get3A_1100, %get3A_1108 : vector<16xf32>
        %add3A_1110 = arith.addf %add3A_1094, %add3A_1109 : vector<16xf32>
        %add3A_1111 = arith.constant 10 : i32
        %add3A_1112 = arith.addi %mul3A_1031, %add3A_1111 : i32
        %get3A_1113 = arith.index_cast %add3A_1112 : i32 to index
        %get3A_1114 = arith.constant 0 : index
        %get3A_1115 = tpu.vector_load %arg11[%get3A_1113, %get3A_1114] {strides = array<i32>} : memref<208x16xf32, #tpu.memory_space<vmem>>, vector<1x16xf32>,
        %get3A_1116 = vector.shape_cast %get3A_1115 : vector<1x16xf32> to vector<16xf32>
        %add3A_1117 = arith.constant 10 : i32
        %add3A_1118 = arith.addi %mul3A_1031, %add3A_1117 : i32
        %add3A_1119 = arith.constant 1 : i32
        %add3A_1120 = arith.addi %add3A_1118, %add3A_1119 : i32
        %get3A_1121 = arith.index_cast %add3A_1120 : i32 to index
        %get3A_1122 = arith.constant 0 : index
        %get3A_1123 = tpu.vector_load %arg11[%get3A_1121, %get3A_1122] {strides = array<i32>} : memref<208x16xf32, #tpu.memory_space<vmem>>, vector<1x16xf32>,
        %get3A_1124 = vector.shape_cast %get3A_1123 : vector<1x16xf32> to vector<16xf32>
        %add3A_1125 = arith.addf %get3A_1116, %get3A_1124 : vector<16xf32>
        %add3A_1126 = arith.addf %add3A_1110, %add3A_1125 : vector<16xf32>
        %add3A_1127 = arith.constant 12 : i32
        %add3A_1128 = arith.addi %mul3A_1031, %add3A_1127 : i32
        %get3A_1129 = arith.index_cast %add3A_1128 : i32 to index
        %get3A_1130 = arith.constant 0 : index
        %get3A_1131 = tpu.vector_load %arg11[%get3A_1129, %get3A_1130] {strides = array<i32>} : memref<208x16xf32, #tpu.memory_space<vmem>>, vector<1x16xf32>,
        %get3A_1132 = vector.shape_cast %get3A_1131 : vector<1x16xf32> to vector<16xf32>
        %add3A_1133 = arith.constant 12 : i32
        %add3A_1134 = arith.addi %mul3A_1031, %add3A_1133 : i32
        %add3A_1135 = arith.constant 1 : i32
        %add3A_1136 = arith.addi %add3A_1134, %add3A_1135 : i32
        %get3A_1137 = arith.index_cast %add3A_1136 : i32 to index
        %get3A_1138 = arith.constant 0 : index
        %get3A_1139 = tpu.vector_load %arg11[%get3A_1137, %get3A_1138] {strides = array<i32>} : memref<208x16xf32, #tpu.memory_space<vmem>>, vector<1x16xf32>,
        %get3A_1140 = vector.shape_cast %get3A_1139 : vector<1x16xf32> to vector<16xf32>
        %add3A_1141 = arith.addf %get3A_1132, %get3A_1140 : vector<16xf32>
        %add3A_1142 = arith.addf %add3A_1126, %add3A_1141 : vector<16xf32>
        %add3A_1143 = arith.constant 14 : i32
        %add3A_1144 = arith.addi %mul3A_1031, %add3A_1143 : i32
        %get3A_1145 = arith.index_cast %add3A_1144 : i32 to index
        %get3A_1146 = arith.constant 0 : index
        %get3A_1147 = tpu.vector_load %arg11[%get3A_1145, %get3A_1146] {strides = array<i32>} : memref<208x16xf32, #tpu.memory_space<vmem>>, vector<1x16xf32>,
        %get3A_1148 = vector.shape_cast %get3A_1147 : vector<1x16xf32> to vector<16xf32>
        %add3A_1149 = arith.constant 14 : i32
        %add3A_1150 = arith.addi %mul3A_1031, %add3A_1149 : i32
        %add3A_1151 = arith.constant 1 : i32
        %add3A_1152 = arith.addi %add3A_1150, %add3A_1151 : i32
        %get3A_1153 = arith.index_cast %add3A_1152 : i32 to index
        %get3A_1154 = arith.constant 0 : index
        %get3A_1155 = tpu.vector_load %arg11[%get3A_1153, %get3A_1154] {strides = array<i32>} : memref<208x16xf32, #tpu.memory_space<vmem>>, vector<1x16xf32>,
        %get3A_1156 = vector.shape_cast %get3A_1155 : vector<1x16xf32> to vector<16xf32>
        %add3A_1157 = arith.addf %get3A_1148, %get3A_1156 : vector<16xf32>
        %add3A_1158 = arith.addf %add3A_1142, %add3A_1157 : vector<16xf32>
        %add3A_1159 = arith.addi %mul3A_872, %mul3A_1031 : i32
        %get3A_1160 = arith.index_cast %add3A_1159 : i32 to index
        %get3A_1161 = tpu.vector_load %arg5[%get3A_1160] {strides = array<i32>} : memref<32768xi32, #tpu.memory_space<vmem>>, vector<16xi32>,
        %get3A_1162 = vector.shape_cast %get3A_1161 : vector<16xi32> to vector<16xi32>
        %ne3A = arith.constant 0 : i32
        %ne3A_1163 = vector.broadcast %ne3A : i32 to vector<16xi32>
        %ne3A_1164 = arith.cmpi ne, %get3A_1162, %ne3A_1163 : vector<16xi32>
        %jit3A = arith.constant 1.000000e+00 : f32
        %jit3A_1165 = arith.constant 0.000000e+00 : f32
        %broadcast_in_dim3A_1166 = vector.broadcast %jit3A : f32 to vector<16xf32>
        %broadcast_in_dim3A_1167 = vector.broadcast %jit3A_1165 : f32 to vector<16xf32>
        %select_n3A = arith.select %ne3A_1164, %broadcast_in_dim3A_1166, %broadcast_in_dim3A_1167 : vector<16xi1>, vector<16xf32>
        %add3A_1168 = arith.addf %scan3A_1029, %select_n3A : vector<16xf32>
        scf.yield %add3A_1158, %add3A_1168 : vector<16xf32>, vector<16xf32>
      }
      %scan3A_880 = arith.constant 13 : i32
      %gather3A_881 = vector.shape_cast %broadcast_in_dim3A_394 : vector<16x1xi32> to vector<16xi32>
      %gather3A_882 = tpu.dynamic_gather %scan3A_879#1[%gather3A_881] in [0] : vector<16xf32>, vector<16xi32> -> vector<16xf32>
      %add3A_883 = arith.addf %scan3A_879#1, %gather3A_882 : vector<16xf32>
      %gather3A_884 = vector.shape_cast %broadcast_in_dim3A_401 : vector<16x1xi32> to vector<16xi32>
      %gather3A_885 = tpu.dynamic_gather %add3A_883[%gather3A_884] in [0] : vector<16xf32>, vector<16xi32> -> vector<16xf32>
      %add3A_886 = arith.addf %add3A_883, %gather3A_885 : vector<16xf32>
      %gather3A_887 = vector.shape_cast %broadcast_in_dim3A_408 : vector<16x1xi32> to vector<16xi32>
      %gather3A_888 = tpu.dynamic_gather %add3A_886[%gather3A_887] in [0] : vector<16xf32>, vector<16xi32> -> vector<16xf32>
      %add3A_889 = arith.addf %add3A_886, %gather3A_888 : vector<16xf32>
      %gather3A_890 = vector.shape_cast %broadcast_in_dim3A_415 : vector<16x1xi32> to vector<16xi32>
      %gather3A_891 = tpu.dynamic_gather %add3A_889[%gather3A_890] in [0] : vector<16xf32>, vector<16xi32> -> vector<16xf32>
      %add3A_892 = arith.addf %add3A_889, %gather3A_891 : vector<16xf32>
      %max3A_893 = arith.constant 1.000000e+00 : f32
      %max3A_894 = vector.broadcast %max3A_893 : f32 to vector<16xf32>
      %max3A_895 = arith.maximumf %add3A_892, %max3A_894 : vector<16xf32>
      %div3A_896 = arith.divf %scan3A_879#0, %max3A_895 : vector<16xf32>
      %swap3A_897 = arith.index_cast %add3A_870 : i32 to index
      %swap3A_898 = arith.constant 0 : index
      %swap3A_899 = tpu.vector_load %arg14[%swap3A_897, %swap3A_898] {strides = array<i32>} : memref<128x16xf32, #tpu.memory_space<vmem>>, vector<1x16xf32>,
      %swap3A_900 = vector.shape_cast %swap3A_899 : vector<1x16xf32> to vector<16xf32>
      %swap3A_901 = vector.shape_cast %div3A_896 : vector<16xf32> to vector<1x16xf32>
      tpu.vector_store %arg14[%swap3A_897, %swap3A_898], %swap3A_901 {strides = array<i32>} : memref<128x16xf32, #tpu.memory_space<vmem>>, vector<1x16xf32>,
      %add3A_902 = arith.constant 6 : i32
      %add3A_903 = arith.addi %mul3A_536, %add3A_902 : i32
      %add3A_904 = arith.constant 7 : i32
      %add3A_905 = arith.addi %add3A_903, %add3A_904 : i32
      %lt3A_906 = arith.constant 128 : i32
      %lt3A_907 = arith.cmpi slt, %add3A_905, %lt3A_906 : i32
      %convert_element_type3A_908 = arith.extui %lt3A_907 : i1 to i32
      %cond3A_909 = arith.constant 0 : i32
      %cond3A_910 = arith.cmpi ne, %convert_element_type3A_908, %cond3A_909 : i32
      scf.if %cond3A_910 {
        %add3A_1027 = arith.constant 6 : i32
        %add3A_1028 = arith.addi %mul3A_536, %add3A_1027 : i32
        %add3A_1029 = arith.constant 7 : i32
        %add3A_1030 = arith.addi %add3A_1028, %add3A_1029 : i32
        %mul3A_1031 = arith.constant 256 : i32
        %mul3A_1032 = arith.muli %add3A_1030, %mul3A_1031 : i32
        %dma_start3A_1033 = arith.constant 0 : i32
        %dma_start3A_1034 = arith.constant 0 : i32
        %dma_start3A_1035 = tpu.memref_slice %arg11[%dma_start3A_1033, %dma_start3A_1034] : memref<208x16xf32, #tpu.memory_space<vmem>> -> memref<128x16xf32, #tpu.memory_space<vmem>>
        %dma_start3A_1036 = tpu.memref_slice %arg5[%mul3A_1032] : memref<32768xi32, #tpu.memory_space<vmem>> -> memref<128xi32, #tpu.memory_space<vmem>>
        %dma_start3A_1037 = arith.constant 0 : i32
        %dma_start3A_1038 = arith.constant 0 : i32
        %dma_start3A_1039 = tpu.memref_slice %arg3[%dma_start3A_1037, %dma_start3A_1038] : memref<1000000x16xf32, #tpu.memory_space<hbm>> -> memref<1000000x16xf32, #tpu.memory_space<hbm>>
        tpu.enqueue_indirect_dma source(%dma_start3A_1039 : memref<1000000x16xf32, #tpu.memory_space<hbm>>) target(%dma_start3A_1035 : memref<128x16xf32, #tpu.memory_space<vmem>>) offsets(%dma_start3A_1036 : memref<128xi32, #tpu.memory_space<vmem>>) semaphore(%arg20 : memref<!tpu.dma_semaphore, #tpu.memory_space<semaphore_mem>>)
        %add3A_1040 = arith.constant 128 : i32
        %add3A_1041 = arith.addi %mul3A_1032, %add3A_1040 : i32
        %dma_start3A_1042 = arith.constant 128 : i32
        %dma_start3A_1043 = arith.constant 0 : i32
        %dma_start3A_1044 = tpu.memref_slice %arg11[%dma_start3A_1042, %dma_start3A_1043] : memref<208x16xf32, #tpu.memory_space<vmem>> -> memref<72x16xf32, #tpu.memory_space<vmem>>
        %dma_start3A_1045 = tpu.memref_slice %arg5[%add3A_1041] : memref<32768xi32, #tpu.memory_space<vmem>> -> memref<72xi32, #tpu.memory_space<vmem>>
        %dma_start3A_1046 = arith.constant 0 : i32
        %dma_start3A_1047 = arith.constant 0 : i32
        %dma_start3A_1048 = tpu.memref_slice %arg3[%dma_start3A_1046, %dma_start3A_1047] : memref<1000000x16xf32, #tpu.memory_space<hbm>> -> memref<1000000x16xf32, #tpu.memory_space<hbm>>
        tpu.enqueue_indirect_dma source(%dma_start3A_1048 : memref<1000000x16xf32, #tpu.memory_space<hbm>>) target(%dma_start3A_1044 : memref<72x16xf32, #tpu.memory_space<vmem>>) offsets(%dma_start3A_1045 : memref<72xi32, #tpu.memory_space<vmem>>) semaphore(%arg20 : memref<!tpu.dma_semaphore, #tpu.memory_space<semaphore_mem>>)
      } else {
      }
      %add3A_911 = arith.constant 6 : i32
      %add3A_912 = arith.addi %mul3A_536, %add3A_911 : i32
      %mul3A_913 = arith.constant 256 : i32
      %mul3A_914 = arith.muli %add3A_912, %mul3A_913 : i32
      %dma_wait3A_915 = arith.constant 0 : i32
      %dma_wait3A_916 = arith.constant 0 : i32
      %dma_wait3A_917 = tpu.memref_slice %arg12[%dma_wait3A_915, %dma_wait3A_916] : memref<208x16xf32, #tpu.memory_space<vmem>> -> memref<128x16xf32, #tpu.memory_space<vmem>>
      %dma_wait3A_918 = tpu.memref_slice %arg5[%mul3A_914] : memref<32768xi32, #tpu.memory_space<vmem>> -> memref<128xi32, #tpu.memory_space<vmem>>
      %dma_wait3A_919 = arith.constant 0 : i32
      %dma_wait3A_920 = arith.constant 0 : i32
      %dma_wait3A_921 = tpu.memref_slice %arg3[%dma_wait3A_919, %dma_wait3A_920] : memref<1000000x16xf32, #tpu.memory_space<hbm>> -> memref<1000000x16xf32, #tpu.memory_space<hbm>>
      tpu.wait_indirect_dma semaphore(%arg21 : memref<!tpu.dma_semaphore, #tpu.memory_space<semaphore_mem>>) src(%dma_wait3A_921 : memref<1000000x16xf32, #tpu.memory_space<hbm>>) dst(%dma_wait3A_917 : memref<128x16xf32, #tpu.memory_space<vmem>>)
      %add3A_922 = arith.constant 128 : i32
      %add3A_923 = arith.addi %mul3A_914, %add3A_922 : i32
      %dma_wait3A_924 = arith.constant 128 : i32
      %dma_wait3A_925 = arith.constant 0 : i32
      %dma_wait3A_926 = tpu.memref_slice %arg12[%dma_wait3A_924, %dma_wait3A_925] : memref<208x16xf32, #tpu.memory_space<vmem>> -> memref<72x16xf32, #tpu.memory_space<vmem>>
      %dma_wait3A_927 = tpu.memref_slice %arg5[%add3A_923] : memref<32768xi32, #tpu.memory_space<vmem>> -> memref<72xi32, #tpu.memory_space<vmem>>
      %dma_wait3A_928 = arith.constant 0 : i32
      %dma_wait3A_929 = arith.constant 0 : i32
      %dma_wait3A_930 = tpu.memref_slice %arg3[%dma_wait3A_928, %dma_wait3A_929] : memref<1000000x16xf32, #tpu.memory_space<hbm>> -> memref<1000000x16xf32, #tpu.memory_space<hbm>>
      tpu.wait_indirect_dma semaphore(%arg21 : memref<!tpu.dma_semaphore, #tpu.memory_space<semaphore_mem>>) src(%dma_wait3A_930 : memref<1000000x16xf32, #tpu.memory_space<hbm>>) dst(%dma_wait3A_926 : memref<72x16xf32, #tpu.memory_space<vmem>>)
      %add3A_931 = arith.constant 6 : i32
      %add3A_932 = arith.addi %mul3A_536, %add3A_931 : i32
      %mul3A_933 = arith.constant 256 : i32
      %mul3A_934 = arith.muli %add3A_932, %mul3A_933 : i32
      %broadcast_in_dim3A_935 = arith.constant 0.000000e+00 : f32
      %broadcast_in_dim3A_936 = vector.broadcast %broadcast_in_dim3A_935 : f32 to vector<16xf32>
      %scan3A_937 = arith.constant 0 : i32
      %scan3A_938 = arith.constant 13 : i32
      %scan3A_939 = arith.addi %scan3A_937, %scan3A_938 : i32
      %scan3A_940 = arith.constant 1 : i32
      %scan3A_941:2 = scf.for %scan3A_1027 = %scan3A_937 to %scan3A_939 step %scan3A_940 iter_args(%scan3A_1028 = %broadcast_in_dim3A_936, %scan3A_1029 = %broadcast_in_dim3A_936) -> (vector<16xf32>, vector<16xf32>)  : i32 {
        %mul3A_1030 = arith.constant 16 : i32
        %mul3A_1031 = arith.muli %scan3A_1027, %mul3A_1030 : i32
        %add3A_1032 = arith.constant 0 : i32
        %add3A_1033 = arith.addi %mul3A_1031, %add3A_1032 : i32
        %get3A = arith.index_cast %add3A_1033 : i32 to index
        %get3A_1034 = arith.constant 0 : index
        %get3A_1035 = tpu.vector_load %arg12[%get3A, %get3A_1034] {strides = array<i32>} : memref<208x16xf32, #tpu.memory_space<vmem>>, vector<1x16xf32>,
        %get3A_1036 = vector.shape_cast %get3A_1035 : vector<1x16xf32> to vector<16xf32>
        %add3A_1037 = arith.constant 0 : i32
        %add3A_1038 = arith.addi %mul3A_1031, %add3A_1037 : i32
        %add3A_1039 = arith.constant 1 : i32
        %add3A_1040 = arith.addi %add3A_1038, %add3A_1039 : i32
        %get3A_1041 = arith.index_cast %add3A_1040 : i32 to index
        %get3A_1042 = arith.constant 0 : index
        %get3A_1043 = tpu.vector_load %arg12[%get3A_1041, %get3A_1042] {strides = array<i32>} : memref<208x16xf32, #tpu.memory_space<vmem>>, vector<1x16xf32>,
        %get3A_1044 = vector.shape_cast %get3A_1043 : vector<1x16xf32> to vector<16xf32>
        %add3A_1045 = arith.addf %get3A_1036, %get3A_1044 : vector<16xf32>
        %add3A_1046 = arith.addf %scan3A_1028, %add3A_1045 : vector<16xf32>
        %add3A_1047 = arith.constant 2 : i32
        %add3A_1048 = arith.addi %mul3A_1031, %add3A_1047 : i32
        %get3A_1049 = arith.index_cast %add3A_1048 : i32 to index
        %get3A_1050 = arith.constant 0 : index
        %get3A_1051 = tpu.vector_load %arg12[%get3A_1049, %get3A_1050] {strides = array<i32>} : memref<208x16xf32, #tpu.memory_space<vmem>>, vector<1x16xf32>,
        %get3A_1052 = vector.shape_cast %get3A_1051 : vector<1x16xf32> to vector<16xf32>
        %add3A_1053 = arith.constant 2 : i32
        %add3A_1054 = arith.addi %mul3A_1031, %add3A_1053 : i32
        %add3A_1055 = arith.constant 1 : i32
        %add3A_1056 = arith.addi %add3A_1054, %add3A_1055 : i32
        %get3A_1057 = arith.index_cast %add3A_1056 : i32 to index
        %get3A_1058 = arith.constant 0 : index
        %get3A_1059 = tpu.vector_load %arg12[%get3A_1057, %get3A_1058] {strides = array<i32>} : memref<208x16xf32, #tpu.memory_space<vmem>>, vector<1x16xf32>,
        %get3A_1060 = vector.shape_cast %get3A_1059 : vector<1x16xf32> to vector<16xf32>
        %add3A_1061 = arith.addf %get3A_1052, %get3A_1060 : vector<16xf32>
        %add3A_1062 = arith.addf %add3A_1046, %add3A_1061 : vector<16xf32>
        %add3A_1063 = arith.constant 4 : i32
        %add3A_1064 = arith.addi %mul3A_1031, %add3A_1063 : i32
        %get3A_1065 = arith.index_cast %add3A_1064 : i32 to index
        %get3A_1066 = arith.constant 0 : index
        %get3A_1067 = tpu.vector_load %arg12[%get3A_1065, %get3A_1066] {strides = array<i32>} : memref<208x16xf32, #tpu.memory_space<vmem>>, vector<1x16xf32>,
        %get3A_1068 = vector.shape_cast %get3A_1067 : vector<1x16xf32> to vector<16xf32>
        %add3A_1069 = arith.constant 4 : i32
        %add3A_1070 = arith.addi %mul3A_1031, %add3A_1069 : i32
        %add3A_1071 = arith.constant 1 : i32
        %add3A_1072 = arith.addi %add3A_1070, %add3A_1071 : i32
        %get3A_1073 = arith.index_cast %add3A_1072 : i32 to index
        %get3A_1074 = arith.constant 0 : index
        %get3A_1075 = tpu.vector_load %arg12[%get3A_1073, %get3A_1074] {strides = array<i32>} : memref<208x16xf32, #tpu.memory_space<vmem>>, vector<1x16xf32>,
        %get3A_1076 = vector.shape_cast %get3A_1075 : vector<1x16xf32> to vector<16xf32>
        %add3A_1077 = arith.addf %get3A_1068, %get3A_1076 : vector<16xf32>
        %add3A_1078 = arith.addf %add3A_1062, %add3A_1077 : vector<16xf32>
        %add3A_1079 = arith.constant 6 : i32
        %add3A_1080 = arith.addi %mul3A_1031, %add3A_1079 : i32
        %get3A_1081 = arith.index_cast %add3A_1080 : i32 to index
        %get3A_1082 = arith.constant 0 : index
        %get3A_1083 = tpu.vector_load %arg12[%get3A_1081, %get3A_1082] {strides = array<i32>} : memref<208x16xf32, #tpu.memory_space<vmem>>, vector<1x16xf32>,
        %get3A_1084 = vector.shape_cast %get3A_1083 : vector<1x16xf32> to vector<16xf32>
        %add3A_1085 = arith.constant 6 : i32
        %add3A_1086 = arith.addi %mul3A_1031, %add3A_1085 : i32
        %add3A_1087 = arith.constant 1 : i32
        %add3A_1088 = arith.addi %add3A_1086, %add3A_1087 : i32
        %get3A_1089 = arith.index_cast %add3A_1088 : i32 to index
        %get3A_1090 = arith.constant 0 : index
        %get3A_1091 = tpu.vector_load %arg12[%get3A_1089, %get3A_1090] {strides = array<i32>} : memref<208x16xf32, #tpu.memory_space<vmem>>, vector<1x16xf32>,
        %get3A_1092 = vector.shape_cast %get3A_1091 : vector<1x16xf32> to vector<16xf32>
        %add3A_1093 = arith.addf %get3A_1084, %get3A_1092 : vector<16xf32>
        %add3A_1094 = arith.addf %add3A_1078, %add3A_1093 : vector<16xf32>
        %add3A_1095 = arith.constant 8 : i32
        %add3A_1096 = arith.addi %mul3A_1031, %add3A_1095 : i32
        %get3A_1097 = arith.index_cast %add3A_1096 : i32 to index
        %get3A_1098 = arith.constant 0 : index
        %get3A_1099 = tpu.vector_load %arg12[%get3A_1097, %get3A_1098] {strides = array<i32>} : memref<208x16xf32, #tpu.memory_space<vmem>>, vector<1x16xf32>,
        %get3A_1100 = vector.shape_cast %get3A_1099 : vector<1x16xf32> to vector<16xf32>
        %add3A_1101 = arith.constant 8 : i32
        %add3A_1102 = arith.addi %mul3A_1031, %add3A_1101 : i32
        %add3A_1103 = arith.constant 1 : i32
        %add3A_1104 = arith.addi %add3A_1102, %add3A_1103 : i32
        %get3A_1105 = arith.index_cast %add3A_1104 : i32 to index
        %get3A_1106 = arith.constant 0 : index
        %get3A_1107 = tpu.vector_load %arg12[%get3A_1105, %get3A_1106] {strides = array<i32>} : memref<208x16xf32, #tpu.memory_space<vmem>>, vector<1x16xf32>,
        %get3A_1108 = vector.shape_cast %get3A_1107 : vector<1x16xf32> to vector<16xf32>
        %add3A_1109 = arith.addf %get3A_1100, %get3A_1108 : vector<16xf32>
        %add3A_1110 = arith.addf %add3A_1094, %add3A_1109 : vector<16xf32>
        %add3A_1111 = arith.constant 10 : i32
        %add3A_1112 = arith.addi %mul3A_1031, %add3A_1111 : i32
        %get3A_1113 = arith.index_cast %add3A_1112 : i32 to index
        %get3A_1114 = arith.constant 0 : index
        %get3A_1115 = tpu.vector_load %arg12[%get3A_1113, %get3A_1114] {strides = array<i32>} : memref<208x16xf32, #tpu.memory_space<vmem>>, vector<1x16xf32>,
        %get3A_1116 = vector.shape_cast %get3A_1115 : vector<1x16xf32> to vector<16xf32>
        %add3A_1117 = arith.constant 10 : i32
        %add3A_1118 = arith.addi %mul3A_1031, %add3A_1117 : i32
        %add3A_1119 = arith.constant 1 : i32
        %add3A_1120 = arith.addi %add3A_1118, %add3A_1119 : i32
        %get3A_1121 = arith.index_cast %add3A_1120 : i32 to index
        %get3A_1122 = arith.constant 0 : index
        %get3A_1123 = tpu.vector_load %arg12[%get3A_1121, %get3A_1122] {strides = array<i32>} : memref<208x16xf32, #tpu.memory_space<vmem>>, vector<1x16xf32>,
        %get3A_1124 = vector.shape_cast %get3A_1123 : vector<1x16xf32> to vector<16xf32>
        %add3A_1125 = arith.addf %get3A_1116, %get3A_1124 : vector<16xf32>
        %add3A_1126 = arith.addf %add3A_1110, %add3A_1125 : vector<16xf32>
        %add3A_1127 = arith.constant 12 : i32
        %add3A_1128 = arith.addi %mul3A_1031, %add3A_1127 : i32
        %get3A_1129 = arith.index_cast %add3A_1128 : i32 to index
        %get3A_1130 = arith.constant 0 : index
        %get3A_1131 = tpu.vector_load %arg12[%get3A_1129, %get3A_1130] {strides = array<i32>} : memref<208x16xf32, #tpu.memory_space<vmem>>, vector<1x16xf32>,
        %get3A_1132 = vector.shape_cast %get3A_1131 : vector<1x16xf32> to vector<16xf32>
        %add3A_1133 = arith.constant 12 : i32
        %add3A_1134 = arith.addi %mul3A_1031, %add3A_1133 : i32
        %add3A_1135 = arith.constant 1 : i32
        %add3A_1136 = arith.addi %add3A_1134, %add3A_1135 : i32
        %get3A_1137 = arith.index_cast %add3A_1136 : i32 to index
        %get3A_1138 = arith.constant 0 : index
        %get3A_1139 = tpu.vector_load %arg12[%get3A_1137, %get3A_1138] {strides = array<i32>} : memref<208x16xf32, #tpu.memory_space<vmem>>, vector<1x16xf32>,
        %get3A_1140 = vector.shape_cast %get3A_1139 : vector<1x16xf32> to vector<16xf32>
        %add3A_1141 = arith.addf %get3A_1132, %get3A_1140 : vector<16xf32>
        %add3A_1142 = arith.addf %add3A_1126, %add3A_1141 : vector<16xf32>
        %add3A_1143 = arith.constant 14 : i32
        %add3A_1144 = arith.addi %mul3A_1031, %add3A_1143 : i32
        %get3A_1145 = arith.index_cast %add3A_1144 : i32 to index
        %get3A_1146 = arith.constant 0 : index
        %get3A_1147 = tpu.vector_load %arg12[%get3A_1145, %get3A_1146] {strides = array<i32>} : memref<208x16xf32, #tpu.memory_space<vmem>>, vector<1x16xf32>,
        %get3A_1148 = vector.shape_cast %get3A_1147 : vector<1x16xf32> to vector<16xf32>
        %add3A_1149 = arith.constant 14 : i32
        %add3A_1150 = arith.addi %mul3A_1031, %add3A_1149 : i32
        %add3A_1151 = arith.constant 1 : i32
        %add3A_1152 = arith.addi %add3A_1150, %add3A_1151 : i32
        %get3A_1153 = arith.index_cast %add3A_1152 : i32 to index
        %get3A_1154 = arith.constant 0 : index
        %get3A_1155 = tpu.vector_load %arg12[%get3A_1153, %get3A_1154] {strides = array<i32>} : memref<208x16xf32, #tpu.memory_space<vmem>>, vector<1x16xf32>,
        %get3A_1156 = vector.shape_cast %get3A_1155 : vector<1x16xf32> to vector<16xf32>
        %add3A_1157 = arith.addf %get3A_1148, %get3A_1156 : vector<16xf32>
        %add3A_1158 = arith.addf %add3A_1142, %add3A_1157 : vector<16xf32>
        %add3A_1159 = arith.addi %mul3A_934, %mul3A_1031 : i32
        %get3A_1160 = arith.index_cast %add3A_1159 : i32 to index
        %get3A_1161 = tpu.vector_load %arg5[%get3A_1160] {strides = array<i32>} : memref<32768xi32, #tpu.memory_space<vmem>>, vector<16xi32>,
        %get3A_1162 = vector.shape_cast %get3A_1161 : vector<16xi32> to vector<16xi32>
        %ne3A = arith.constant 0 : i32
        %ne3A_1163 = vector.broadcast %ne3A : i32 to vector<16xi32>
        %ne3A_1164 = arith.cmpi ne, %get3A_1162, %ne3A_1163 : vector<16xi32>
        %jit3A = arith.constant 1.000000e+00 : f32
        %jit3A_1165 = arith.constant 0.000000e+00 : f32
        %broadcast_in_dim3A_1166 = vector.broadcast %jit3A : f32 to vector<16xf32>
        %broadcast_in_dim3A_1167 = vector.broadcast %jit3A_1165 : f32 to vector<16xf32>
        %select_n3A = arith.select %ne3A_1164, %broadcast_in_dim3A_1166, %broadcast_in_dim3A_1167 : vector<16xi1>, vector<16xf32>
        %add3A_1168 = arith.addf %scan3A_1029, %select_n3A : vector<16xf32>
        scf.yield %add3A_1158, %add3A_1168 : vector<16xf32>, vector<16xf32>
      }
      %scan3A_942 = arith.constant 13 : i32
      %gather3A_943 = vector.shape_cast %broadcast_in_dim3A_394 : vector<16x1xi32> to vector<16xi32>
      %gather3A_944 = tpu.dynamic_gather %scan3A_941#1[%gather3A_943] in [0] : vector<16xf32>, vector<16xi32> -> vector<16xf32>
      %add3A_945 = arith.addf %scan3A_941#1, %gather3A_944 : vector<16xf32>
      %gather3A_946 = vector.shape_cast %broadcast_in_dim3A_401 : vector<16x1xi32> to vector<16xi32>
      %gather3A_947 = tpu.dynamic_gather %add3A_945[%gather3A_946] in [0] : vector<16xf32>, vector<16xi32> -> vector<16xf32>
      %add3A_948 = arith.addf %add3A_945, %gather3A_947 : vector<16xf32>
      %gather3A_949 = vector.shape_cast %broadcast_in_dim3A_408 : vector<16x1xi32> to vector<16xi32>
      %gather3A_950 = tpu.dynamic_gather %add3A_948[%gather3A_949] in [0] : vector<16xf32>, vector<16xi32> -> vector<16xf32>
      %add3A_951 = arith.addf %add3A_948, %gather3A_950 : vector<16xf32>
      %gather3A_952 = vector.shape_cast %broadcast_in_dim3A_415 : vector<16x1xi32> to vector<16xi32>
      %gather3A_953 = tpu.dynamic_gather %add3A_951[%gather3A_952] in [0] : vector<16xf32>, vector<16xi32> -> vector<16xf32>
      %add3A_954 = arith.addf %add3A_951, %gather3A_953 : vector<16xf32>
      %max3A_955 = arith.constant 1.000000e+00 : f32
      %max3A_956 = vector.broadcast %max3A_955 : f32 to vector<16xf32>
      %max3A_957 = arith.maximumf %add3A_954, %max3A_956 : vector<16xf32>
      %div3A_958 = arith.divf %scan3A_941#0, %max3A_957 : vector<16xf32>
      %swap3A_959 = arith.index_cast %add3A_932 : i32 to index
      %swap3A_960 = arith.constant 0 : index
      %swap3A_961 = tpu.vector_load %arg14[%swap3A_959, %swap3A_960] {strides = array<i32>} : memref<128x16xf32, #tpu.memory_space<vmem>>, vector<1x16xf32>,
      %swap3A_962 = vector.shape_cast %swap3A_961 : vector<1x16xf32> to vector<16xf32>
      %swap3A_963 = vector.shape_cast %div3A_958 : vector<16xf32> to vector<1x16xf32>
      tpu.vector_store %arg14[%swap3A_959, %swap3A_960], %swap3A_963 {strides = array<i32>} : memref<128x16xf32, #tpu.memory_space<vmem>>, vector<1x16xf32>,
      %add3A_964 = arith.constant 7 : i32
      %add3A_965 = arith.addi %mul3A_536, %add3A_964 : i32
      %add3A_966 = arith.constant 7 : i32
      %add3A_967 = arith.addi %add3A_965, %add3A_966 : i32
      %lt3A_968 = arith.constant 128 : i32
      %lt3A_969 = arith.cmpi slt, %add3A_967, %lt3A_968 : i32
      %convert_element_type3A_970 = arith.extui %lt3A_969 : i1 to i32
      %cond3A_971 = arith.constant 0 : i32
      %cond3A_972 = arith.cmpi ne, %convert_element_type3A_970, %cond3A_971 : i32
      scf.if %cond3A_972 {
        %add3A_1027 = arith.constant 7 : i32
        %add3A_1028 = arith.addi %mul3A_536, %add3A_1027 : i32
        %add3A_1029 = arith.constant 7 : i32
        %add3A_1030 = arith.addi %add3A_1028, %add3A_1029 : i32
        %mul3A_1031 = arith.constant 256 : i32
        %mul3A_1032 = arith.muli %add3A_1030, %mul3A_1031 : i32
        %dma_start3A_1033 = arith.constant 0 : i32
        %dma_start3A_1034 = arith.constant 0 : i32
        %dma_start3A_1035 = tpu.memref_slice %arg12[%dma_start3A_1033, %dma_start3A_1034] : memref<208x16xf32, #tpu.memory_space<vmem>> -> memref<128x16xf32, #tpu.memory_space<vmem>>
        %dma_start3A_1036 = tpu.memref_slice %arg5[%mul3A_1032] : memref<32768xi32, #tpu.memory_space<vmem>> -> memref<128xi32, #tpu.memory_space<vmem>>
        %dma_start3A_1037 = arith.constant 0 : i32
        %dma_start3A_1038 = arith.constant 0 : i32
        %dma_start3A_1039 = tpu.memref_slice %arg3[%dma_start3A_1037, %dma_start3A_1038] : memref<1000000x16xf32, #tpu.memory_space<hbm>> -> memref<1000000x16xf32, #tpu.memory_space<hbm>>
        tpu.enqueue_indirect_dma source(%dma_start3A_1039 : memref<1000000x16xf32, #tpu.memory_space<hbm>>) target(%dma_start3A_1035 : memref<128x16xf32, #tpu.memory_space<vmem>>) offsets(%dma_start3A_1036 : memref<128xi32, #tpu.memory_space<vmem>>) semaphore(%arg21 : memref<!tpu.dma_semaphore, #tpu.memory_space<semaphore_mem>>)
        %add3A_1040 = arith.constant 128 : i32
        %add3A_1041 = arith.addi %mul3A_1032, %add3A_1040 : i32
        %dma_start3A_1042 = arith.constant 128 : i32
        %dma_start3A_1043 = arith.constant 0 : i32
        %dma_start3A_1044 = tpu.memref_slice %arg12[%dma_start3A_1042, %dma_start3A_1043] : memref<208x16xf32, #tpu.memory_space<vmem>> -> memref<72x16xf32, #tpu.memory_space<vmem>>
        %dma_start3A_1045 = tpu.memref_slice %arg5[%add3A_1041] : memref<32768xi32, #tpu.memory_space<vmem>> -> memref<72xi32, #tpu.memory_space<vmem>>
        %dma_start3A_1046 = arith.constant 0 : i32
        %dma_start3A_1047 = arith.constant 0 : i32
        %dma_start3A_1048 = tpu.memref_slice %arg3[%dma_start3A_1046, %dma_start3A_1047] : memref<1000000x16xf32, #tpu.memory_space<hbm>> -> memref<1000000x16xf32, #tpu.memory_space<hbm>>
        tpu.enqueue_indirect_dma source(%dma_start3A_1048 : memref<1000000x16xf32, #tpu.memory_space<hbm>>) target(%dma_start3A_1044 : memref<72x16xf32, #tpu.memory_space<vmem>>) offsets(%dma_start3A_1045 : memref<72xi32, #tpu.memory_space<vmem>>) semaphore(%arg21 : memref<!tpu.dma_semaphore, #tpu.memory_space<semaphore_mem>>)
      } else {
      }
      %add3A_973 = arith.constant 7 : i32
      %add3A_974 = arith.addi %mul3A_536, %add3A_973 : i32
      %mul3A_975 = arith.constant 256 : i32
      %mul3A_976 = arith.muli %add3A_974, %mul3A_975 : i32
      %dma_wait3A_977 = arith.constant 0 : i32
      %dma_wait3A_978 = arith.constant 0 : i32
      %dma_wait3A_979 = tpu.memref_slice %arg13[%dma_wait3A_977, %dma_wait3A_978] : memref<208x16xf32, #tpu.memory_space<vmem>> -> memref<128x16xf32, #tpu.memory_space<vmem>>
      %dma_wait3A_980 = tpu.memref_slice %arg5[%mul3A_976] : memref<32768xi32, #tpu.memory_space<vmem>> -> memref<128xi32, #tpu.memory_space<vmem>>
      %dma_wait3A_981 = arith.constant 0 : i32
      %dma_wait3A_982 = arith.constant 0 : i32
      %dma_wait3A_983 = tpu.memref_slice %arg3[%dma_wait3A_981, %dma_wait3A_982] : memref<1000000x16xf32, #tpu.memory_space<hbm>> -> memref<1000000x16xf32, #tpu.memory_space<hbm>>
      tpu.wait_indirect_dma semaphore(%arg22 : memref<!tpu.dma_semaphore, #tpu.memory_space<semaphore_mem>>) src(%dma_wait3A_983 : memref<1000000x16xf32, #tpu.memory_space<hbm>>) dst(%dma_wait3A_979 : memref<128x16xf32, #tpu.memory_space<vmem>>)
      %add3A_984 = arith.constant 128 : i32
      %add3A_985 = arith.addi %mul3A_976, %add3A_984 : i32
      %dma_wait3A_986 = arith.constant 128 : i32
      %dma_wait3A_987 = arith.constant 0 : i32
      %dma_wait3A_988 = tpu.memref_slice %arg13[%dma_wait3A_986, %dma_wait3A_987] : memref<208x16xf32, #tpu.memory_space<vmem>> -> memref<72x16xf32, #tpu.memory_space<vmem>>
      %dma_wait3A_989 = tpu.memref_slice %arg5[%add3A_985] : memref<32768xi32, #tpu.memory_space<vmem>> -> memref<72xi32, #tpu.memory_space<vmem>>
      %dma_wait3A_990 = arith.constant 0 : i32
      %dma_wait3A_991 = arith.constant 0 : i32
      %dma_wait3A_992 = tpu.memref_slice %arg3[%dma_wait3A_990, %dma_wait3A_991] : memref<1000000x16xf32, #tpu.memory_space<hbm>> -> memref<1000000x16xf32, #tpu.memory_space<hbm>>
      tpu.wait_indirect_dma semaphore(%arg22 : memref<!tpu.dma_semaphore, #tpu.memory_space<semaphore_mem>>) src(%dma_wait3A_992 : memref<1000000x16xf32, #tpu.memory_space<hbm>>) dst(%dma_wait3A_988 : memref<72x16xf32, #tpu.memory_space<vmem>>)
      %add3A_993 = arith.constant 7 : i32
      %add3A_994 = arith.addi %mul3A_536, %add3A_993 : i32
      %mul3A_995 = arith.constant 256 : i32
      %mul3A_996 = arith.muli %add3A_994, %mul3A_995 : i32
      %broadcast_in_dim3A_997 = arith.constant 0.000000e+00 : f32
      %broadcast_in_dim3A_998 = vector.broadcast %broadcast_in_dim3A_997 : f32 to vector<16xf32>
      %scan3A_999 = arith.constant 0 : i32
      %scan3A_1000 = arith.constant 13 : i32
      %scan3A_1001 = arith.addi %scan3A_999, %scan3A_1000 : i32
      %scan3A_1002 = arith.constant 1 : i32
      %scan3A_1003:2 = scf.for %scan3A_1027 = %scan3A_999 to %scan3A_1001 step %scan3A_1002 iter_args(%scan3A_1028 = %broadcast_in_dim3A_998, %scan3A_1029 = %broadcast_in_dim3A_998) -> (vector<16xf32>, vector<16xf32>)  : i32 {
        %mul3A_1030 = arith.constant 16 : i32
        %mul3A_1031 = arith.muli %scan3A_1027, %mul3A_1030 : i32
        %add3A_1032 = arith.constant 0 : i32
        %add3A_1033 = arith.addi %mul3A_1031, %add3A_1032 : i32
        %get3A = arith.index_cast %add3A_1033 : i32 to index
        %get3A_1034 = arith.constant 0 : index
        %get3A_1035 = tpu.vector_load %arg13[%get3A, %get3A_1034] {strides = array<i32>} : memref<208x16xf32, #tpu.memory_space<vmem>>, vector<1x16xf32>,
        %get3A_1036 = vector.shape_cast %get3A_1035 : vector<1x16xf32> to vector<16xf32>
        %add3A_1037 = arith.constant 0 : i32
        %add3A_1038 = arith.addi %mul3A_1031, %add3A_1037 : i32
        %add3A_1039 = arith.constant 1 : i32
        %add3A_1040 = arith.addi %add3A_1038, %add3A_1039 : i32
        %get3A_1041 = arith.index_cast %add3A_1040 : i32 to index
        %get3A_1042 = arith.constant 0 : index
        %get3A_1043 = tpu.vector_load %arg13[%get3A_1041, %get3A_1042] {strides = array<i32>} : memref<208x16xf32, #tpu.memory_space<vmem>>, vector<1x16xf32>,
        %get3A_1044 = vector.shape_cast %get3A_1043 : vector<1x16xf32> to vector<16xf32>
        %add3A_1045 = arith.addf %get3A_1036, %get3A_1044 : vector<16xf32>
        %add3A_1046 = arith.addf %scan3A_1028, %add3A_1045 : vector<16xf32>
        %add3A_1047 = arith.constant 2 : i32
        %add3A_1048 = arith.addi %mul3A_1031, %add3A_1047 : i32
        %get3A_1049 = arith.index_cast %add3A_1048 : i32 to index
        %get3A_1050 = arith.constant 0 : index
        %get3A_1051 = tpu.vector_load %arg13[%get3A_1049, %get3A_1050] {strides = array<i32>} : memref<208x16xf32, #tpu.memory_space<vmem>>, vector<1x16xf32>,
        %get3A_1052 = vector.shape_cast %get3A_1051 : vector<1x16xf32> to vector<16xf32>
        %add3A_1053 = arith.constant 2 : i32
        %add3A_1054 = arith.addi %mul3A_1031, %add3A_1053 : i32
        %add3A_1055 = arith.constant 1 : i32
        %add3A_1056 = arith.addi %add3A_1054, %add3A_1055 : i32
        %get3A_1057 = arith.index_cast %add3A_1056 : i32 to index
        %get3A_1058 = arith.constant 0 : index
        %get3A_1059 = tpu.vector_load %arg13[%get3A_1057, %get3A_1058] {strides = array<i32>} : memref<208x16xf32, #tpu.memory_space<vmem>>, vector<1x16xf32>,
        %get3A_1060 = vector.shape_cast %get3A_1059 : vector<1x16xf32> to vector<16xf32>
        %add3A_1061 = arith.addf %get3A_1052, %get3A_1060 : vector<16xf32>
        %add3A_1062 = arith.addf %add3A_1046, %add3A_1061 : vector<16xf32>
        %add3A_1063 = arith.constant 4 : i32
        %add3A_1064 = arith.addi %mul3A_1031, %add3A_1063 : i32
        %get3A_1065 = arith.index_cast %add3A_1064 : i32 to index
        %get3A_1066 = arith.constant 0 : index
        %get3A_1067 = tpu.vector_load %arg13[%get3A_1065, %get3A_1066] {strides = array<i32>} : memref<208x16xf32, #tpu.memory_space<vmem>>, vector<1x16xf32>,
        %get3A_1068 = vector.shape_cast %get3A_1067 : vector<1x16xf32> to vector<16xf32>
        %add3A_1069 = arith.constant 4 : i32
        %add3A_1070 = arith.addi %mul3A_1031, %add3A_1069 : i32
        %add3A_1071 = arith.constant 1 : i32
        %add3A_1072 = arith.addi %add3A_1070, %add3A_1071 : i32
        %get3A_1073 = arith.index_cast %add3A_1072 : i32 to index
        %get3A_1074 = arith.constant 0 : index
        %get3A_1075 = tpu.vector_load %arg13[%get3A_1073, %get3A_1074] {strides = array<i32>} : memref<208x16xf32, #tpu.memory_space<vmem>>, vector<1x16xf32>,
        %get3A_1076 = vector.shape_cast %get3A_1075 : vector<1x16xf32> to vector<16xf32>
        %add3A_1077 = arith.addf %get3A_1068, %get3A_1076 : vector<16xf32>
        %add3A_1078 = arith.addf %add3A_1062, %add3A_1077 : vector<16xf32>
        %add3A_1079 = arith.constant 6 : i32
        %add3A_1080 = arith.addi %mul3A_1031, %add3A_1079 : i32
        %get3A_1081 = arith.index_cast %add3A_1080 : i32 to index
        %get3A_1082 = arith.constant 0 : index
        %get3A_1083 = tpu.vector_load %arg13[%get3A_1081, %get3A_1082] {strides = array<i32>} : memref<208x16xf32, #tpu.memory_space<vmem>>, vector<1x16xf32>,
        %get3A_1084 = vector.shape_cast %get3A_1083 : vector<1x16xf32> to vector<16xf32>
        %add3A_1085 = arith.constant 6 : i32
        %add3A_1086 = arith.addi %mul3A_1031, %add3A_1085 : i32
        %add3A_1087 = arith.constant 1 : i32
        %add3A_1088 = arith.addi %add3A_1086, %add3A_1087 : i32
        %get3A_1089 = arith.index_cast %add3A_1088 : i32 to index
        %get3A_1090 = arith.constant 0 : index
        %get3A_1091 = tpu.vector_load %arg13[%get3A_1089, %get3A_1090] {strides = array<i32>} : memref<208x16xf32, #tpu.memory_space<vmem>>, vector<1x16xf32>,
        %get3A_1092 = vector.shape_cast %get3A_1091 : vector<1x16xf32> to vector<16xf32>
        %add3A_1093 = arith.addf %get3A_1084, %get3A_1092 : vector<16xf32>
        %add3A_1094 = arith.addf %add3A_1078, %add3A_1093 : vector<16xf32>
        %add3A_1095 = arith.constant 8 : i32
        %add3A_1096 = arith.addi %mul3A_1031, %add3A_1095 : i32
        %get3A_1097 = arith.index_cast %add3A_1096 : i32 to index
        %get3A_1098 = arith.constant 0 : index
        %get3A_1099 = tpu.vector_load %arg13[%get3A_1097, %get3A_1098] {strides = array<i32>} : memref<208x16xf32, #tpu.memory_space<vmem>>, vector<1x16xf32>,
        %get3A_1100 = vector.shape_cast %get3A_1099 : vector<1x16xf32> to vector<16xf32>
        %add3A_1101 = arith.constant 8 : i32
        %add3A_1102 = arith.addi %mul3A_1031, %add3A_1101 : i32
        %add3A_1103 = arith.constant 1 : i32
        %add3A_1104 = arith.addi %add3A_1102, %add3A_1103 : i32
        %get3A_1105 = arith.index_cast %add3A_1104 : i32 to index
        %get3A_1106 = arith.constant 0 : index
        %get3A_1107 = tpu.vector_load %arg13[%get3A_1105, %get3A_1106] {strides = array<i32>} : memref<208x16xf32, #tpu.memory_space<vmem>>, vector<1x16xf32>,
        %get3A_1108 = vector.shape_cast %get3A_1107 : vector<1x16xf32> to vector<16xf32>
        %add3A_1109 = arith.addf %get3A_1100, %get3A_1108 : vector<16xf32>
        %add3A_1110 = arith.addf %add3A_1094, %add3A_1109 : vector<16xf32>
        %add3A_1111 = arith.constant 10 : i32
        %add3A_1112 = arith.addi %mul3A_1031, %add3A_1111 : i32
        %get3A_1113 = arith.index_cast %add3A_1112 : i32 to index
        %get3A_1114 = arith.constant 0 : index
        %get3A_1115 = tpu.vector_load %arg13[%get3A_1113, %get3A_1114] {strides = array<i32>} : memref<208x16xf32, #tpu.memory_space<vmem>>, vector<1x16xf32>,
        %get3A_1116 = vector.shape_cast %get3A_1115 : vector<1x16xf32> to vector<16xf32>
        %add3A_1117 = arith.constant 10 : i32
        %add3A_1118 = arith.addi %mul3A_1031, %add3A_1117 : i32
        %add3A_1119 = arith.constant 1 : i32
        %add3A_1120 = arith.addi %add3A_1118, %add3A_1119 : i32
        %get3A_1121 = arith.index_cast %add3A_1120 : i32 to index
        %get3A_1122 = arith.constant 0 : index
        %get3A_1123 = tpu.vector_load %arg13[%get3A_1121, %get3A_1122] {strides = array<i32>} : memref<208x16xf32, #tpu.memory_space<vmem>>, vector<1x16xf32>,
        %get3A_1124 = vector.shape_cast %get3A_1123 : vector<1x16xf32> to vector<16xf32>
        %add3A_1125 = arith.addf %get3A_1116, %get3A_1124 : vector<16xf32>
        %add3A_1126 = arith.addf %add3A_1110, %add3A_1125 : vector<16xf32>
        %add3A_1127 = arith.constant 12 : i32
        %add3A_1128 = arith.addi %mul3A_1031, %add3A_1127 : i32
        %get3A_1129 = arith.index_cast %add3A_1128 : i32 to index
        %get3A_1130 = arith.constant 0 : index
        %get3A_1131 = tpu.vector_load %arg13[%get3A_1129, %get3A_1130] {strides = array<i32>} : memref<208x16xf32, #tpu.memory_space<vmem>>, vector<1x16xf32>,
        %get3A_1132 = vector.shape_cast %get3A_1131 : vector<1x16xf32> to vector<16xf32>
        %add3A_1133 = arith.constant 12 : i32
        %add3A_1134 = arith.addi %mul3A_1031, %add3A_1133 : i32
        %add3A_1135 = arith.constant 1 : i32
        %add3A_1136 = arith.addi %add3A_1134, %add3A_1135 : i32
        %get3A_1137 = arith.index_cast %add3A_1136 : i32 to index
        %get3A_1138 = arith.constant 0 : index
        %get3A_1139 = tpu.vector_load %arg13[%get3A_1137, %get3A_1138] {strides = array<i32>} : memref<208x16xf32, #tpu.memory_space<vmem>>, vector<1x16xf32>,
        %get3A_1140 = vector.shape_cast %get3A_1139 : vector<1x16xf32> to vector<16xf32>
        %add3A_1141 = arith.addf %get3A_1132, %get3A_1140 : vector<16xf32>
        %add3A_1142 = arith.addf %add3A_1126, %add3A_1141 : vector<16xf32>
        %add3A_1143 = arith.constant 14 : i32
        %add3A_1144 = arith.addi %mul3A_1031, %add3A_1143 : i32
        %get3A_1145 = arith.index_cast %add3A_1144 : i32 to index
        %get3A_1146 = arith.constant 0 : index
        %get3A_1147 = tpu.vector_load %arg13[%get3A_1145, %get3A_1146] {strides = array<i32>} : memref<208x16xf32, #tpu.memory_space<vmem>>, vector<1x16xf32>,
        %get3A_1148 = vector.shape_cast %get3A_1147 : vector<1x16xf32> to vector<16xf32>
        %add3A_1149 = arith.constant 14 : i32
        %add3A_1150 = arith.addi %mul3A_1031, %add3A_1149 : i32
        %add3A_1151 = arith.constant 1 : i32
        %add3A_1152 = arith.addi %add3A_1150, %add3A_1151 : i32
        %get3A_1153 = arith.index_cast %add3A_1152 : i32 to index
        %get3A_1154 = arith.constant 0 : index
        %get3A_1155 = tpu.vector_load %arg13[%get3A_1153, %get3A_1154] {strides = array<i32>} : memref<208x16xf32, #tpu.memory_space<vmem>>, vector<1x16xf32>,
        %get3A_1156 = vector.shape_cast %get3A_1155 : vector<1x16xf32> to vector<16xf32>
        %add3A_1157 = arith.addf %get3A_1148, %get3A_1156 : vector<16xf32>
        %add3A_1158 = arith.addf %add3A_1142, %add3A_1157 : vector<16xf32>
        %add3A_1159 = arith.addi %mul3A_996, %mul3A_1031 : i32
        %get3A_1160 = arith.index_cast %add3A_1159 : i32 to index
        %get3A_1161 = tpu.vector_load %arg5[%get3A_1160] {strides = array<i32>} : memref<32768xi32, #tpu.memory_space<vmem>>, vector<16xi32>,
        %get3A_1162 = vector.shape_cast %get3A_1161 : vector<16xi32> to vector<16xi32>
        %ne3A = arith.constant 0 : i32
        %ne3A_1163 = vector.broadcast %ne3A : i32 to vector<16xi32>
        %ne3A_1164 = arith.cmpi ne, %get3A_1162, %ne3A_1163 : vector<16xi32>
        %jit3A = arith.constant 1.000000e+00 : f32
        %jit3A_1165 = arith.constant 0.000000e+00 : f32
        %broadcast_in_dim3A_1166 = vector.broadcast %jit3A : f32 to vector<16xf32>
        %broadcast_in_dim3A_1167 = vector.broadcast %jit3A_1165 : f32 to vector<16xf32>
        %select_n3A = arith.select %ne3A_1164, %broadcast_in_dim3A_1166, %broadcast_in_dim3A_1167 : vector<16xi1>, vector<16xf32>
        %add3A_1168 = arith.addf %scan3A_1029, %select_n3A : vector<16xf32>
        scf.yield %add3A_1158, %add3A_1168 : vector<16xf32>, vector<16xf32>
      }
      %scan3A_1004 = arith.constant 13 : i32
      %gather3A_1005 = vector.shape_cast %broadcast_in_dim3A_394 : vector<16x1xi32> to vector<16xi32>
      %gather3A_1006 = tpu.dynamic_gather %scan3A_1003#1[%gather3A_1005] in [0] : vector<16xf32>, vector<16xi32> -> vector<16xf32>
      %add3A_1007 = arith.addf %scan3A_1003#1, %gather3A_1006 : vector<16xf32>
      %gather3A_1008 = vector.shape_cast %broadcast_in_dim3A_401 : vector<16x1xi32> to vector<16xi32>
      %gather3A_1009 = tpu.dynamic_gather %add3A_1007[%gather3A_1008] in [0] : vector<16xf32>, vector<16xi32> -> vector<16xf32>
      %add3A_1010 = arith.addf %add3A_1007, %gather3A_1009 : vector<16xf32>
      %gather3A_1011 = vector.shape_cast %broadcast_in_dim3A_408 : vector<16x1xi32> to vector<16xi32>
      %gather3A_1012 = tpu.dynamic_gather %add3A_1010[%gather3A_1011] in [0] : vector<16xf32>, vector<16xi32> -> vector<16xf32>
      %add3A_1013 = arith.addf %add3A_1010, %gather3A_1012 : vector<16xf32>
      %gather3A_1014 = vector.shape_cast %broadcast_in_dim3A_415 : vector<16x1xi32> to vector<16xi32>
      %gather3A_1015 = tpu.dynamic_gather %add3A_1013[%gather3A_1014] in [0] : vector<16xf32>, vector<16xi32> -> vector<16xf32>
      %add3A_1016 = arith.addf %add3A_1013, %gather3A_1015 : vector<16xf32>
      %max3A_1017 = arith.constant 1.000000e+00 : f32
      %max3A_1018 = vector.broadcast %max3A_1017 : f32 to vector<16xf32>
      %max3A_1019 = arith.maximumf %add3A_1016, %max3A_1018 : vector<16xf32>
      %div3A_1020 = arith.divf %scan3A_1003#0, %max3A_1019 : vector<16xf32>
      %swap3A_1021 = arith.index_cast %add3A_994 : i32 to index
      %swap3A_1022 = arith.constant 0 : index
      %swap3A_1023 = tpu.vector_load %arg14[%swap3A_1021, %swap3A_1022] {strides = array<i32>} : memref<128x16xf32, #tpu.memory_space<vmem>>, vector<1x16xf32>,
      %swap3A_1024 = vector.shape_cast %swap3A_1023 : vector<1x16xf32> to vector<16xf32>
      %swap3A_1025 = vector.shape_cast %div3A_1020 : vector<16xf32> to vector<1x16xf32>
      tpu.vector_store %arg14[%swap3A_1021, %swap3A_1022], %swap3A_1025 {strides = array<i32>} : memref<128x16xf32, #tpu.memory_space<vmem>>, vector<1x16xf32>,
      %scan3A_1026 = arith.constant 0 : i32
      scf.yield %scan3A_1026 : i32
    }
    %scan3A_532 = arith.constant 16 : i32
    "tpu.region"() ({
      %run_scoped3A = tpu.sem_alloc : memref<!tpu.dma_semaphore, #tpu.memory_space<semaphore_mem>>
      %dma_start3A_533 = arith.constant 0 : i32
      %dma_start3A_534 = tpu.memref_slice %arg4[%mul3A_2, %dma_start3A_533] : memref<4096x16xf32, #tpu.memory_space<hbm>> -> memref<128x16xf32, #tpu.memory_space<hbm>>
      %dma_start3A_535 = arith.constant 0 : i32
      %dma_start3A_536 = tpu.memref_slice %arg4[%mul3A_2, %dma_start3A_535] : memref<4096x16xf32, #tpu.memory_space<hbm>> -> memref<128x16xf32, #tpu.memory_space<hbm>>
      tpu.enqueue_dma source(%arg14 : memref<128x16xf32, #tpu.memory_space<vmem>>) target(%dma_start3A_536 : memref<128x16xf32, #tpu.memory_space<hbm>>) target_semaphore(%run_scoped3A : memref<!tpu.dma_semaphore, #tpu.memory_space<semaphore_mem>>)
      %dma_wait3A = arith.constant 0 : i32
      %dma_wait3A_537 = tpu.memref_slice %arg4[%mul3A_2, %dma_wait3A] : memref<4096x16xf32, #tpu.memory_space<hbm>> -> memref<128x16xf32, #tpu.memory_space<hbm>>
      %dma_wait3A_538 = arith.constant 0 : i32
      %dma_wait3A_539 = tpu.memref_slice %arg4[%mul3A_2, %dma_wait3A_538] : memref<4096x16xf32, #tpu.memory_space<hbm>> -> memref<128x16xf32, #tpu.memory_space<hbm>>
      tpu.wait_dma2 semaphore(%run_scoped3A : memref<!tpu.dma_semaphore, #tpu.memory_space<semaphore_mem>>) src(%arg14 : memref<128x16xf32, #tpu.memory_space<vmem>>) dst(%dma_wait3A_539 : memref<128x16xf32, #tpu.memory_space<hbm>>)
      tpu.yield
    }) : () -> ()
    return
  }
}

</mosaic_0001>

<sc_bundles>
// kernel: _sc_pool.3.cloned.1.call-start
scs
__scs_entry_jumppad:
0x0: {  	(pc) =	sbr.rel $0x88, $3  }
0x1: {  	(tag) =	ssettag $0x0;
	lr =	simm.s32 $0x1  }
0x2: {  	[smem:$0x3F9F] =	sst lr;
	_ =	strace $0xD0000000  }
0x3: {  	_ = 	snop  }
0x4: {  	_ = 	snop  }
0x5: {  	_ = 	snop  }
0x6: {  	_ = 	snop  }
0x7: {  	_ = 	snop  }
__scs_overlays_trampoline_lowered:
0x8: {  	[smem:$0x3FAE] =	sst s0  }
0x9: {  	[smem:$0x3FAF] =	sst s1  }
0xa: {  	[smem:$0x3FB0] =	sst s2  }
0xb: {  	[smem:$0x3FB1] =	sst s3  }
0xc: {  	[smem:$0x3FB2] =	sst s4  }
0xd: {  	[smem:$0x3FB3] =	sst s5  }
0xe: {  	[smem:$0x3FB4] =	sst s6  }
0xf: {  	[smem:$0x3FB5] =	sst s7  }
0x10: {  	[smem:$0x3FB6] =	sst s8  }
0x11: {  	[smem:$0x3FB7] =	sst s9;
	s0 =	simm.s32 @!p0 $0x0  }
0x12: {  	s1 =	sld [smem:$0x3F9D];
	s0 =	simm.s32 @p0 $0x1  }
0x13: {  	[smem:$0x3FB8] =	sst s0;
	s0 =	simm.s32 @!p1 $0x0  }
0x14: {  	s2 =	sld [smem:$0x3F9C];
	s0 =	simm.s32 @p1 $0x1  }
0x15: {  	[smem:$0x3FB9] =	sst s0;
	s0 =	simm.s32 @!p2 $0x0  }
0x16: {  	s3 =	sld [smem:$0x3FDB];
	s0 =	simm.s32 @p2 $0x1  }
0x17: {  	s4 =	simm.s32 $0x1BF5;
	[smem:$0x3FBB] =	sst s0  }
0x18: {  	s0 =	sld [smem:$0x3F9E];
	_ =	swait.ge [sflag:s4], $0x0  }
0x19: {  	s7 =	sld [smem:$0x3F9F]  }
0x1a: {  	s8 =	sadd.s32 $0xFFFFE003, lr  }
0x1b: {  	s9 =	sadd.s32 $0xFFFFFEF7, lr;
	s5 =	simm.s32 $0xFFFFFFFF;
	p2 =	slt.u32 s8, $0xFFFFF086  }
0x1c: {  	p1 =	slt.u32 s9, $0xF7A;
	s5 =	simm.s32 @!p2 $0x0  }
0x1d: {  	s5 =	simm.s32 @p1 $0x1;
	p0 =	seq.s32 s7, s2  }
0x1e: {  	s7 =	smul.u32 @!p0 $0xF7A, s2;
	p2 =	seq.s32 @!p0 s5, $0x0  }
0x1f: {  	s9 =	smul.u32 $0xF7A, s1;
	s8 =	simm.s32 @!p0 $0x1BF5;
	p2 =	por !p2, p0  }
0x20: {  	[sflag:s8] =	ssyncset.s32 @!p0 $0xFFFFF086;
	s6 =	sadd.s32 @!p0 s3, s7;
	s7 =	simm.s32 @!p0 $0x108  }
0x21: {  	s3 =	sadd.s32 s3, s9;
	s6 =	sadd.s32 @!p0 $0x88, s6;
	s7 =	simm.s32 @p2 $0x1082  }
0x22: {  	[simem:s7], [sflag:s8] =	dma.local @!p0 [hbm:s6], $0xF7A  }
0x23: {  	s9 =	sor.u32 $0xD0000000, s2;
	s6 =	simm.s32 $0x108;
	_ =	swait.ge @!p0 [sflag:s8], $0x0  }
0x24: {  	s3 =	sadd.s32 $0x88, s3;
	s6 =	simm.s32 @!p1 $0x1082;
	[sflag:s4] =	ssyncset.s32 $0xFFFFF086  }
0x25: {  	[simem:s6], [sflag:s4] =	dma.local [hbm:s3], $0xF7A  }
0x26: {  	[smem:$0x3F9F] =	sst s1;
	(tag) =	ssettag s2;
	_ =	strace s9  }
0x27: {  	s1 =	sld [smem:$0x3FAF]  }
0x28: {  	s2 =	sld [smem:$0x3FB0]  }
0x29: {  	s4 =	sld [smem:$0x3FB2]  }
0x2a: {  	p0 =	seq.s32 s5, $0x0;
	s5 =	sld [smem:$0x3FB3]  }
0x2b: {  	s6 =	sld [smem:$0x3FB4]  }
0x2c: {  	s7 =	sld [smem:$0x3FB5]  }
0x2d: {  	s3 =	simm.s32 $0x108;
	s8 =	sld [smem:$0x3FB6]  }
0x2e: {  	s3 =	simm.s32 @!p0 $0x1082;
	s9 =	sld [smem:$0x3FB7]  }
0x2f: {  	lr =	sadd.s32 s0, s3;
	s0 =	sld [smem:$0x3FAE]  }
0x30: {  	s3 =	sld [smem:$0x3FB1]  }
0x31: {  	[smem:$0x3FBA] =	sst s10  }
0x32: {  	s10 =	sld [smem:$0x3FB8];
	_ =	sdelay $0x3  }
0x33: {  	p0 =	seq.s32 s10, $0x1;
	s10 =	sld [smem:$0x3FBA];
	_ =	sdelay $0x3  }
0x34: {  	[smem:$0x3FBA] =	sst s10  }
0x35: {  	s10 =	sld [smem:$0x3FB9];
	_ =	sdelay $0x3  }
0x36: {  	p1 =	seq.s32 s10, $0x1;
	s10 =	sld [smem:$0x3FBA];
	_ =	sdelay $0x3  }
0x37: {  	[smem:$0x3FBA] =	sst s10  }
0x38: {  	s10 =	sld [smem:$0x3FBB]  }
0x39: {  	_ = 	snop;
	(pc) =	sbr.ind lr, $3  }
0x3a: {  	_ = 	snop  }
0x3b: {  	_ = 	snop  }
0x3c: {  	p2 =	seq.s32 s10, $0x1;
	s10 =	sld [smem:$0x3FBA]  }
0x3d: {  	_ =	shalt  }
0x3e: {  	_ =	shalt  }
0x3f: {  	_ =	shalt  }
0x40: {  	_ =	shalt  }
0x41: {  	_ =	shalt  }
0x42: {  	_ =	shalt  }
0x43: {  	_ =	shalt  }
0x44: {  	_ =	shalt  }
0x45: {  	_ =	shalt  }
0x46: {  	_ =	shalt  }
0x47: {  	_ =	shalt  }
0x48: {  	_ =	shalt  }
0x49: {  	_ =	shalt  }
0x4a: {  	_ =	shalt  }
0x4b: {  	_ =	shalt  }
0x4c: {  	_ =	shalt  }
0x4d: {  	_ =	shalt  }
0x4e: {  	_ =	shalt  }
0x4f: {  	_ =	shalt  }
0x50: {  	_ =	shalt  }
0x51: {  	_ =	shalt  }
0x52: {  	_ =	shalt  }
0x53: {  	_ =	shalt  }
0x54: {  	_ =	shalt  }
0x55: {  	_ =	shalt  }
0x56: {  	_ =	shalt  }
0x57: {  	_ =	shalt  }
0x58: {  	_ =	shalt  }
0x59: {  	_ =	shalt  }
0x5a: {  	_ =	shalt  }
0x5b: {  	_ =	shalt  }
0x5c: {  	_ =	shalt  }
0x5d: {  	_ =	shalt  }
0x5e: {  	_ =	shalt  }
0x5f: {  	_ =	shalt  }
0x60: {  	_ =	shalt  }
0x61: {  	_ =	shalt  }
0x62: {  	_ =	shalt  }
0x63: {  	_ =	shalt  }
0x64: {  	_ =	shalt  }
0x65: {  	_ =	shalt  }
0x66: {  	_ =	shalt  }
0x67: {  	_ =	shalt  }
0x68: {  	_ =	shalt  }
0x69: {  	_ =	shalt  }
0x6a: {  	_ =	shalt  }
0x6b: {  	_ =	shalt  }
0x6c: {  	_ =	shalt  }
0x6d: {  	_ =	shalt  }
0x6e: {  	_ =	shalt  }
0x6f: {  	_ =	shalt  }
0x70: {  	_ =	shalt  }
0x71: {  	_ =	shalt  }
0x72: {  	_ =	shalt  }
0x73: {  	_ =	shalt  }
0x74: {  	_ =	shalt  }
0x75: {  	_ =	shalt  }
0x76: {  	_ =	shalt  }
0x77: {  	_ =	shalt  }
0x78: {  	_ =	shalt  }
0x79: {  	_ =	shalt  }
0x7a: {  	_ =	shalt  }
0x7b: {  	_ =	shalt  }
0x7c: {  	_ =	shalt  }
0x7d: {  	_ =	shalt  }
0x7e: {  	_ =	shalt  }
0x7f: {  	_ =	shalt  }
0x80: {  	_ =	shalt  }
0x81: {  	_ =	shalt  }
0x82: {  	_ =	shalt  }
0x83: {  	_ =	shalt  }
0x84: {  	_ =	shalt  }
0x85: {  	_ =	shalt  }
0x86: {  	_ =	shalt  }
0x87: {  	_ =	shalt  }
.Lfunc_end0:
.L_simem_size_0:
called_computation_lowered:
.L_overlay_start_0:
0x88: {  	s2 =	sld [smem:$0x3FD9]  }
0x89: {  	s3 =	sld [smem:$0x3FFE];
	_ =	sdelay $0x1  }
0x8a: {  	s1 =	srdreg.scid  }
0x8b: {  	s0 =	sand.u32 $0x1, s1  }
0x8c: {  	s17 =	sshll.u32 s0, $0xA;
	s2 =	sadd.s32 s3, s2  }
0x8d: {  	s2 =	sadd.s32 s2, s17  }
0x8e: {  	[smem:$0x3FC6] =	sst s2  }
0x8f: {  	_ = 	snop  }
0x90: {  	s2 =	sld [smem:$0x3FC9]  }
0x91: {  	s18 =	sld [smem:$0x3FD0];
	(tm) =	ssettm $0x1  }
0x92: {  	s4 =	sld [smem:$0x3FFB];
	_ =	sdelay $0x3  }
0x93: {  	_ =	strace s4  }
0x94: {  	s4 =	sld [smem:$0x3FFC];
	_ =	sdelay $0x3  }
0x95: {  	_ =	strace s4  }
0x96: {  	s4 =	sld [smem:$0x3FFD];
	_ =	sdelay $0x3  }
0x97: {  	_ =	strace s4  }
0x98: {  	_ =	strace $0x8FFFFFFF  }
0x99: {  	s19 =	sld [smem:$0x3FDB];
	_ =	sdelay $0x1  }
0x9a: {  	s5 =	simm.s32 $_scs_section_size  }
0x9b: {  	s6 =	simm.s32 $_size__tile_overlayer_lowered;
	s7 =	simm.s32 $_tile_overlayer_lowered  }
0x9c: {  	s22 =	simm.s32 $0x1BFF;
	s21 =	sshll.u32 s7, $0x1;
	s4 =	sadd.s32 s5, s19  }
0x9d: {  	s8 =	simm.s32 $0x0;
	s20 =	sshll.u32 s6, $0x1;
	s6 =	sadd.s32 s21, s4  }
0x9e: {  	[timem:s8], [sflag:s22] =	dma.local [hbm:s6], s20  }
0x9f: {  	_ =	swait.ge [sflag:s22], s20  }
0xa0: {  	s5 =	ssub.s32 $0x0, s20;
	[sflag:s22] =	ssyncset.done $0x0  }
0xa1: {  	[sflag:s22] =	ssyncadd.s32 s5;
	_ =	sdelay $0x1  }
0xa2: {  	s23 =	simm.s32 $0x1B8B  }
0xa3: {  	_ =	swait.ge [sflag:s23], $0x1  }
0xa4: {  	[sflag:s23] =	ssyncset.done $0x0  }
0xa5: {  	s25 =	simm.s32 $0x1B8E;
	s24 =	sld [smem:$0x3FFE];
	[sflag:s23] =	ssyncadd.s32 $0xFFFFFFFF  }
0xa6: {  	s26 =	simm.s32 $execute0_lowered;
	[smem:$0x3FD2] =	sst s25  }
0xa7: {  	s6 =	sshll.u32 s26, $0x1;
	_ =	strace $0x80000046;
	[dreg:$0x1] =	wrdreg $0xFFFFFFFF  }
0xa8: {  	s28 =	simm.s32 $_size_execute0_lowered;
	s4 =	sadd.s32 s4, s6;
	[dreg:$0x0] =	wrdreg $0x0  }
0xa9: {  	s6 =	sshll.u32 s28, $0x1;
	[dreg:$0x2] =	wrdreg s4  }
0xaa: {  	[dreg:$0x3] =	wrdreg s6  }
0xab: {  	[dreg:$0x4] =	wrdreg $0xC0  }
0xac: {  	_ =	task [dreg:s8], $0x5FFFF  }
0xad: {  	[dreg:$0x1] =	wrdreg $0xFFFFFFFF  }
0xae: {  	[dreg:$0x0] =	wrdreg $0x60  }
0xaf: {  	[dreg:$0x2] =	wrdreg s2  }
0xb0: {  	[dreg:$0x3] =	wrdreg s24  }
0xb1: {  	[dreg:$0x4] =	wrdreg s18  }
0xb2: {  	[dreg:$0x5] =	wrdreg $0x9  }
0xb3: {  	_ =	task.clear_ibuf [dreg:s8], $0x6FFFF;
	_ =	strace $0x90000046  }
0xb4: {  	s29 =	simm.s32 $0x9;
	_ =	strace $0x80000048  }
0xb5: {  	_ =	swait.ge [sflag:s29], $0x1  }
0xb6: {  	[sflag:s29] =	ssyncadd.s32 $0xFFFFFFFF  }
0xb7: {  	_ =	strace $0x90000048  }
0xb8: {  	_ =	sfence  }
0xb9: {  	s30 =	sld [smem:$0x0];
	_ =	sdelay $0x2  }
0xba: {  	s31 =	sshll.u32 s1, $0xD;
	s1 =	sshrl.u32 s1, $0x2  }
0xbb: {  	s3 =	sand.u32 $0x4000, s31;
	s1 =	sadd.s32 s1, s30  }
0xbc: {  	s0 =	sor.u32 s3, s0;
	s1 =	sshll.u32 s1, $0x11  }
0xbd: {  	s0 =	sor.u32 s1, s0  }
0xbe: {  	s0 =	sadd.s32 $0x8F2B, s0  }
0xbf: {  	[sflag:s0] =	ssyncadd.remote.s32 $0x1  }
0xc0: {  	_ =	sfence.sel $0xFFFF  }
0xc1: {  	[dreg:$0x0] =	wrdreg $0xFFFFFFFF;
	(pc) =	sbr.abs _section_cstart, $3  }
0xc2: {  	[dreg:$0x1] =	wrdreg $0xFFFFFFFF  }
0xc3: {  	_ =	task.clear_ibuf [dreg:s8], $0x2FFFF;
	_ =	strace $0x9FFFFFFF  }
0xc4: {  	(tm) =	ssettm $0x7FFFFFFF  }
0xc5: {  	_ =	shalt  }
tec
execute0_lowered:
.L_overlay_start_1:
0x0: {  	(tag) =	ssettag $0x1  }
0x1: {  	s0 =	rddreg [dreg:$0x0]  }
0x2: {  	s1 =	rddreg [dreg:$0x1]  }
0x3: {  	s2 =	rddreg [dreg:$0x2];
	s15 =	simm.s32 $0x0  }
0x4: {  	s3 =	srdreg.scid;
	s5 =	stileid.u32;
	v0 =	vimm.s32 $0xFEDCBA98;
	s8 =	simm.s32 $0x48;
	v1 =	vimm.s32 $0x76543210  }
0x5: {  	v2 =	vimm.s32 $0x3210FEDC;
	v3 =	vimm.s32 $0xBA987654;
	s24 =	simm.s32 $0x80;
	s31 =	simm.s32 $0xDB00;
	s7 =	simm.s32 $0x2  }
0x6: {  	v4 =	vimm.s32 $0x10FEDCBA;
	v5 =	vimm.s32 $0x98765432;
	v6 =	vimm.s32 $0xFEDCBA9;
	s9 =	simm.s32 $0x3;
	s10 =	simm.s32 $0x4;
	s11 =	simm.s32 $0x5  }
0x7: {  	v7 =	vimm.s32 $0x87654321;
	s12 =	simm.s32 $0x6;
	s13 =	simm.s32 $0x7;
	s14 =	simm.s32 $0x8;
	v0 =	vunpack.c.l.s4.s8 v0;
	v1 =	vunpack.c.l.s4.s8 v1  }
0x8: {  	[smem:$0x7FF] =	sst s15;
	s4 =	sand.u32 $0x1, s3;
	s5 =	sshll.u32 s5, $0x1;
	v2 =	vunpack.c.l.s4.s8 v2;
	v3 =	vunpack.c.l.s4.s8 v3;
	v4 =	vunpack.c.l.s4.s8 v4  }
0x9: {  	s3 =	sadd.s32 $0xF42800, s1;
	v5 =	vunpack.c.l.s4.s8 v5;
	v6 =	vunpack.c.l.s4.s8 v6;
	v7 =	vunpack.c.l.s4.s8 v7;
	s26 =	ssub.s32 $0x2, s4;
	s4 =	sor.u32 s4, s5  }
0xa: {  	s16 =	simm.s32 $0x0;
	_ =	strace $0x80000047;
	s6 =	sshll.u32 s4, $0xC;
	v0 =	vunpack.c.0.s8.s32 v0;
	v1 =	vunpack.c.0.s8.s32 v1;
	v2 =	vunpack.c.0.s8.s32 v2  }
0xb: {  	s28 =	sshrl.u32 s26, $0x1;
	s4 =	sshll.u32 s4, $0x8;
	v3 =	vunpack.c.0.s8.s32 v3;
	v4 =	vunpack.c.0.s8.s32 v4;
	v5 =	vunpack.c.0.s8.s32 v5;
	s0 =	sadd.s32 s0, s6  }
0xc: {  	v6 =	vunpack.c.0.s8.s32 v6;
	v7 =	vunpack.c.0.s8.s32 v7;
	s1 =	ssub.s32 s26, s28;
	s29 =	sadd.s32 s2, s4;
	[dreg:$0x4] =	wrdreg s0;
	v0 =	vand.u32 $0xF, v0  }
0xd: {  	s4 =	simm.s32 $0x9;
	[dreg:$0x5] =	wrdreg s29;
	s30 =	smax.u32 s1, $0x1;
	v0 =	vcombine.low v0, v1;
	v1 =	vcombine.low v3, v2;
	v2 =	vimm.f32 $0.0e+00  }
0xe: {  	s0 =	simm.s32 $0xE300;
	s1 =	simm.s32 $0x1;
	[dreg:$0x6] =	wrdreg s30;
	v3 =	vcombine.low v5, v4;
	v4 =	vimm.f32 $1.000000000e+00;
	v5 =	vcombine.low v7, v6  }
.LBB2_1:
0xf: {  	[tilespmem:$0x8C80] =	vst v2  }
0x10: {  	[tilespmem:$0x8C90] =	vst v2  }
0x11: {  	[tilespmem:$0x8CA0] =	vst v2  }
0x12: {  	[tilespmem:$0x8CB0] =	vst v2  }
0x13: {  	[tilespmem:$0x8CC0] =	vst v2  }
0x14: {  	[tilespmem:$0x8CD0] =	vst v2  }
0x15: {  	[tilespmem:$0x8CE0] =	vst v2  }
0x16: {  	[tilespmem:$0x8CF0] =	vst v2  }
0x17: {  	[tilespmem:$0x9980] =	vst v2  }
0x18: {  	[tilespmem:$0x9990] =	vst v2  }
0x19: {  	[tilespmem:$0x99A0] =	vst v2  }
0x1a: {  	[tilespmem:$0x99B0] =	vst v2  }
0x1b: {  	[tilespmem:$0x99C0] =	vst v2  }
0x1c: {  	[tilespmem:$0x99D0] =	vst v2  }
0x1d: {  	[tilespmem:$0x99E0] =	vst v2  }
0x1e: {  	[tilespmem:$0x99F0] =	vst v2  }
0x1f: {  	[tilespmem:$0xA680] =	vst v2  }
0x20: {  	[tilespmem:$0xA690] =	vst v2  }
0x21: {  	[tilespmem:$0xA6A0] =	vst v2  }
0x22: {  	[tilespmem:$0xA6B0] =	vst v2  }
0x23: {  	[tilespmem:$0xA6C0] =	vst v2  }
0x24: {  	[tilespmem:$0xA6D0] =	vst v2  }
0x25: {  	[tilespmem:$0xA6E0] =	vst v2  }
0x26: {  	[tilespmem:$0xA6F0] =	vst v2  }
0x27: {  	[tilespmem:$0xB380] =	vst v2  }
0x28: {  	[tilespmem:$0xB390] =	vst v2  }
0x29: {  	[tilespmem:$0xB3A0] =	vst v2  }
0x2a: {  	[tilespmem:$0xB3B0] =	vst v2  }
0x2b: {  	[tilespmem:$0xB3C0] =	vst v2  }
0x2c: {  	[tilespmem:$0xB3D0] =	vst v2  }
0x2d: {  	[tilespmem:$0xB3E0] =	vst v2  }
0x2e: {  	[tilespmem:$0xB3F0] =	vst v2  }
0x2f: {  	[tilespmem:$0xC080] =	vst v2  }
0x30: {  	[tilespmem:$0xC090] =	vst v2  }
0x31: {  	[tilespmem:$0xC0A0] =	vst v2  }
0x32: {  	[tilespmem:$0xC0B0] =	vst v2  }
0x33: {  	[tilespmem:$0xC0C0] =	vst v2  }
0x34: {  	[tilespmem:$0xC0D0] =	vst v2  }
0x35: {  	[tilespmem:$0xC0E0] =	vst v2  }
0x36: {  	[tilespmem:$0xC0F0] =	vst v2  }
0x37: {  	[tilespmem:$0xCD80] =	vst v2  }
0x38: {  	[tilespmem:$0xCD90] =	vst v2  }
0x39: {  	[tilespmem:$0xCDA0] =	vst v2  }
0x3a: {  	[tilespmem:$0xCDB0] =	vst v2  }
0x3b: {  	[tilespmem:$0xCDC0] =	vst v2  }
0x3c: {  	[tilespmem:$0xCDD0] =	vst v2  }
0x3d: {  	[tilespmem:$0xCDE0] =	vst v2  }
0x3e: {  	[tilespmem:$0xCDF0] =	vst v2  }
0x3f: {  	[tilespmem:$0xDA80] =	vst v2  }
0x40: {  	[tilespmem:$0xDA90] =	vst v2  }
0x41: {  	[tilespmem:$0xDAA0] =	vst v2  }
0x42: {  	[tilespmem:$0xDAB0] =	vst v2  }
0x43: {  	[tilespmem:$0xDAC0] =	vst v2  }
0x44: {  	[tilespmem:$0xDAD0] =	vst v2  }
0x45: {  	[tilespmem:$0xDAE0] =	vst v2  }
0x46: {  	[tilespmem:$0xDAF0] =	vst v2  }
0x47: {  	[tilespmem:$0xE780] =	vst v2  }
0x48: {  	[tilespmem:$0xE790] =	vst v2  }
0x49: {  	[tilespmem:$0xE7A0] =	vst v2  }
0x4a: {  	[tilespmem:$0xE7B0] =	vst v2  }
0x4b: {  	[tilespmem:$0xE7C0] =	vst v2  }
0x4c: {  	[tilespmem:$0xE7D0] =	vst v2  }
0x4d: {  	[tilespmem:$0xE7E0] =	vst v2  }
0x4e: {  	[tilespmem:$0xE7F0] =	vst v2;
	s2 =	rddreg [dreg:$0x4]  }
0x4f: {  	[tilespmem:s15], [sflag:$0x9] =	stream.linear.gather [hbm4b:s2+s15], $0x8000, $0x38;
	[tilespmem:$0xF000] =	vst v63  }
0x50: {  	_ =	swait.ge [sflag:s4], $0x8000  }
0x51: {  	[sflag:s4] =	ssyncset.done $0x0  }
0x52: {  	s17 =	simm.s32 $0x8000;
	[sflag:s4] =	ssyncadd.s32 $0xFFFF8000  }
0x53: {  	[tilespmem:s17], [sflag:$0x1] =	stream.indirect.gather [hbm4b:s3+s24], $0x10, s15, s24, $0xb8;
	[tilespmem:$0xF000] =	vst v63  }
0x54: {  	s18 =	simm.s32 $0x8800  }
0x55: {  	[tilespmem:s18], [sflag:$0x1] =	stream.indirect.gather [hbm4b:s3+s8], $0x10, s24, s8, $0xb8;
	[tilespmem:$0xF000] =	vst v63  }
0x56: {  	s19 =	simm.s32 $0x8D00;
	s17 =	simm.s32 $0x100  }
0x57: {  	[tilespmem:s19], [sflag:$0x2] =	stream.indirect.gather [hbm4b:s3+s24], $0x10, s17, s24, $0xb8;
	[tilespmem:$0xF000] =	vst v63  }
0x58: {  	s20 =	simm.s32 $0x180;
	s21 =	simm.s32 $0x9500  }
0x59: {  	[tilespmem:s21], [sflag:$0x2] =	stream.indirect.gather [hbm4b:s3+s8], $0x10, s20, s8, $0xb8;
	[tilespmem:$0xF000] =	vst v63  }
0x5a: {  	s22 =	simm.s32 $0x9A00;
	s18 =	simm.s32 $0x200  }
0x5b: {  	[tilespmem:s22], [sflag:$0x3] =	stream.indirect.gather [hbm4b:s3+s24], $0x10, s18, s24, $0xb8;
	[tilespmem:$0xF000] =	vst v63  }
0x5c: {  	s23 =	simm.s32 $0x280;
	s25 =	simm.s32 $0xA200  }
0x5d: {  	[tilespmem:s25], [sflag:$0x3] =	stream.indirect.gather [hbm4b:s3+s8], $0x10, s23, s8, $0xb8;
	[tilespmem:$0xF000] =	vst v63  }
0x5e: {  	s26 =	simm.s32 $0xA700;
	s19 =	simm.s32 $0x300  }
0x5f: {  	[tilespmem:s26], [sflag:$0x4] =	stream.indirect.gather [hbm4b:s3+s24], $0x10, s19, s24, $0xb8;
	[tilespmem:$0xF000] =	vst v63  }
0x60: {  	s29 =	simm.s32 $0x380;
	s30 =	simm.s32 $0xAF00  }
0x61: {  	[tilespmem:s30], [sflag:$0x4] =	stream.indirect.gather [hbm4b:s3+s8], $0x10, s29, s8, $0xb8;
	[tilespmem:$0xF000] =	vst v63  }
0x62: {  	s5 =	simm.s32 $0xB400;
	s20 =	simm.s32 $0x400  }
0x63: {  	[tilespmem:s5], [sflag:$0x5] =	stream.indirect.gather [hbm4b:s3+s24], $0x10, s20, s24, $0xb8;
	[tilespmem:$0xF000] =	vst v63  }
0x64: {  	s6 =	simm.s32 $0x480;
	s15 =	simm.s32 $0xBC00  }
0x65: {  	[tilespmem:s15], [sflag:$0x5] =	stream.indirect.gather [hbm4b:s3+s8], $0x10, s6, s8, $0xb8;
	[tilespmem:$0xF000] =	vst v63  }
0x66: {  	s21 =	simm.s32 $0xC100;
	s22 =	simm.s32 $0x500  }
0x67: {  	[tilespmem:s21], [sflag:$0x6] =	stream.indirect.gather [hbm4b:s3+s24], $0x10, s22, s24, $0xb8;
	[tilespmem:$0xF000] =	vst v63  }
0x68: {  	s28 =	simm.s32 $0x0;
	s23 =	simm.s32 $0x580;
	s25 =	simm.s32 $0xC900  }
0x69: {  	[tilespmem:s25], [sflag:$0x6] =	stream.indirect.gather [hbm4b:s3+s8], $0x10, s23, s8, $0xb8;
	[tilespmem:$0xF000] =	vst v63  }
0x6a: {  	s26 =	simm.s32 $0xCE00;
	s29 =	simm.s32 $0x680;
	s23 =	simm.s32 $0x600  }
0x6b: {  	[tilespmem:s26], [sflag:$0x7] =	stream.indirect.gather [hbm4b:s3+s24], $0x10, s23, s24, $0xb8;
	[tilespmem:$0xF000] =	vst v63  }
0x6c: {  	s30 =	simm.s32 $0xD600;
	s25 =	simm.s32 $0x700;
	s26 =	simm.s32 $0x0  }
0x6d: {  	[tilespmem:s30], [sflag:$0x7] =	stream.indirect.gather [hbm4b:s3+s8], $0x10, s29, s8, $0xb8;
	[tilespmem:$0xF000] =	vst v63  }
.LBB2_2:
0x6e: {  	s29 =	sshllo.u32 s28, $0x3  }
0x6f: {  	s2 =	sshll.u32 s29, $0x8  }
0x70: {  	s2 =	sand.u32 $0x3FFFFF00, s2  }
0x71: {  	[tilespmem:s31], [sflag:$0x8] =	stream.indirect.gather [hbm4b:s3+s24], $0x10, s2, s24, $0xb8;
	[tilespmem:$0xF000] =	vst v63  }
0x72: {  	s2 =	sor.u32 $0x80, s2  }
0x73: {  	[tilespmem:s0], [sflag:$0x8] =	stream.indirect.gather [hbm4b:s3+s8], $0x10, s2, s8, $0xb8;
	[tilespmem:$0xF000] =	vst v63  }
0x74: {  	_ =	swait.ge [sflag:s1], $0x800  }
0x75: {  	[sflag:s1] =	ssyncset.done $0x0  }
0x76: {  	[sflag:s1] =	ssyncadd.s32 $0xFFFFF800  }
0x77: {  	_ =	swait.ge [sflag:s1], $0x480  }
0x78: {  	[sflag:s1] =	ssyncset.done $0x0  }
0x79: {  	s15 =	simm.s32 $0x8080;
	[sflag:s1] =	ssyncadd.s32 $0xFFFFFB80  }
0x7a: {  	v6 =	vld [tilespmem:s15+$0x60]  }
0x7b: {  	v7 =	vld [tilespmem:s15+$0xFFFFFF80]  }
0x7c: {  	v8 =	vld [tilespmem:s15+$0xFFFFFF90]  }
0x7d: {  	v9 =	vld [tilespmem:s15+$0xFFFFFFA0]  }
0x7e: {  	v10 =	vld [tilespmem:s15+$0xFFFFFFB0]  }
0x7f: {  	v11 =	vld [tilespmem:s15+$0xFFFFFFC0]  }
0x80: {  	v12 =	vld [tilespmem:s15+$0xFFFFFFD0]  }
0x81: {  	v13 =	vld [tilespmem:s15+$0xFFFFFFE0];
	v8 =	vadd.f32 v8, v7  }
0x82: {  	v14 =	vld [tilespmem:s15+$0xFFFFFFF0];
	v7 =	vimm.f32 $0.0e+00  }
0x83: {  	v16 =	vld [tilespmem:s15+$0x10];
	v9 =	vadd.f32 v10, v9;
	v15 =	vadd.f32 v8, v7  }
0x84: {  	v10 =	vld [tilespmem:s15+$0x0];
	v8 =	vmov s26  }
0x85: {  	v11 =	vadd.f32 v12, v11;
	v12 =	vld [tilespmem:s15+$0x20];
	v9 =	vadd.f32 v9, v15  }
0x86: {  	v15 =	vld [tilespmem:s15+$0x30]  }
0x87: {  	v17 =	vld [tilespmem:s15+$0x40];
	v9 =	vadd.f32 v11, v9;
	v11 =	vadd.f32 v14, v13  }
0x88: {  	s4 =	simm.s32 $0x0;
	v18 =	vld [tilespmem:s15+$0x50]  }
0x89: {  	v10 =	vadd.f32 v16, v10;
	v13 =	vld.idx.msk [tilespmem:v8+s4+$0x0 ss:$0x1], $0xffff;
	v14 =	vadd.f32 v11, v9  }
0x8a: {  	s4 =	simm.s32 $0x8180;
	v11 =	vld [tilespmem:s15+$0x70]  }
0x8b: {  	v9 =	vld [tilespmem:s4+$0x60];
	v15 =	vadd.f32 v15, v12;
	v14 =	vadd.f32 v10, v14  }
0x8c: {  	s21 =	sshll.u32 s28, $0xB;
	s5 =	simm.s32 $0x40;
	v12 =	vld [tilespmem:s4+$0xFFFFFF90]  }
0x8d: {  	s30 =	sand.u32 $0x3FFFF800, s21;
	s21 =	simm.s32 $0x80;
	s15 =	sshll.u32 s28, $0x3;
	v10 =	vld [tilespmem:s4+$0xFFFFFF80];
	v14 =	vadd.f32 v15, v14;
	v15 =	vadd.f32 v18, v17  }
.LBB2_3:
0x8e: {  	p0 =	sne.s32 s21, $0x300;
	v16 =	vld [tilespmem:s4+$0xFFFFFFA0]  }
0x8f: {  	vm0 =	veq.s32 v13, $0x0;
	v17 =	vld [tilespmem:s4+$0xFFFFFFB0];
	v14 =	vadd.f32 v15, v14;
	v11 =	vadd.f32 v11, v6  }
0x90: {  	v15 =	vsel vm0, $0x0, v4;
	v13 =	vld [tilespmem:s4+$0xFFFFFFC0];
	v6 =	vmov v9  }
0x91: {  	v7 =	vadd.f32 v15, v7;
	v9 =	vld [tilespmem:s4+$0xFFFFFFD0];
	v11 =	vadd.f32 v11, v14  }
0x92: {  	v10 =	vadd.f32 v12, v10;
	v12 =	vld [tilespmem:s4+$0xFFFFFFE0]  }
0x93: {  	v14 =	vld [tilespmem:s4+$0xFFFFFFF0]  }
0x94: {  	v10 =	vadd.f32 v10, v11;
	v11 =	vadd.f32 v17, v16;
	v15 =	vld [tilespmem:s4+$0x0]  }
0x95: {  	v16 =	vld [tilespmem:s4+$0x10]  }
0x96: {  	v10 =	vadd.f32 v11, v10;
	v9 =	vadd.f32 v9, v13;
	v17 =	vld [tilespmem:s4+$0x20]  }
0x97: {  	v18 =	vld [tilespmem:s4+$0x30]  }
0x98: {  	v9 =	vadd.f32 v9, v10;
	v10 =	vadd.f32 v14, v12;
	v19 =	vld [tilespmem:s4+$0x40]  }
0x99: {  	s2 =	sshra.s32 s5, $0x2;
	s5 =	smov.u32 s21;
	v20 =	vld [tilespmem:s4+$0x50]  }
.Ltmp0:
0x9a: {  	v10 =	vadd.f32 v10, v9;
	v12 =	vadd.f32 v16, v15;
	v13 =	vld.idx.msk [tilespmem:v8+s2+$0x0 ss:$0x1], $0xffff;
	(pc) =	sbr.rel @p0 .LBB2_3-.Ltmp0, $4  }
0x9b: {  	v11 =	vld [tilespmem:s4+$0x70];
	s4 =	sadd.s32 $0x100, s4  }
0x9c: {  	v9 =	vld [tilespmem:s4+$0x60];
	v14 =	vadd.f32 v12, v10;
	v15 =	vadd.f32 v18, v17  }
0x9d: {  	v10 =	vld [tilespmem:s4+$0xFFFFFF80]  }
0x9e: {  	s21 =	sadd.s32 $0x40, s21;
	v12 =	vld [tilespmem:s4+$0xFFFFFF90];
	v14 =	vadd.f32 v15, v14;
	v15 =	vadd.f32 v20, v19  }
0x9f: {  	_ =	sdelay $0x2  }
0xa0: {  	s2 =	sshra.s32 s5, $0x2  }
0xa1: {  	v8 =	vld.idx.msk [tilespmem:v8+s2+$0x0 ss:$0x1], $0xffff;
	_ =	sdelay $0x2  }
0xa2: {  	vm0 =	veq.s32 v13, $0x0  }
0xa3: {  	v13 =	vsel vm0, $0x0, v4  }
0xa4: {  	v7 =	vadd.f32 v13, v7;
	vm15 =	veq.s32 v8, $0x0  }
0xa5: {  	v8 =	vsel vm15, $0x0, v4  }
0xa6: {  	v7 =	vadd.f32 v8, v7;
	_ =	sdelay $0x1  }
0xa7: {  	v8 =	vperm.xlane v7, v0;
	_ =	sdelay $0x1  }
0xa8: {  	v7 =	vadd.f32 v8, v7;
	_ =	sdelay $0x1  }
0xa9: {  	v8 =	vperm.xlane v7, v1  }
0xaa: {  	v16 =	vld [tilespmem:s4+$0xFFFFFFB0]  }
0xab: {  	v13 =	vld [tilespmem:s4+$0xFFFFFFA0];
	v7 =	vadd.f32 v8, v7  }
0xac: {  	v6 =	vadd.f32 v11, v6;
	v11 =	vld [tilespmem:s4+$0xFFFFFFC0];
	v8 =	vadd.f32 v15, v14  }
0xad: {  	v14 =	vld [tilespmem:s4+$0xFFFFFFD0];
	v15 =	vperm.xlane v7, v3  }
0xae: {  	v6 =	vadd.f32 v6, v8;
	v8 =	vadd.f32 v12, v10;
	v10 =	vld [tilespmem:s4+$0xFFFFFFE0]  }
0xaf: {  	v12 =	vld [tilespmem:s4+$0xFFFFFFF0];
	v7 =	vadd.f32 v15, v7  }
0xb0: {  	v6 =	vadd.f32 v8, v6;
	v8 =	vadd.f32 v16, v13;
	v13 =	vld [tilespmem:s4+$0x0]  }
0xb1: {  	v15 =	vld [tilespmem:s4+$0x10];
	v16 =	vperm.xlane v7, v5  }
0xb2: {  	v6 =	vadd.f32 v8, v6;
	v8 =	vadd.f32 v14, v11;
	v11 =	vld [tilespmem:s4+$0x20]  }
0xb3: {  	v14 =	vld [tilespmem:s4+$0x30];
	v7 =	vadd.f32 v16, v7  }
0xb4: {  	v6 =	vadd.f32 v8, v6;
	v8 =	vadd.f32 v12, v10;
	v10 =	vld [tilespmem:s4+$0x40]  }
0xb5: {  	v12 =	vld [tilespmem:s4+$0x50];
	v7 =	vmax.f32 v7, $1.000000000e+00  }
0xb6: {  	v6 =	vadd.f32 v8, v6;
	v8 =	vadd.f32 v15, v13;
	(erf) = vrcp.f32 v7;
	v7 =	vld [tilespmem:s4+$0x70];
	_ =	sdelay $0x1  }
0xb7: {  	v6 =	vadd.f32 v8, v6;
	v8 =	vadd.f32 v14, v11;
	_ =	sdelay $0x1  }
0xb8: {  	v6 =	vadd.f32 v8, v6;
	v8 =	vadd.f32 v12, v10  }
0xb9: {  	v7 =	vadd.f32 v7, v9  }
0xba: {  	v6 =	vadd.f32 v8, v6;
	_ =	sdelay $0x1  }
0xbb: {  	v6 =	vadd.f32 v7, v6  }
0xbc: {  	v7 =	vpop (erf)  }
0xbd: {  	s5 =	sshll.u32 s28, $0x7;
	v6 =	vmul.f32 v7, v6  }
0xbe: {  	p0 =	seq.s32 s28, $0xF;
	s2 =	sand.u32 $0x3FFFFF80, s5  }
0xbf: {  	s5 =	simm.s32 @!p0 $0x8000;
	s4 =	simm.s32 @!p0 $0x80;
	[tilespmem:s2+$0xE800] =	vst v6;
	s2 =	sadd.s32 @!p0 $0x800, s30  }
0xc0: {  	[tilespmem:s5], [sflag:$0x1] =	stream.indirect.gather @!p0 [hbm4b:s3+s4], $0x10, s2, s4, $0xb8;
	[tilespmem:$0xF000] =	vst v63  }
0xc1: {  	s2 =	sadd.s32 @!p0 $0x880, s30;
	s4 =	simm.s32 @!p0 $0x48;
	s5 =	simm.s32 @!p0 $0x8800  }
0xc2: {  	[tilespmem:s5], [sflag:$0x1] =	stream.indirect.gather @!p0 [hbm4b:s3+s4], $0x10, s2, s4, $0xb8;
	[tilespmem:$0xF000] =	vst v63  }
0xc3: {  	_ =	swait.ge [sflag:s7], $0x800  }
0xc4: {  	[sflag:s7] =	ssyncset.done $0x0  }
0xc5: {  	[sflag:s7] =	ssyncadd.s32 $0xFFFFF800  }
0xc6: {  	_ =	swait.ge [sflag:s7], $0x480  }
0xc7: {  	[sflag:s7] =	ssyncset.done $0x0  }
0xc8: {  	s6 =	simm.s32 $0x8D80;
	[sflag:s7] =	ssyncadd.s32 $0xFFFFFB80  }
0xc9: {  	v6 =	vld [tilespmem:s6+$0x60]  }
0xca: {  	v7 =	vld [tilespmem:s6+$0xFFFFFF80]  }
0xcb: {  	v8 =	vld [tilespmem:s6+$0xFFFFFF90]  }
0xcc: {  	v9 =	vld [tilespmem:s6+$0xFFFFFFA0]  }
0xcd: {  	v10 =	vld [tilespmem:s6+$0xFFFFFFB0]  }
0xce: {  	v11 =	vld [tilespmem:s6+$0xFFFFFFC0]  }
0xcf: {  	v12 =	vld [tilespmem:s6+$0xFFFFFFD0]  }
0xd0: {  	v13 =	vld [tilespmem:s6+$0xFFFFFFE0];
	v8 =	vadd.f32 v8, v7  }
0xd1: {  	v14 =	vld [tilespmem:s6+$0xFFFFFFF0];
	v7 =	vimm.f32 $0.0e+00  }
0xd2: {  	v16 =	vld [tilespmem:s6+$0x10];
	v9 =	vadd.f32 v10, v9;
	v15 =	vadd.f32 v8, v7  }
0xd3: {  	v10 =	vld [tilespmem:s6+$0x0];
	v8 =	vmov s17  }
0xd4: {  	v11 =	vadd.f32 v12, v11;
	v12 =	vld [tilespmem:s6+$0x20];
	v9 =	vadd.f32 v9, v15  }
0xd5: {  	v15 =	vld [tilespmem:s6+$0x30]  }
0xd6: {  	v17 =	vld [tilespmem:s6+$0x40];
	v9 =	vadd.f32 v11, v9;
	v11 =	vadd.f32 v14, v13  }
0xd7: {  	s21 =	simm.s32 $0x0;
	v18 =	vld [tilespmem:s6+$0x50]  }
0xd8: {  	v10 =	vadd.f32 v16, v10;
	v13 =	vld.idx.msk [tilespmem:v8+s21+$0x0 ss:$0x1], $0xffff;
	v14 =	vadd.f32 v11, v9  }
0xd9: {  	s5 =	simm.s32 $0x8E80;
	v11 =	vld [tilespmem:s6+$0x70]  }
0xda: {  	v9 =	vld [tilespmem:s5+$0x60];
	v15 =	vadd.f32 v15, v12;
	v14 =	vadd.f32 v10, v14  }
0xdb: {  	v12 =	vld [tilespmem:s5+$0xFFFFFF90]  }
0xdc: {  	s4 =	sor.u32 $0x1, s15;
	s2 =	simm.s32 $0x80;
	s21 =	simm.s32 $0x40;
	v10 =	vld [tilespmem:s5+$0xFFFFFF80];
	v14 =	vadd.f32 v15, v14;
	v15 =	vadd.f32 v18, v17  }
.LBB2_5:
0xdd: {  	p1 =	sne.s32 s2, $0x300;
	v16 =	vld [tilespmem:s5+$0xFFFFFFA0]  }
0xde: {  	vm0 =	veq.s32 v13, $0x0;
	v17 =	vld [tilespmem:s5+$0xFFFFFFB0];
	v14 =	vadd.f32 v15, v14;
	v11 =	vadd.f32 v11, v6  }
0xdf: {  	v15 =	vsel vm0, $0x0, v4;
	v13 =	vld [tilespmem:s5+$0xFFFFFFC0];
	v6 =	vmov v9  }
0xe0: {  	v7 =	vadd.f32 v15, v7;
	v9 =	vld [tilespmem:s5+$0xFFFFFFD0];
	v11 =	vadd.f32 v11, v14  }
0xe1: {  	v10 =	vadd.f32 v12, v10;
	v12 =	vld [tilespmem:s5+$0xFFFFFFE0]  }
0xe2: {  	v14 =	vld [tilespmem:s5+$0xFFFFFFF0]  }
0xe3: {  	v10 =	vadd.f32 v10, v11;
	v11 =	vadd.f32 v17, v16;
	v15 =	vld [tilespmem:s5+$0x0]  }
0xe4: {  	v16 =	vld [tilespmem:s5+$0x10]  }
0xe5: {  	v10 =	vadd.f32 v11, v10;
	v9 =	vadd.f32 v9, v13;
	v17 =	vld [tilespmem:s5+$0x20]  }
0xe6: {  	v18 =	vld [tilespmem:s5+$0x30]  }
0xe7: {  	v9 =	vadd.f32 v9, v10;
	v10 =	vadd.f32 v14, v12;
	v19 =	vld [tilespmem:s5+$0x40]  }
0xe8: {  	s6 =	sshra.s32 s21, $0x2;
	s21 =	smov.u32 s2;
	v20 =	vld [tilespmem:s5+$0x50]  }
.Ltmp1:
0xe9: {  	v10 =	vadd.f32 v10, v9;
	v12 =	vadd.f32 v16, v15;
	v13 =	vld.idx.msk [tilespmem:v8+s6+$0x0 ss:$0x1], $0xffff;
	(pc) =	sbr.rel @p1 .LBB2_5-.Ltmp1, $4  }
0xea: {  	v11 =	vld [tilespmem:s5+$0x70];
	s5 =	sadd.s32 $0x100, s5  }
0xeb: {  	v9 =	vld [tilespmem:s5+$0x60];
	v14 =	vadd.f32 v12, v10;
	v15 =	vadd.f32 v18, v17  }
0xec: {  	v10 =	vld [tilespmem:s5+$0xFFFFFF80]  }
0xed: {  	s2 =	sadd.s32 $0x40, s2;
	v12 =	vld [tilespmem:s5+$0xFFFFFF90];
	v14 =	vadd.f32 v15, v14;
	v15 =	vadd.f32 v20, v19  }
0xee: {  	_ =	sdelay $0x2  }
0xef: {  	s2 =	sshra.s32 s21, $0x2  }
0xf0: {  	v8 =	vld.idx.msk [tilespmem:v8+s2+$0x0 ss:$0x1], $0xffff;
	_ =	sdelay $0x2  }
0xf1: {  	vm0 =	veq.s32 v13, $0x0  }
0xf2: {  	v13 =	vsel vm0, $0x0, v4  }
0xf3: {  	v7 =	vadd.f32 v13, v7;
	vm15 =	veq.s32 v8, $0x0  }
0xf4: {  	v8 =	vsel vm15, $0x0, v4  }
0xf5: {  	v7 =	vadd.f32 v8, v7;
	_ =	sdelay $0x1  }
0xf6: {  	v8 =	vperm.xlane v7, v0;
	_ =	sdelay $0x1  }
0xf7: {  	v7 =	vadd.f32 v8, v7;
	_ =	sdelay $0x1  }
0xf8: {  	v8 =	vperm.xlane v7, v1  }
0xf9: {  	v16 =	vld [tilespmem:s5+$0xFFFFFFB0]  }
0xfa: {  	v13 =	vld [tilespmem:s5+$0xFFFFFFA0];
	v7 =	vadd.f32 v8, v7  }
0xfb: {  	v6 =	vadd.f32 v11, v6;
	v11 =	vld [tilespmem:s5+$0xFFFFFFC0];
	v8 =	vadd.f32 v15, v14  }
0xfc: {  	v14 =	vld [tilespmem:s5+$0xFFFFFFD0];
	v15 =	vperm.xlane v7, v3  }
0xfd: {  	v6 =	vadd.f32 v6, v8;
	v8 =	vadd.f32 v12, v10;
	v10 =	vld [tilespmem:s5+$0xFFFFFFE0]  }
0xfe: {  	v12 =	vld [tilespmem:s5+$0xFFFFFFF0];
	v7 =	vadd.f32 v15, v7  }
0xff: {  	v6 =	vadd.f32 v8, v6;
	v8 =	vadd.f32 v16, v13;
	v13 =	vld [tilespmem:s5+$0x0]  }
0x100: {  	v15 =	vld [tilespmem:s5+$0x10];
	v16 =	vperm.xlane v7, v5  }
0x101: {  	v6 =	vadd.f32 v8, v6;
	v8 =	vadd.f32 v14, v11;
	v11 =	vld [tilespmem:s5+$0x20]  }
0x102: {  	v14 =	vld [tilespmem:s5+$0x30];
	v7 =	vadd.f32 v16, v7  }
0x103: {  	v6 =	vadd.f32 v8, v6;
	v8 =	vadd.f32 v12, v10;
	v10 =	vld [tilespmem:s5+$0x40]  }
0x104: {  	v12 =	vld [tilespmem:s5+$0x50];
	v7 =	vmax.f32 v7, $1.000000000e+00  }
0x105: {  	v6 =	vadd.f32 v8, v6;
	v8 =	vadd.f32 v15, v13;
	(erf) = vrcp.f32 v7;
	v7 =	vld [tilespmem:s5+$0x70];
	_ =	sdelay $0x1  }
0x106: {  	v6 =	vadd.f32 v8, v6;
	v8 =	vadd.f32 v14, v11;
	_ =	sdelay $0x1  }
0x107: {  	v6 =	vadd.f32 v8, v6;
	v8 =	vadd.f32 v12, v10  }
0x108: {  	v7 =	vadd.f32 v7, v9  }
0x109: {  	v6 =	vadd.f32 v8, v6;
	_ =	sdelay $0x1  }
0x10a: {  	v6 =	vadd.f32 v7, v6  }
0x10b: {  	v7 =	vpop (erf)  }
0x10c: {  	s5 =	sshll.u32 s4, $0x4;
	v6 =	vmul.f32 v7, v6  }
0x10d: {  	s2 =	sand.u32 $0x3FFFFFF0, s5  }
0x10e: {  	s4 =	simm.s32 @!p0 $0x80;
	s5 =	simm.s32 @!p0 $0x8D00;
	[tilespmem:s2+$0xE800] =	vst v6;
	s2 =	sadd.s32 @!p0 $0x900, s30  }
0x10f: {  	[tilespmem:s5], [sflag:$0x2] =	stream.indirect.gather @!p0 [hbm4b:s3+s4], $0x10, s2, s4, $0xb8;
	[tilespmem:$0xF000] =	vst v63  }
0x110: {  	s2 =	sadd.s32 @!p0 $0x980, s30;
	s4 =	simm.s32 @!p0 $0x48;
	s5 =	simm.s32 @!p0 $0x9500  }
0x111: {  	[tilespmem:s5], [sflag:$0x2] =	stream.indirect.gather @!p0 [hbm4b:s3+s4], $0x10, s2, s4, $0xb8;
	[tilespmem:$0xF000] =	vst v63  }
0x112: {  	_ =	swait.ge [sflag:s9], $0x800  }
0x113: {  	[sflag:s9] =	ssyncset.done $0x0  }
0x114: {  	[sflag:s9] =	ssyncadd.s32 $0xFFFFF800  }
0x115: {  	_ =	swait.ge [sflag:s9], $0x480  }
0x116: {  	[sflag:s9] =	ssyncset.done $0x0  }
0x117: {  	s6 =	simm.s32 $0x9A80;
	[sflag:s9] =	ssyncadd.s32 $0xFFFFFB80  }
0x118: {  	v6 =	vld [tilespmem:s6+$0x60]  }
0x119: {  	v7 =	vld [tilespmem:s6+$0xFFFFFF80]  }
0x11a: {  	v8 =	vld [tilespmem:s6+$0xFFFFFF90]  }
0x11b: {  	v9 =	vld [tilespmem:s6+$0xFFFFFFA0]  }
0x11c: {  	v10 =	vld [tilespmem:s6+$0xFFFFFFB0]  }
0x11d: {  	v11 =	vld [tilespmem:s6+$0xFFFFFFC0]  }
0x11e: {  	v12 =	vld [tilespmem:s6+$0xFFFFFFD0]  }
0x11f: {  	v13 =	vld [tilespmem:s6+$0xFFFFFFE0];
	v8 =	vadd.f32 v8, v7  }
0x120: {  	v14 =	vld [tilespmem:s6+$0xFFFFFFF0];
	v7 =	vimm.f32 $0.0e+00  }
0x121: {  	v16 =	vld [tilespmem:s6+$0x10];
	v9 =	vadd.f32 v10, v9;
	v15 =	vadd.f32 v8, v7  }
0x122: {  	v10 =	vld [tilespmem:s6+$0x0];
	v8 =	vmov s18  }
0x123: {  	v11 =	vadd.f32 v12, v11;
	v12 =	vld [tilespmem:s6+$0x20];
	v9 =	vadd.f32 v9, v15  }
0x124: {  	v15 =	vld [tilespmem:s6+$0x30]  }
0x125: {  	v17 =	vld [tilespmem:s6+$0x40];
	v9 =	vadd.f32 v11, v9;
	v11 =	vadd.f32 v14, v13  }
0x126: {  	s21 =	simm.s32 $0x0;
	v18 =	vld [tilespmem:s6+$0x50]  }
0x127: {  	v10 =	vadd.f32 v16, v10;
	v13 =	vld.idx.msk [tilespmem:v8+s21+$0x0 ss:$0x1], $0xffff;
	v14 =	vadd.f32 v11, v9  }
0x128: {  	s5 =	simm.s32 $0x9B80;
	v11 =	vld [tilespmem:s6+$0x70]  }
0x129: {  	v9 =	vld [tilespmem:s5+$0x60];
	v15 =	vadd.f32 v15, v12;
	v14 =	vadd.f32 v10, v14  }
0x12a: {  	v12 =	vld [tilespmem:s5+$0xFFFFFF90]  }
0x12b: {  	s4 =	sor.u32 $0x2, s15;
	s2 =	simm.s32 $0x80;
	s21 =	simm.s32 $0x40;
	v10 =	vld [tilespmem:s5+$0xFFFFFF80];
	v14 =	vadd.f32 v15, v14;
	v15 =	vadd.f32 v18, v17  }
.LBB2_7:
0x12c: {  	p1 =	sne.s32 s2, $0x300;
	v16 =	vld [tilespmem:s5+$0xFFFFFFA0]  }
0x12d: {  	vm0 =	veq.s32 v13, $0x0;
	v17 =	vld [tilespmem:s5+$0xFFFFFFB0];
	v14 =	vadd.f32 v15, v14;
	v11 =	vadd.f32 v11, v6  }
0x12e: {  	v15 =	vsel vm0, $0x0, v4;
	v13 =	vld [tilespmem:s5+$0xFFFFFFC0];
	v6 =	vmov v9  }
0x12f: {  	v7 =	vadd.f32 v15, v7;
	v9 =	vld [tilespmem:s5+$0xFFFFFFD0];
	v11 =	vadd.f32 v11, v14  }
0x130: {  	v10 =	vadd.f32 v12, v10;
	v12 =	vld [tilespmem:s5+$0xFFFFFFE0]  }
0x131: {  	v14 =	vld [tilespmem:s5+$0xFFFFFFF0]  }
0x132: {  	v10 =	vadd.f32 v10, v11;
	v11 =	vadd.f32 v17, v16;
	v15 =	vld [tilespmem:s5+$0x0]  }
0x133: {  	v16 =	vld [tilespmem:s5+$0x10]  }
0x134: {  	v10 =	vadd.f32 v11, v10;
	v9 =	vadd.f32 v9, v13;
	v17 =	vld [tilespmem:s5+$0x20]  }
0x135: {  	v18 =	vld [tilespmem:s5+$0x30]  }
0x136: {  	v9 =	vadd.f32 v9, v10;
	v10 =	vadd.f32 v14, v12;
	v19 =	vld [tilespmem:s5+$0x40]  }
0x137: {  	s6 =	sshra.s32 s21, $0x2;
	s21 =	smov.u32 s2;
	v20 =	vld [tilespmem:s5+$0x50]  }
.Ltmp2:
0x138: {  	v10 =	vadd.f32 v10, v9;
	v12 =	vadd.f32 v16, v15;
	v13 =	vld.idx.msk [tilespmem:v8+s6+$0x0 ss:$0x1], $0xffff;
	(pc) =	sbr.rel @p1 .LBB2_7-.Ltmp2, $4  }
0x139: {  	v11 =	vld [tilespmem:s5+$0x70];
	s5 =	sadd.s32 $0x100, s5  }
0x13a: {  	v9 =	vld [tilespmem:s5+$0x60];
	v14 =	vadd.f32 v12, v10;
	v15 =	vadd.f32 v18, v17  }
0x13b: {  	v10 =	vld [tilespmem:s5+$0xFFFFFF80]  }
0x13c: {  	s2 =	sadd.s32 $0x40, s2;
	v12 =	vld [tilespmem:s5+$0xFFFFFF90];
	v14 =	vadd.f32 v15, v14;
	v15 =	vadd.f32 v20, v19  }
0x13d: {  	_ =	sdelay $0x2  }
0x13e: {  	s2 =	sshra.s32 s21, $0x2  }
0x13f: {  	v8 =	vld.idx.msk [tilespmem:v8+s2+$0x0 ss:$0x1], $0xffff;
	_ =	sdelay $0x2  }
0x140: {  	vm0 =	veq.s32 v13, $0x0  }
0x141: {  	v13 =	vsel vm0, $0x0, v4  }
0x142: {  	v7 =	vadd.f32 v13, v7;
	vm15 =	veq.s32 v8, $0x0  }
0x143: {  	v8 =	vsel vm15, $0x0, v4  }
0x144: {  	v7 =	vadd.f32 v8, v7;
	_ =	sdelay $0x1  }
0x145: {  	v8 =	vperm.xlane v7, v0;
	_ =	sdelay $0x1  }
0x146: {  	v7 =	vadd.f32 v8, v7;
	_ =	sdelay $0x1  }
0x147: {  	v8 =	vperm.xlane v7, v1  }
0x148: {  	v16 =	vld [tilespmem:s5+$0xFFFFFFB0]  }
0x149: {  	v13 =	vld [tilespmem:s5+$0xFFFFFFA0];
	v7 =	vadd.f32 v8, v7  }
0x14a: {  	v6 =	vadd.f32 v11, v6;
	v11 =	vld [tilespmem:s5+$0xFFFFFFC0];
	v8 =	vadd.f32 v15, v14  }
0x14b: {  	v14 =	vld [tilespmem:s5+$0xFFFFFFD0];
	v15 =	vperm.xlane v7, v3  }
0x14c: {  	v6 =	vadd.f32 v6, v8;
	v8 =	vadd.f32 v12, v10;
	v10 =	vld [tilespmem:s5+$0xFFFFFFE0]  }
0x14d: {  	v12 =	vld [tilespmem:s5+$0xFFFFFFF0];
	v7 =	vadd.f32 v15, v7  }
0x14e: {  	v6 =	vadd.f32 v8, v6;
	v8 =	vadd.f32 v16, v13;
	v13 =	vld [tilespmem:s5+$0x0]  }
0x14f: {  	v15 =	vld [tilespmem:s5+$0x10];
	v16 =	vperm.xlane v7, v5  }
0x150: {  	v6 =	vadd.f32 v8, v6;
	v8 =	vadd.f32 v14, v11;
	v11 =	vld [tilespmem:s5+$0x20]  }
0x151: {  	v14 =	vld [tilespmem:s5+$0x30];
	v7 =	vadd.f32 v16, v7  }
0x152: {  	v6 =	vadd.f32 v8, v6;
	v8 =	vadd.f32 v12, v10;
	v10 =	vld [tilespmem:s5+$0x40]  }
0x153: {  	v12 =	vld [tilespmem:s5+$0x50];
	v7 =	vmax.f32 v7, $1.000000000e+00  }
0x154: {  	v6 =	vadd.f32 v8, v6;
	v8 =	vadd.f32 v15, v13;
	(erf) = vrcp.f32 v7;
	v7 =	vld [tilespmem:s5+$0x70];
	_ =	sdelay $0x1  }
0x155: {  	v6 =	vadd.f32 v8, v6;
	v8 =	vadd.f32 v14, v11;
	_ =	sdelay $0x1  }
0x156: {  	v6 =	vadd.f32 v8, v6;
	v8 =	vadd.f32 v12, v10  }
0x157: {  	v7 =	vadd.f32 v7, v9  }
0x158: {  	v6 =	vadd.f32 v8, v6;
	_ =	sdelay $0x1  }
0x159: {  	v6 =	vadd.f32 v7, v6  }
0x15a: {  	v7 =	vpop (erf)  }
0x15b: {  	s5 =	sshll.u32 s4, $0x4;
	v6 =	vmul.f32 v7, v6  }
0x15c: {  	s2 =	sand.u32 $0x3FFFFFF0, s5  }
0x15d: {  	s4 =	simm.s32 @!p0 $0x80;
	s5 =	simm.s32 @!p0 $0x9A00;
	[tilespmem:s2+$0xE800] =	vst v6;
	s2 =	sadd.s32 @!p0 $0xA00, s30  }
0x15e: {  	[tilespmem:s5], [sflag:$0x3] =	stream.indirect.gather @!p0 [hbm4b:s3+s4], $0x10, s2, s4, $0xb8;
	[tilespmem:$0xF000] =	vst v63  }
0x15f: {  	s2 =	sadd.s32 @!p0 $0xA80, s30;
	s4 =	simm.s32 @!p0 $0x48;
	s5 =	simm.s32 @!p0 $0xA200  }
0x160: {  	[tilespmem:s5], [sflag:$0x3] =	stream.indirect.gather @!p0 [hbm4b:s3+s4], $0x10, s2, s4, $0xb8;
	[tilespmem:$0xF000] =	vst v63  }
0x161: {  	_ =	swait.ge [sflag:s10], $0x800  }
0x162: {  	[sflag:s10] =	ssyncset.done $0x0  }
0x163: {  	[sflag:s10] =	ssyncadd.s32 $0xFFFFF800  }
0x164: {  	_ =	swait.ge [sflag:s10], $0x480  }
0x165: {  	[sflag:s10] =	ssyncset.done $0x0  }
0x166: {  	s6 =	simm.s32 $0xA780;
	[sflag:s10] =	ssyncadd.s32 $0xFFFFFB80  }
0x167: {  	v6 =	vld [tilespmem:s6+$0x60]  }
0x168: {  	v7 =	vld [tilespmem:s6+$0xFFFFFF80]  }
0x169: {  	v8 =	vld [tilespmem:s6+$0xFFFFFF90]  }
0x16a: {  	v9 =	vld [tilespmem:s6+$0xFFFFFFA0]  }
0x16b: {  	v10 =	vld [tilespmem:s6+$0xFFFFFFB0]  }
0x16c: {  	v11 =	vld [tilespmem:s6+$0xFFFFFFC0]  }
0x16d: {  	v12 =	vld [tilespmem:s6+$0xFFFFFFD0]  }
0x16e: {  	v13 =	vld [tilespmem:s6+$0xFFFFFFE0];
	v8 =	vadd.f32 v8, v7  }
0x16f: {  	v14 =	vld [tilespmem:s6+$0xFFFFFFF0];
	v7 =	vimm.f32 $0.0e+00  }
0x170: {  	v16 =	vld [tilespmem:s6+$0x10];
	v9 =	vadd.f32 v10, v9;
	v15 =	vadd.f32 v8, v7  }
0x171: {  	v10 =	vld [tilespmem:s6+$0x0];
	v8 =	vmov s19  }
0x172: {  	v11 =	vadd.f32 v12, v11;
	v12 =	vld [tilespmem:s6+$0x20];
	v9 =	vadd.f32 v9, v15  }
0x173: {  	v15 =	vld [tilespmem:s6+$0x30]  }
0x174: {  	v17 =	vld [tilespmem:s6+$0x40];
	v9 =	vadd.f32 v11, v9;
	v11 =	vadd.f32 v14, v13  }
0x175: {  	s21 =	simm.s32 $0x0;
	v18 =	vld [tilespmem:s6+$0x50]  }
0x176: {  	v10 =	vadd.f32 v16, v10;
	v13 =	vld.idx.msk [tilespmem:v8+s21+$0x0 ss:$0x1], $0xffff;
	v14 =	vadd.f32 v11, v9  }
0x177: {  	s5 =	simm.s32 $0xA880;
	v11 =	vld [tilespmem:s6+$0x70]  }
0x178: {  	v9 =	vld [tilespmem:s5+$0x60];
	v15 =	vadd.f32 v15, v12;
	v14 =	vadd.f32 v10, v14  }
0x179: {  	v12 =	vld [tilespmem:s5+$0xFFFFFF90]  }
0x17a: {  	s4 =	sor.u32 $0x3, s15;
	s2 =	simm.s32 $0x80;
	s21 =	simm.s32 $0x40;
	v10 =	vld [tilespmem:s5+$0xFFFFFF80];
	v14 =	vadd.f32 v15, v14;
	v15 =	vadd.f32 v18, v17  }
.LBB2_9:
0x17b: {  	p1 =	sne.s32 s2, $0x300;
	v16 =	vld [tilespmem:s5+$0xFFFFFFA0]  }
0x17c: {  	vm0 =	veq.s32 v13, $0x0;
	v17 =	vld [tilespmem:s5+$0xFFFFFFB0];
	v14 =	vadd.f32 v15, v14;
	v11 =	vadd.f32 v11, v6  }
0x17d: {  	v15 =	vsel vm0, $0x0, v4;
	v13 =	vld [tilespmem:s5+$0xFFFFFFC0];
	v6 =	vmov v9  }
0x17e: {  	v7 =	vadd.f32 v15, v7;
	v9 =	vld [tilespmem:s5+$0xFFFFFFD0];
	v11 =	vadd.f32 v11, v14  }
0x17f: {  	v10 =	vadd.f32 v12, v10;
	v12 =	vld [tilespmem:s5+$0xFFFFFFE0]  }
0x180: {  	v14 =	vld [tilespmem:s5+$0xFFFFFFF0]  }
0x181: {  	v10 =	vadd.f32 v10, v11;
	v11 =	vadd.f32 v17, v16;
	v15 =	vld [tilespmem:s5+$0x0]  }
0x182: {  	v16 =	vld [tilespmem:s5+$0x10]  }
0x183: {  	v10 =	vadd.f32 v11, v10;
	v9 =	vadd.f32 v9, v13;
	v17 =	vld [tilespmem:s5+$0x20]  }
0x184: {  	v18 =	vld [tilespmem:s5+$0x30]  }
0x185: {  	v9 =	vadd.f32 v9, v10;
	v10 =	vadd.f32 v14, v12;
	v19 =	vld [tilespmem:s5+$0x40]  }
0x186: {  	s6 =	sshra.s32 s21, $0x2;
	s21 =	smov.u32 s2;
	v20 =	vld [tilespmem:s5+$0x50]  }
.Ltmp3:
0x187: {  	v10 =	vadd.f32 v10, v9;
	v12 =	vadd.f32 v16, v15;
	v13 =	vld.idx.msk [tilespmem:v8+s6+$0x0 ss:$0x1], $0xffff;
	(pc) =	sbr.rel @p1 .LBB2_9-.Ltmp3, $4  }
0x188: {  	v11 =	vld [tilespmem:s5+$0x70];
	s5 =	sadd.s32 $0x100, s5  }
0x189: {  	v9 =	vld [tilespmem:s5+$0x60];
	v14 =	vadd.f32 v12, v10;
	v15 =	vadd.f32 v18, v17  }
0x18a: {  	v10 =	vld [tilespmem:s5+$0xFFFFFF80]  }
0x18b: {  	s2 =	sadd.s32 $0x40, s2;
	v12 =	vld [tilespmem:s5+$0xFFFFFF90];
	v14 =	vadd.f32 v15, v14;
	v15 =	vadd.f32 v20, v19  }
0x18c: {  	_ =	sdelay $0x2  }
0x18d: {  	s2 =	sshra.s32 s21, $0x2  }
0x18e: {  	v8 =	vld.idx.msk [tilespmem:v8+s2+$0x0 ss:$0x1], $0xffff;
	_ =	sdelay $0x2  }
0x18f: {  	vm0 =	veq.s32 v13, $0x0  }
0x190: {  	v13 =	vsel vm0, $0x0, v4  }
0x191: {  	v7 =	vadd.f32 v13, v7;
	vm15 =	veq.s32 v8, $0x0  }
0x192: {  	v8 =	vsel vm15, $0x0, v4  }
0x193: {  	v7 =	vadd.f32 v8, v7;
	_ =	sdelay $0x1  }
0x194: {  	v8 =	vperm.xlane v7, v0;
	_ =	sdelay $0x1  }
0x195: {  	v7 =	vadd.f32 v8, v7;
	_ =	sdelay $0x1  }
0x196: {  	v8 =	vperm.xlane v7, v1  }
0x197: {  	v16 =	vld [tilespmem:s5+$0xFFFFFFB0]  }
0x198: {  	v13 =	vld [tilespmem:s5+$0xFFFFFFA0];
	v7 =	vadd.f32 v8, v7  }
0x199: {  	v6 =	vadd.f32 v11, v6;
	v11 =	vld [tilespmem:s5+$0xFFFFFFC0];
	v8 =	vadd.f32 v15, v14  }
0x19a: {  	v14 =	vld [tilespmem:s5+$0xFFFFFFD0];
	v15 =	vperm.xlane v7, v3  }
0x19b: {  	v6 =	vadd.f32 v6, v8;
	v8 =	vadd.f32 v12, v10;
	v10 =	vld [tilespmem:s5+$0xFFFFFFE0]  }
0x19c: {  	v12 =	vld [tilespmem:s5+$0xFFFFFFF0];
	v7 =	vadd.f32 v15, v7  }
0x19d: {  	v6 =	vadd.f32 v8, v6;
	v8 =	vadd.f32 v16, v13;
	v13 =	vld [tilespmem:s5+$0x0]  }
0x19e: {  	v15 =	vld [tilespmem:s5+$0x10];
	v16 =	vperm.xlane v7, v5  }
0x19f: {  	v6 =	vadd.f32 v8, v6;
	v8 =	vadd.f32 v14, v11;
	v11 =	vld [tilespmem:s5+$0x20]  }
0x1a0: {  	v14 =	vld [tilespmem:s5+$0x30];
	v7 =	vadd.f32 v16, v7  }
0x1a1: {  	v6 =	vadd.f32 v8, v6;
	v8 =	vadd.f32 v12, v10;
	v10 =	vld [tilespmem:s5+$0x40]  }
0x1a2: {  	v12 =	vld [tilespmem:s5+$0x50];
	v7 =	vmax.f32 v7, $1.000000000e+00  }
0x1a3: {  	v6 =	vadd.f32 v8, v6;
	v8 =	vadd.f32 v15, v13;
	(erf) = vrcp.f32 v7;
	v7 =	vld [tilespmem:s5+$0x70];
	_ =	sdelay $0x1  }
0x1a4: {  	v6 =	vadd.f32 v8, v6;
	v8 =	vadd.f32 v14, v11;
	_ =	sdelay $0x1  }
0x1a5: {  	v6 =	vadd.f32 v8, v6;
	v8 =	vadd.f32 v12, v10  }
0x1a6: {  	v7 =	vadd.f32 v7, v9  }
0x1a7: {  	v6 =	vadd.f32 v8, v6;
	_ =	sdelay $0x1  }
0x1a8: {  	v6 =	vadd.f32 v7, v6  }
0x1a9: {  	v7 =	vpop (erf)  }
0x1aa: {  	s5 =	sshll.u32 s4, $0x4;
	v6 =	vmul.f32 v7, v6  }
0x1ab: {  	s2 =	sand.u32 $0x3FFFFFF0, s5  }
0x1ac: {  	s4 =	simm.s32 @!p0 $0x80;
	s5 =	simm.s32 @!p0 $0xA700;
	[tilespmem:s2+$0xE800] =	vst v6;
	s2 =	sadd.s32 @!p0 $0xB00, s30  }
0x1ad: {  	[tilespmem:s5], [sflag:$0x4] =	stream.indirect.gather @!p0 [hbm4b:s3+s4], $0x10, s2, s4, $0xb8;
	[tilespmem:$0xF000] =	vst v63  }
0x1ae: {  	s2 =	sadd.s32 @!p0 $0xB80, s30;
	s4 =	simm.s32 @!p0 $0x48;
	s5 =	simm.s32 @!p0 $0xAF00  }
0x1af: {  	[tilespmem:s5], [sflag:$0x4] =	stream.indirect.gather @!p0 [hbm4b:s3+s4], $0x10, s2, s4, $0xb8;
	[tilespmem:$0xF000] =	vst v63  }
0x1b0: {  	_ =	swait.ge [sflag:s11], $0x800  }
0x1b1: {  	[sflag:s11] =	ssyncset.done $0x0  }
0x1b2: {  	[sflag:s11] =	ssyncadd.s32 $0xFFFFF800  }
0x1b3: {  	_ =	swait.ge [sflag:s11], $0x480  }
0x1b4: {  	[sflag:s11] =	ssyncset.done $0x0  }
0x1b5: {  	s6 =	simm.s32 $0xB480;
	[sflag:s11] =	ssyncadd.s32 $0xFFFFFB80  }
0x1b6: {  	v6 =	vld [tilespmem:s6+$0x60]  }
0x1b7: {  	v7 =	vld [tilespmem:s6+$0xFFFFFF80]  }
0x1b8: {  	v8 =	vld [tilespmem:s6+$0xFFFFFF90]  }
0x1b9: {  	v9 =	vld [tilespmem:s6+$0xFFFFFFA0]  }
0x1ba: {  	v10 =	vld [tilespmem:s6+$0xFFFFFFB0]  }
0x1bb: {  	v11 =	vld [tilespmem:s6+$0xFFFFFFC0]  }
0x1bc: {  	v12 =	vld [tilespmem:s6+$0xFFFFFFD0]  }
0x1bd: {  	v13 =	vld [tilespmem:s6+$0xFFFFFFE0];
	v8 =	vadd.f32 v8, v7  }
0x1be: {  	v14 =	vld [tilespmem:s6+$0xFFFFFFF0];
	v7 =	vimm.f32 $0.0e+00  }
0x1bf: {  	v16 =	vld [tilespmem:s6+$0x10];
	v9 =	vadd.f32 v10, v9;
	v15 =	vadd.f32 v8, v7  }
0x1c0: {  	v10 =	vld [tilespmem:s6+$0x0];
	v8 =	vmov s20  }
0x1c1: {  	v11 =	vadd.f32 v12, v11;
	v12 =	vld [tilespmem:s6+$0x20];
	v9 =	vadd.f32 v9, v15  }
0x1c2: {  	v15 =	vld [tilespmem:s6+$0x30]  }
0x1c3: {  	v17 =	vld [tilespmem:s6+$0x40];
	v9 =	vadd.f32 v11, v9;
	v11 =	vadd.f32 v14, v13  }
0x1c4: {  	s21 =	simm.s32 $0x0;
	v18 =	vld [tilespmem:s6+$0x50]  }
0x1c5: {  	v10 =	vadd.f32 v16, v10;
	v13 =	vld.idx.msk [tilespmem:v8+s21+$0x0 ss:$0x1], $0xffff;
	v14 =	vadd.f32 v11, v9  }
0x1c6: {  	s5 =	simm.s32 $0xB580;
	v11 =	vld [tilespmem:s6+$0x70]  }
0x1c7: {  	v9 =	vld [tilespmem:s5+$0x60];
	v15 =	vadd.f32 v15, v12;
	v14 =	vadd.f32 v10, v14  }
0x1c8: {  	v12 =	vld [tilespmem:s5+$0xFFFFFF90]  }
0x1c9: {  	s4 =	sor.u32 $0x4, s15;
	s2 =	simm.s32 $0x80;
	s21 =	simm.s32 $0x40;
	v10 =	vld [tilespmem:s5+$0xFFFFFF80];
	v14 =	vadd.f32 v15, v14;
	v15 =	vadd.f32 v18, v17  }
.LBB2_11:
0x1ca: {  	p1 =	sne.s32 s2, $0x300;
	v16 =	vld [tilespmem:s5+$0xFFFFFFA0]  }
0x1cb: {  	vm0 =	veq.s32 v13, $0x0;
	v17 =	vld [tilespmem:s5+$0xFFFFFFB0];
	v14 =	vadd.f32 v15, v14;
	v11 =	vadd.f32 v11, v6  }
0x1cc: {  	v15 =	vsel vm0, $0x0, v4;
	v13 =	vld [tilespmem:s5+$0xFFFFFFC0];
	v6 =	vmov v9  }
0x1cd: {  	v7 =	vadd.f32 v15, v7;
	v9 =	vld [tilespmem:s5+$0xFFFFFFD0];
	v11 =	vadd.f32 v11, v14  }
0x1ce: {  	v10 =	vadd.f32 v12, v10;
	v12 =	vld [tilespmem:s5+$0xFFFFFFE0]  }
0x1cf: {  	v14 =	vld [tilespmem:s5+$0xFFFFFFF0]  }
0x1d0: {  	v10 =	vadd.f32 v10, v11;
	v11 =	vadd.f32 v17, v16;
	v15 =	vld [tilespmem:s5+$0x0]  }
0x1d1: {  	v16 =	vld [tilespmem:s5+$0x10]  }
0x1d2: {  	v10 =	vadd.f32 v11, v10;
	v9 =	vadd.f32 v9, v13;
	v17 =	vld [tilespmem:s5+$0x20]  }
0x1d3: {  	v18 =	vld [tilespmem:s5+$0x30]  }
0x1d4: {  	v9 =	vadd.f32 v9, v10;
	v10 =	vadd.f32 v14, v12;
	v19 =	vld [tilespmem:s5+$0x40]  }
0x1d5: {  	s6 =	sshra.s32 s21, $0x2;
	s21 =	smov.u32 s2;
	v20 =	vld [tilespmem:s5+$0x50]  }
.Ltmp4:
0x1d6: {  	v10 =	vadd.f32 v10, v9;
	v12 =	vadd.f32 v16, v15;
	v13 =	vld.idx.msk [tilespmem:v8+s6+$0x0 ss:$0x1], $0xffff;
	(pc) =	sbr.rel @p1 .LBB2_11-.Ltmp4, $4  }
0x1d7: {  	v11 =	vld [tilespmem:s5+$0x70];
	s5 =	sadd.s32 $0x100, s5  }
0x1d8: {  	v9 =	vld [tilespmem:s5+$0x60];
	v14 =	vadd.f32 v12, v10;
	v15 =	vadd.f32 v18, v17  }
0x1d9: {  	v10 =	vld [tilespmem:s5+$0xFFFFFF80]  }
0x1da: {  	s2 =	sadd.s32 $0x40, s2;
	v12 =	vld [tilespmem:s5+$0xFFFFFF90];
	v14 =	vadd.f32 v15, v14;
	v15 =	vadd.f32 v20, v19  }
0x1db: {  	_ =	sdelay $0x2  }
0x1dc: {  	s2 =	sshra.s32 s21, $0x2  }
0x1dd: {  	v8 =	vld.idx.msk [tilespmem:v8+s2+$0x0 ss:$0x1], $0xffff;
	_ =	sdelay $0x2  }
0x1de: {  	vm0 =	veq.s32 v13, $0x0  }
0x1df: {  	v13 =	vsel vm0, $0x0, v4  }
0x1e0: {  	v7 =	vadd.f32 v13, v7;
	vm15 =	veq.s32 v8, $0x0  }
0x1e1: {  	v8 =	vsel vm15, $0x0, v4  }
0x1e2: {  	v7 =	vadd.f32 v8, v7;
	_ =	sdelay $0x1  }
0x1e3: {  	v8 =	vperm.xlane v7, v0;
	_ =	sdelay $0x1  }
0x1e4: {  	v7 =	vadd.f32 v8, v7;
	_ =	sdelay $0x1  }
0x1e5: {  	v8 =	vperm.xlane v7, v1  }
0x1e6: {  	v16 =	vld [tilespmem:s5+$0xFFFFFFB0]  }
0x1e7: {  	v13 =	vld [tilespmem:s5+$0xFFFFFFA0];
	v7 =	vadd.f32 v8, v7  }
0x1e8: {  	v6 =	vadd.f32 v11, v6;
	v11 =	vld [tilespmem:s5+$0xFFFFFFC0];
	v8 =	vadd.f32 v15, v14  }
0x1e9: {  	v14 =	vld [tilespmem:s5+$0xFFFFFFD0];
	v15 =	vperm.xlane v7, v3  }
0x1ea: {  	v6 =	vadd.f32 v6, v8;
	v8 =	vadd.f32 v12, v10;
	v10 =	vld [tilespmem:s5+$0xFFFFFFE0]  }
0x1eb: {  	v12 =	vld [tilespmem:s5+$0xFFFFFFF0];
	v7 =	vadd.f32 v15, v7  }
0x1ec: {  	v6 =	vadd.f32 v8, v6;
	v8 =	vadd.f32 v16, v13;
	v13 =	vld [tilespmem:s5+$0x0]  }
0x1ed: {  	v15 =	vld [tilespmem:s5+$0x10];
	v16 =	vperm.xlane v7, v5  }
0x1ee: {  	v6 =	vadd.f32 v8, v6;
	v8 =	vadd.f32 v14, v11;
	v11 =	vld [tilespmem:s5+$0x20]  }
0x1ef: {  	v14 =	vld [tilespmem:s5+$0x30];
	v7 =	vadd.f32 v16, v7  }
0x1f0: {  	v6 =	vadd.f32 v8, v6;
	v8 =	vadd.f32 v12, v10;
	v10 =	vld [tilespmem:s5+$0x40]  }
0x1f1: {  	v12 =	vld [tilespmem:s5+$0x50];
	v7 =	vmax.f32 v7, $1.000000000e+00  }
0x1f2: {  	v6 =	vadd.f32 v8, v6;
	v8 =	vadd.f32 v15, v13;
	(erf) = vrcp.f32 v7;
	v7 =	vld [tilespmem:s5+$0x70];
	_ =	sdelay $0x1  }
0x1f3: {  	v6 =	vadd.f32 v8, v6;
	v8 =	vadd.f32 v14, v11;
	_ =	sdelay $0x1  }
0x1f4: {  	v6 =	vadd.f32 v8, v6;
	v8 =	vadd.f32 v12, v10  }
0x1f5: {  	v7 =	vadd.f32 v7, v9  }
0x1f6: {  	v6 =	vadd.f32 v8, v6;
	_ =	sdelay $0x1  }
0x1f7: {  	v6 =	vadd.f32 v7, v6  }
0x1f8: {  	v7 =	vpop (erf)  }
0x1f9: {  	s5 =	sshll.u32 s4, $0x4;
	v6 =	vmul.f32 v7, v6  }
0x1fa: {  	s2 =	sand.u32 $0x3FFFFFF0, s5  }
0x1fb: {  	s4 =	simm.s32 @!p0 $0x80;
	s5 =	simm.s32 @!p0 $0xB400;
	[tilespmem:s2+$0xE800] =	vst v6;
	s2 =	sadd.s32 @!p0 $0xC00, s30  }
0x1fc: {  	[tilespmem:s5], [sflag:$0x5] =	stream.indirect.gather @!p0 [hbm4b:s3+s4], $0x10, s2, s4, $0xb8;
	[tilespmem:$0xF000] =	vst v63  }
0x1fd: {  	s2 =	sadd.s32 @!p0 $0xC80, s30;
	s4 =	simm.s32 @!p0 $0x48;
	s5 =	simm.s32 @!p0 $0xBC00  }
0x1fe: {  	[tilespmem:s5], [sflag:$0x5] =	stream.indirect.gather @!p0 [hbm4b:s3+s4], $0x10, s2, s4, $0xb8;
	[tilespmem:$0xF000] =	vst v63  }
0x1ff: {  	_ =	swait.ge [sflag:s12], $0x800  }
0x200: {  	[sflag:s12] =	ssyncset.done $0x0  }
0x201: {  	[sflag:s12] =	ssyncadd.s32 $0xFFFFF800  }
0x202: {  	_ =	swait.ge [sflag:s12], $0x480  }
0x203: {  	[sflag:s12] =	ssyncset.done $0x0  }
0x204: {  	s6 =	simm.s32 $0xC180;
	[sflag:s12] =	ssyncadd.s32 $0xFFFFFB80  }
0x205: {  	v6 =	vld [tilespmem:s6+$0x60]  }
0x206: {  	v7 =	vld [tilespmem:s6+$0xFFFFFF80]  }
0x207: {  	v8 =	vld [tilespmem:s6+$0xFFFFFF90]  }
0x208: {  	v9 =	vld [tilespmem:s6+$0xFFFFFFA0]  }
0x209: {  	v10 =	vld [tilespmem:s6+$0xFFFFFFB0]  }
0x20a: {  	v11 =	vld [tilespmem:s6+$0xFFFFFFC0]  }
0x20b: {  	v12 =	vld [tilespmem:s6+$0xFFFFFFD0]  }
0x20c: {  	v13 =	vld [tilespmem:s6+$0xFFFFFFE0];
	v8 =	vadd.f32 v8, v7  }
0x20d: {  	v14 =	vld [tilespmem:s6+$0xFFFFFFF0];
	v7 =	vimm.f32 $0.0e+00  }
0x20e: {  	v16 =	vld [tilespmem:s6+$0x10];
	v9 =	vadd.f32 v10, v9;
	v15 =	vadd.f32 v8, v7  }
0x20f: {  	v10 =	vld [tilespmem:s6+$0x0];
	v8 =	vmov s22  }
0x210: {  	v11 =	vadd.f32 v12, v11;
	v12 =	vld [tilespmem:s6+$0x20];
	v9 =	vadd.f32 v9, v15  }
0x211: {  	v15 =	vld [tilespmem:s6+$0x30]  }
0x212: {  	v17 =	vld [tilespmem:s6+$0x40];
	v9 =	vadd.f32 v11, v9;
	v11 =	vadd.f32 v14, v13  }
0x213: {  	s21 =	simm.s32 $0x0;
	v18 =	vld [tilespmem:s6+$0x50]  }
0x214: {  	v10 =	vadd.f32 v16, v10;
	v13 =	vld.idx.msk [tilespmem:v8+s21+$0x0 ss:$0x1], $0xffff;
	v14 =	vadd.f32 v11, v9  }
0x215: {  	s5 =	simm.s32 $0xC280;
	v11 =	vld [tilespmem:s6+$0x70]  }
0x216: {  	v9 =	vld [tilespmem:s5+$0x60];
	v15 =	vadd.f32 v15, v12;
	v14 =	vadd.f32 v10, v14  }
0x217: {  	v12 =	vld [tilespmem:s5+$0xFFFFFF90]  }
0x218: {  	s4 =	sor.u32 $0x5, s15;
	s2 =	simm.s32 $0x80;
	s21 =	simm.s32 $0x40;
	v10 =	vld [tilespmem:s5+$0xFFFFFF80];
	v14 =	vadd.f32 v15, v14;
	v15 =	vadd.f32 v18, v17  }
.LBB2_13:
0x219: {  	p1 =	sne.s32 s2, $0x300;
	v16 =	vld [tilespmem:s5+$0xFFFFFFA0]  }
0x21a: {  	vm0 =	veq.s32 v13, $0x0;
	v17 =	vld [tilespmem:s5+$0xFFFFFFB0];
	v14 =	vadd.f32 v15, v14;
	v11 =	vadd.f32 v11, v6  }
0x21b: {  	v15 =	vsel vm0, $0x0, v4;
	v13 =	vld [tilespmem:s5+$0xFFFFFFC0];
	v6 =	vmov v9  }
0x21c: {  	v7 =	vadd.f32 v15, v7;
	v9 =	vld [tilespmem:s5+$0xFFFFFFD0];
	v11 =	vadd.f32 v11, v14  }
0x21d: {  	v10 =	vadd.f32 v12, v10;
	v12 =	vld [tilespmem:s5+$0xFFFFFFE0]  }
0x21e: {  	v14 =	vld [tilespmem:s5+$0xFFFFFFF0]  }
0x21f: {  	v10 =	vadd.f32 v10, v11;
	v11 =	vadd.f32 v17, v16;
	v15 =	vld [tilespmem:s5+$0x0]  }
0x220: {  	v16 =	vld [tilespmem:s5+$0x10]  }
0x221: {  	v10 =	vadd.f32 v11, v10;
	v9 =	vadd.f32 v9, v13;
	v17 =	vld [tilespmem:s5+$0x20]  }
0x222: {  	v18 =	vld [tilespmem:s5+$0x30]  }
0x223: {  	v9 =	vadd.f32 v9, v10;
	v10 =	vadd.f32 v14, v12;
	v19 =	vld [tilespmem:s5+$0x40]  }
0x224: {  	s6 =	sshra.s32 s21, $0x2;
	s21 =	smov.u32 s2;
	v20 =	vld [tilespmem:s5+$0x50]  }
.Ltmp5:
0x225: {  	v10 =	vadd.f32 v10, v9;
	v12 =	vadd.f32 v16, v15;
	v13 =	vld.idx.msk [tilespmem:v8+s6+$0x0 ss:$0x1], $0xffff;
	(pc) =	sbr.rel @p1 .LBB2_13-.Ltmp5, $4  }
0x226: {  	v11 =	vld [tilespmem:s5+$0x70];
	s5 =	sadd.s32 $0x100, s5  }
0x227: {  	v9 =	vld [tilespmem:s5+$0x60];
	v14 =	vadd.f32 v12, v10;
	v15 =	vadd.f32 v18, v17  }
0x228: {  	v10 =	vld [tilespmem:s5+$0xFFFFFF80]  }
0x229: {  	s2 =	sadd.s32 $0x40, s2;
	v12 =	vld [tilespmem:s5+$0xFFFFFF90];
	v14 =	vadd.f32 v15, v14;
	v15 =	vadd.f32 v20, v19  }
0x22a: {  	_ =	sdelay $0x2  }
0x22b: {  	s2 =	sshra.s32 s21, $0x2  }
0x22c: {  	v8 =	vld.idx.msk [tilespmem:v8+s2+$0x0 ss:$0x1], $0xffff;
	_ =	sdelay $0x2  }
0x22d: {  	vm0 =	veq.s32 v13, $0x0  }
0x22e: {  	v13 =	vsel vm0, $0x0, v4  }
0x22f: {  	v7 =	vadd.f32 v13, v7;
	vm15 =	veq.s32 v8, $0x0  }
0x230: {  	v8 =	vsel vm15, $0x0, v4  }
0x231: {  	v7 =	vadd.f32 v8, v7;
	_ =	sdelay $0x1  }
0x232: {  	v8 =	vperm.xlane v7, v0;
	_ =	sdelay $0x1  }
0x233: {  	v7 =	vadd.f32 v8, v7;
	_ =	sdelay $0x1  }
0x234: {  	v8 =	vperm.xlane v7, v1  }
0x235: {  	v16 =	vld [tilespmem:s5+$0xFFFFFFB0]  }
0x236: {  	v13 =	vld [tilespmem:s5+$0xFFFFFFA0];
	v7 =	vadd.f32 v8, v7  }
0x237: {  	v6 =	vadd.f32 v11, v6;
	v11 =	vld [tilespmem:s5+$0xFFFFFFC0];
	v8 =	vadd.f32 v15, v14  }
0x238: {  	v14 =	vld [tilespmem:s5+$0xFFFFFFD0];
	v15 =	vperm.xlane v7, v3  }
0x239: {  	v6 =	vadd.f32 v6, v8;
	v8 =	vadd.f32 v12, v10;
	v10 =	vld [tilespmem:s5+$0xFFFFFFE0]  }
0x23a: {  	v12 =	vld [tilespmem:s5+$0xFFFFFFF0];
	v7 =	vadd.f32 v15, v7  }
0x23b: {  	v6 =	vadd.f32 v8, v6;
	v8 =	vadd.f32 v16, v13;
	v13 =	vld [tilespmem:s5+$0x0]  }
0x23c: {  	v15 =	vld [tilespmem:s5+$0x10];
	v16 =	vperm.xlane v7, v5  }
0x23d: {  	v6 =	vadd.f32 v8, v6;
	v8 =	vadd.f32 v14, v11;
	v11 =	vld [tilespmem:s5+$0x20]  }
0x23e: {  	v14 =	vld [tilespmem:s5+$0x30];
	v7 =	vadd.f32 v16, v7  }
0x23f: {  	v6 =	vadd.f32 v8, v6;
	v8 =	vadd.f32 v12, v10;
	v10 =	vld [tilespmem:s5+$0x40]  }
0x240: {  	v12 =	vld [tilespmem:s5+$0x50];
	v7 =	vmax.f32 v7, $1.000000000e+00  }
0x241: {  	v6 =	vadd.f32 v8, v6;
	v8 =	vadd.f32 v15, v13;
	(erf) = vrcp.f32 v7;
	v7 =	vld [tilespmem:s5+$0x70];
	_ =	sdelay $0x1  }
0x242: {  	v6 =	vadd.f32 v8, v6;
	v8 =	vadd.f32 v14, v11;
	_ =	sdelay $0x1  }
0x243: {  	v6 =	vadd.f32 v8, v6;
	v8 =	vadd.f32 v12, v10  }
0x244: {  	v7 =	vadd.f32 v7, v9  }
0x245: {  	v6 =	vadd.f32 v8, v6;
	_ =	sdelay $0x1  }
0x246: {  	v6 =	vadd.f32 v7, v6  }
0x247: {  	v7 =	vpop (erf)  }
0x248: {  	s5 =	sshll.u32 s4, $0x4;
	v6 =	vmul.f32 v7, v6  }
0x249: {  	s2 =	sand.u32 $0x3FFFFFF0, s5  }
0x24a: {  	s4 =	simm.s32 @!p0 $0x80;
	s5 =	simm.s32 @!p0 $0xC100;
	[tilespmem:s2+$0xE800] =	vst v6;
	s2 =	sadd.s32 @!p0 $0xD00, s30  }
0x24b: {  	[tilespmem:s5], [sflag:$0x6] =	stream.indirect.gather @!p0 [hbm4b:s3+s4], $0x10, s2, s4, $0xb8;
	[tilespmem:$0xF000] =	vst v63  }
0x24c: {  	s2 =	sadd.s32 @!p0 $0xD80, s30;
	s4 =	simm.s32 @!p0 $0x48;
	s5 =	simm.s32 @!p0 $0xC900  }
0x24d: {  	[tilespmem:s5], [sflag:$0x6] =	stream.indirect.gather @!p0 [hbm4b:s3+s4], $0x10, s2, s4, $0xb8;
	[tilespmem:$0xF000] =	vst v63  }
0x24e: {  	_ =	swait.ge [sflag:s13], $0x800  }
0x24f: {  	[sflag:s13] =	ssyncset.done $0x0  }
0x250: {  	[sflag:s13] =	ssyncadd.s32 $0xFFFFF800  }
0x251: {  	_ =	swait.ge [sflag:s13], $0x480  }
0x252: {  	[sflag:s13] =	ssyncset.done $0x0  }
0x253: {  	s6 =	simm.s32 $0xCE80;
	[sflag:s13] =	ssyncadd.s32 $0xFFFFFB80  }
0x254: {  	v6 =	vld [tilespmem:s6+$0x60]  }
0x255: {  	v7 =	vld [tilespmem:s6+$0xFFFFFF80]  }
0x256: {  	v8 =	vld [tilespmem:s6+$0xFFFFFF90]  }
0x257: {  	v9 =	vld [tilespmem:s6+$0xFFFFFFA0]  }
0x258: {  	v10 =	vld [tilespmem:s6+$0xFFFFFFB0]  }
0x259: {  	v11 =	vld [tilespmem:s6+$0xFFFFFFC0]  }
0x25a: {  	v12 =	vld [tilespmem:s6+$0xFFFFFFD0]  }
0x25b: {  	v13 =	vld [tilespmem:s6+$0xFFFFFFE0];
	v8 =	vadd.f32 v8, v7  }
0x25c: {  	v14 =	vld [tilespmem:s6+$0xFFFFFFF0];
	v7 =	vimm.f32 $0.0e+00  }
0x25d: {  	v16 =	vld [tilespmem:s6+$0x10];
	v9 =	vadd.f32 v10, v9;
	v15 =	vadd.f32 v8, v7  }
0x25e: {  	v10 =	vld [tilespmem:s6+$0x0];
	v8 =	vmov s23  }
0x25f: {  	v11 =	vadd.f32 v12, v11;
	v12 =	vld [tilespmem:s6+$0x20];
	v9 =	vadd.f32 v9, v15  }
0x260: {  	v15 =	vld [tilespmem:s6+$0x30]  }
0x261: {  	v17 =	vld [tilespmem:s6+$0x40];
	v9 =	vadd.f32 v11, v9;
	v11 =	vadd.f32 v14, v13  }
0x262: {  	s21 =	simm.s32 $0x0;
	v18 =	vld [tilespmem:s6+$0x50]  }
0x263: {  	v10 =	vadd.f32 v16, v10;
	v13 =	vld.idx.msk [tilespmem:v8+s21+$0x0 ss:$0x1], $0xffff;
	v14 =	vadd.f32 v11, v9  }
0x264: {  	s5 =	simm.s32 $0xCF80;
	v11 =	vld [tilespmem:s6+$0x70]  }
0x265: {  	v9 =	vld [tilespmem:s5+$0x60];
	v15 =	vadd.f32 v15, v12;
	v14 =	vadd.f32 v10, v14  }
0x266: {  	v12 =	vld [tilespmem:s5+$0xFFFFFF90]  }
0x267: {  	s4 =	sor.u32 $0x6, s15;
	s15 =	simm.s32 $0x40;
	s2 =	simm.s32 $0x80;
	v10 =	vld [tilespmem:s5+$0xFFFFFF80];
	v14 =	vadd.f32 v15, v14;
	v15 =	vadd.f32 v18, v17  }
.LBB2_15:
0x268: {  	p1 =	sne.s32 s2, $0x300;
	v16 =	vld [tilespmem:s5+$0xFFFFFFA0]  }
0x269: {  	vm0 =	veq.s32 v13, $0x0;
	v17 =	vld [tilespmem:s5+$0xFFFFFFB0];
	v14 =	vadd.f32 v15, v14;
	v11 =	vadd.f32 v11, v6  }
0x26a: {  	v15 =	vsel vm0, $0x0, v4;
	v13 =	vld [tilespmem:s5+$0xFFFFFFC0];
	v6 =	vmov v9  }
0x26b: {  	v7 =	vadd.f32 v15, v7;
	v9 =	vld [tilespmem:s5+$0xFFFFFFD0];
	v11 =	vadd.f32 v11, v14  }
0x26c: {  	v10 =	vadd.f32 v12, v10;
	v12 =	vld [tilespmem:s5+$0xFFFFFFE0]  }
0x26d: {  	v14 =	vld [tilespmem:s5+$0xFFFFFFF0]  }
0x26e: {  	v10 =	vadd.f32 v10, v11;
	v11 =	vadd.f32 v17, v16;
	v15 =	vld [tilespmem:s5+$0x0]  }
0x26f: {  	v16 =	vld [tilespmem:s5+$0x10]  }
0x270: {  	v10 =	vadd.f32 v11, v10;
	v9 =	vadd.f32 v9, v13;
	v17 =	vld [tilespmem:s5+$0x20]  }
0x271: {  	v18 =	vld [tilespmem:s5+$0x30]  }
0x272: {  	v9 =	vadd.f32 v9, v10;
	v10 =	vadd.f32 v14, v12;
	v19 =	vld [tilespmem:s5+$0x40]  }
0x273: {  	s6 =	sshra.s32 s15, $0x2;
	s15 =	smov.u32 s2;
	v20 =	vld [tilespmem:s5+$0x50]  }
.Ltmp6:
0x274: {  	v10 =	vadd.f32 v10, v9;
	v12 =	vadd.f32 v16, v15;
	v13 =	vld.idx.msk [tilespmem:v8+s6+$0x0 ss:$0x1], $0xffff;
	(pc) =	sbr.rel @p1 .LBB2_15-.Ltmp6, $4  }
0x275: {  	v11 =	vld [tilespmem:s5+$0x70];
	s5 =	sadd.s32 $0x100, s5  }
0x276: {  	v9 =	vld [tilespmem:s5+$0x60];
	v14 =	vadd.f32 v12, v10;
	v15 =	vadd.f32 v18, v17  }
0x277: {  	v10 =	vld [tilespmem:s5+$0xFFFFFF80]  }
0x278: {  	s2 =	sadd.s32 $0x40, s2;
	v12 =	vld [tilespmem:s5+$0xFFFFFF90];
	v14 =	vadd.f32 v15, v14;
	v15 =	vadd.f32 v20, v19  }
0x279: {  	_ =	sdelay $0x2  }
0x27a: {  	s2 =	sshra.s32 s15, $0x2  }
0x27b: {  	v8 =	vld.idx.msk [tilespmem:v8+s2+$0x0 ss:$0x1], $0xffff;
	_ =	sdelay $0x2  }
0x27c: {  	vm0 =	veq.s32 v13, $0x0  }
0x27d: {  	v13 =	vsel vm0, $0x0, v4  }
0x27e: {  	v7 =	vadd.f32 v13, v7;
	vm15 =	veq.s32 v8, $0x0  }
0x27f: {  	v8 =	vsel vm15, $0x0, v4  }
0x280: {  	v7 =	vadd.f32 v8, v7;
	_ =	sdelay $0x1  }
0x281: {  	v8 =	vperm.xlane v7, v0;
	_ =	sdelay $0x1  }
0x282: {  	v7 =	vadd.f32 v8, v7;
	_ =	sdelay $0x1  }
0x283: {  	v8 =	vperm.xlane v7, v1  }
0x284: {  	v16 =	vld [tilespmem:s5+$0xFFFFFFB0]  }
0x285: {  	v13 =	vld [tilespmem:s5+$0xFFFFFFA0];
	v7 =	vadd.f32 v8, v7  }
0x286: {  	v6 =	vadd.f32 v11, v6;
	v11 =	vld [tilespmem:s5+$0xFFFFFFC0];
	v8 =	vadd.f32 v15, v14  }
0x287: {  	v14 =	vld [tilespmem:s5+$0xFFFFFFD0];
	v15 =	vperm.xlane v7, v3  }
0x288: {  	v6 =	vadd.f32 v6, v8;
	v8 =	vadd.f32 v12, v10;
	v10 =	vld [tilespmem:s5+$0xFFFFFFE0]  }
0x289: {  	v12 =	vld [tilespmem:s5+$0xFFFFFFF0];
	v7 =	vadd.f32 v15, v7  }
0x28a: {  	v6 =	vadd.f32 v8, v6;
	v8 =	vadd.f32 v16, v13;
	v13 =	vld [tilespmem:s5+$0x0]  }
0x28b: {  	v15 =	vld [tilespmem:s5+$0x10];
	v16 =	vperm.xlane v7, v5  }
0x28c: {  	v6 =	vadd.f32 v8, v6;
	v8 =	vadd.f32 v14, v11;
	v11 =	vld [tilespmem:s5+$0x20]  }
0x28d: {  	v14 =	vld [tilespmem:s5+$0x30];
	v7 =	vadd.f32 v16, v7  }
0x28e: {  	v6 =	vadd.f32 v8, v6;
	v8 =	vadd.f32 v12, v10;
	v10 =	vld [tilespmem:s5+$0x40]  }
0x28f: {  	v12 =	vld [tilespmem:s5+$0x50];
	v7 =	vmax.f32 v7, $1.000000000e+00  }
0x290: {  	v6 =	vadd.f32 v8, v6;
	v8 =	vadd.f32 v15, v13;
	(erf) = vrcp.f32 v7;
	v7 =	vld [tilespmem:s5+$0x70];
	_ =	sdelay $0x1  }
0x291: {  	v6 =	vadd.f32 v8, v6;
	v8 =	vadd.f32 v14, v11;
	_ =	sdelay $0x1  }
0x292: {  	v6 =	vadd.f32 v8, v6;
	v8 =	vadd.f32 v12, v10  }
0x293: {  	v7 =	vadd.f32 v7, v9  }
0x294: {  	v6 =	vadd.f32 v8, v6;
	_ =	sdelay $0x1  }
0x295: {  	v6 =	vadd.f32 v7, v6  }
0x296: {  	v7 =	vpop (erf)  }
0x297: {  	s15 =	sshll.u32 s4, $0x4;
	v6 =	vmul.f32 v7, v6  }
0x298: {  	s2 =	sand.u32 $0x3FFFFFF0, s15  }
0x299: {  	s4 =	simm.s32 @!p0 $0x80;
	s5 =	simm.s32 @!p0 $0xCE00;
	[tilespmem:s2+$0xE800] =	vst v6;
	s2 =	sadd.s32 @!p0 $0xE00, s30  }
0x29a: {  	[tilespmem:s5], [sflag:$0x7] =	stream.indirect.gather @!p0 [hbm4b:s3+s4], $0x10, s2, s4, $0xb8;
	[tilespmem:$0xF000] =	vst v63  }
0x29b: {  	s2 =	sadd.s32 @!p0 $0xE80, s30;
	s4 =	simm.s32 @!p0 $0x48;
	s5 =	simm.s32 @!p0 $0xD600  }
0x29c: {  	[tilespmem:s5], [sflag:$0x7] =	stream.indirect.gather @!p0 [hbm4b:s3+s4], $0x10, s2, s4, $0xb8;
	[tilespmem:$0xF000] =	vst v63  }
0x29d: {  	_ =	swait.ge [sflag:s14], $0x800  }
0x29e: {  	[sflag:s14] =	ssyncset.done $0x0  }
0x29f: {  	[sflag:s14] =	ssyncadd.s32 $0xFFFFF800  }
0x2a0: {  	_ =	swait.ge [sflag:s14], $0x480  }
0x2a1: {  	[sflag:s14] =	ssyncset.done $0x0  }
0x2a2: {  	s21 =	simm.s32 $0xDB80;
	[sflag:s14] =	ssyncadd.s32 $0xFFFFFB80  }
0x2a3: {  	v6 =	vld [tilespmem:s21+$0x60]  }
0x2a4: {  	v7 =	vld [tilespmem:s21+$0xFFFFFF80]  }
0x2a5: {  	v8 =	vld [tilespmem:s21+$0xFFFFFF90]  }
0x2a6: {  	v9 =	vld [tilespmem:s21+$0xFFFFFFA0]  }
0x2a7: {  	v10 =	vld [tilespmem:s21+$0xFFFFFFB0]  }
0x2a8: {  	v11 =	vld [tilespmem:s21+$0xFFFFFFC0]  }
0x2a9: {  	v12 =	vld [tilespmem:s21+$0xFFFFFFD0]  }
0x2aa: {  	v13 =	vld [tilespmem:s21+$0xFFFFFFE0];
	v8 =	vadd.f32 v8, v7  }
0x2ab: {  	v14 =	vld [tilespmem:s21+$0xFFFFFFF0];
	v7 =	vimm.f32 $0.0e+00  }
0x2ac: {  	v16 =	vld [tilespmem:s21+$0x10];
	v9 =	vadd.f32 v10, v9;
	v15 =	vadd.f32 v8, v7  }
0x2ad: {  	v10 =	vld [tilespmem:s21+$0x0];
	v8 =	vmov s25  }
0x2ae: {  	v11 =	vadd.f32 v12, v11;
	v12 =	vld [tilespmem:s21+$0x20];
	v9 =	vadd.f32 v9, v15  }
0x2af: {  	v15 =	vld [tilespmem:s21+$0x30]  }
0x2b0: {  	v17 =	vld [tilespmem:s21+$0x40];
	v9 =	vadd.f32 v11, v9;
	v11 =	vadd.f32 v14, v13  }
0x2b1: {  	s30 =	simm.s32 $0x0;
	v18 =	vld [tilespmem:s21+$0x50]  }
0x2b2: {  	v10 =	vadd.f32 v16, v10;
	v13 =	vld.idx.msk [tilespmem:v8+s30+$0x0 ss:$0x1], $0xffff;
	v14 =	vadd.f32 v11, v9  }
0x2b3: {  	s4 =	simm.s32 $0xDC80;
	v11 =	vld [tilespmem:s21+$0x70]  }
0x2b4: {  	v9 =	vld [tilespmem:s4+$0x60];
	v15 =	vadd.f32 v15, v12;
	v14 =	vadd.f32 v10, v14  }
0x2b5: {  	v12 =	vld [tilespmem:s4+$0xFFFFFF90]  }
0x2b6: {  	s5 =	simm.s32 $0x40;
	s2 =	simm.s32 $0x80;
	v10 =	vld [tilespmem:s4+$0xFFFFFF80];
	v14 =	vadd.f32 v15, v14;
	v15 =	vadd.f32 v18, v17  }
.LBB2_17:
0x2b7: {  	p0 =	sne.s32 s2, $0x300;
	v16 =	vld [tilespmem:s4+$0xFFFFFFA0]  }
0x2b8: {  	vm0 =	veq.s32 v13, $0x0;
	v17 =	vld [tilespmem:s4+$0xFFFFFFB0];
	v14 =	vadd.f32 v15, v14;
	v11 =	vadd.f32 v11, v6  }
0x2b9: {  	v15 =	vsel vm0, $0x0, v4;
	v13 =	vld [tilespmem:s4+$0xFFFFFFC0];
	v6 =	vmov v9  }
0x2ba: {  	v7 =	vadd.f32 v15, v7;
	v9 =	vld [tilespmem:s4+$0xFFFFFFD0];
	v11 =	vadd.f32 v11, v14  }
0x2bb: {  	v10 =	vadd.f32 v12, v10;
	v12 =	vld [tilespmem:s4+$0xFFFFFFE0]  }
0x2bc: {  	v14 =	vld [tilespmem:s4+$0xFFFFFFF0]  }
0x2bd: {  	v10 =	vadd.f32 v10, v11;
	v11 =	vadd.f32 v17, v16;
	v15 =	vld [tilespmem:s4+$0x0]  }
0x2be: {  	v16 =	vld [tilespmem:s4+$0x10]  }
0x2bf: {  	v10 =	vadd.f32 v11, v10;
	v9 =	vadd.f32 v9, v13;
	v17 =	vld [tilespmem:s4+$0x20]  }
0x2c0: {  	v18 =	vld [tilespmem:s4+$0x30]  }
0x2c1: {  	v9 =	vadd.f32 v9, v10;
	v10 =	vadd.f32 v14, v12;
	v19 =	vld [tilespmem:s4+$0x40]  }
0x2c2: {  	s6 =	sshra.s32 s5, $0x2;
	s5 =	smov.u32 s2;
	v20 =	vld [tilespmem:s4+$0x50]  }
.Ltmp7:
0x2c3: {  	v10 =	vadd.f32 v10, v9;
	v12 =	vadd.f32 v16, v15;
	v13 =	vld.idx.msk [tilespmem:v8+s6+$0x0 ss:$0x1], $0xffff;
	(pc) =	sbr.rel @p0 .LBB2_17-.Ltmp7, $4  }
0x2c4: {  	v11 =	vld [tilespmem:s4+$0x70];
	s4 =	sadd.s32 $0x100, s4  }
0x2c5: {  	v9 =	vld [tilespmem:s4+$0x60];
	v14 =	vadd.f32 v12, v10;
	v15 =	vadd.f32 v18, v17  }
0x2c6: {  	v10 =	vld [tilespmem:s4+$0xFFFFFF80]  }
0x2c7: {  	s2 =	sadd.s32 $0x40, s2;
	v12 =	vld [tilespmem:s4+$0xFFFFFF90];
	v14 =	vadd.f32 v15, v14;
	v15 =	vadd.f32 v20, v19  }
0x2c8: {  	_ =	sdelay $0x2  }
0x2c9: {  	s2 =	sshra.s32 s5, $0x2  }
0x2ca: {  	v8 =	vld.idx.msk [tilespmem:v8+s2+$0x0 ss:$0x1], $0xffff;
	_ =	sdelay $0x2  }
0x2cb: {  	vm0 =	veq.s32 v13, $0x0  }
0x2cc: {  	v13 =	vsel vm0, $0x0, v4  }
0x2cd: {  	v7 =	vadd.f32 v13, v7;
	vm15 =	veq.s32 v8, $0x0  }
0x2ce: {  	v8 =	vsel vm15, $0x0, v4  }
0x2cf: {  	v7 =	vadd.f32 v8, v7;
	_ =	sdelay $0x1  }
0x2d0: {  	v8 =	vperm.xlane v7, v0;
	_ =	sdelay $0x1  }
0x2d1: {  	v7 =	vadd.f32 v8, v7;
	_ =	sdelay $0x1  }
0x2d2: {  	v8 =	vperm.xlane v7, v1  }
0x2d3: {  	v43 =	vld [tilespmem:s4+$0xFFFFFFA0]  }
0x2d4: {  	v16 =	vld [tilespmem:s4+$0xFFFFFFB0];
	v7 =	vadd.f32 v8, v7  }
0x2d5: {  	v45 =	vld [tilespmem:s4+$0xFFFFFFC0];
	v44 =	vadd.f32 v15, v14;
	v6 =	vadd.f32 v11, v6  }
0x2d6: {  	v46 =	vld [tilespmem:s4+$0xFFFFFFD0];
	v47 =	vperm.xlane v7, v3  }
0x2d7: {  	v49 =	vld [tilespmem:s4+$0xFFFFFFE0];
	v6 =	vadd.f32 v6, v44;
	v48 =	vadd.f32 v12, v10  }
0x2d8: {  	v50 =	vld [tilespmem:s4+$0xFFFFFFF0];
	v7 =	vadd.f32 v47, v7  }
0x2d9: {  	v52 =	vld [tilespmem:s4+$0x0];
	v51 =	vadd.f32 v16, v43;
	v6 =	vadd.f32 v48, v6  }
0x2da: {  	v53 =	vld [tilespmem:s4+$0x10];
	v54 =	vperm.xlane v7, v5  }
0x2db: {  	v56 =	vld [tilespmem:s4+$0x20];
	v55 =	vadd.f32 v46, v45;
	v6 =	vadd.f32 v51, v6  }
0x2dc: {  	v57 =	vld [tilespmem:s4+$0x30];
	v7 =	vadd.f32 v54, v7  }
0x2dd: {  	v59 =	vld [tilespmem:s4+$0x40];
	v58 =	vadd.f32 v50, v49;
	v6 =	vadd.f32 v55, v6  }
0x2de: {  	v60 =	vld [tilespmem:s4+$0x50];
	v7 =	vmax.f32 v7, $1.000000000e+00  }
0x2df: {  	v61 =	vadd.f32 v53, v52;
	v6 =	vadd.f32 v58, v6;
	(erf) = vrcp.f32 v7;
	v7 =	vld [tilespmem:s4+$0x70];
	_ =	sdelay $0x1  }
0x2e0: {  	v62 =	vadd.f32 v57, v56;
	v6 =	vadd.f32 v61, v6;
	_ =	sdelay $0x1  }
0x2e1: {  	v63 =	vadd.f32 v60, v59;
	v6 =	vadd.f32 v62, v6  }
0x2e2: {  	v7 =	vadd.f32 v7, v9  }
0x2e3: {  	s28 =	sadd.s32 $0x1, s28;
	v6 =	vadd.f32 v63, v6  }
0x2e4: {  	p0 =	sne.s32 s28, $0x10  }
.Ltmp8:
0x2e5: {  	v6 =	vadd.f32 v7, v6;
	(pc) =	sbr.rel @p0 .LBB2_2-.Ltmp8, $4  }
0x2e6: {  	s30 =	sshll.u32 s29, $0x4;
	v7 =	vpop (erf)  }
0x2e7: {  	s26 =	sadd.s32 $0x800, s26;
	s17 =	sadd.s32 $0x800, s17;
	s18 =	sadd.s32 $0x800, s18;
	v6 =	vmul.f32 v7, v6  }
0x2e8: {  	s19 =	sadd.s32 $0x800, s19;
	s20 =	sadd.s32 $0x800, s20;
	s2 =	sand.u32 $0x3FFFFFF0, s30  }
0x2e9: {  	s22 =	sadd.s32 $0x800, s22;
	s23 =	sadd.s32 $0x800, s23;
	s25 =	sadd.s32 $0x800, s25;
	[tilespmem:s2+$0xE800] =	vst v6  }
0x2ea: {  	s15 =	simm.s32 $0x0;
	s2 =	rddreg [dreg:$0x5];
	s4 =	simm.s32 $0xE800  }
0x2eb: {  	[hbm4b:s2+s15] =	stream.linear.scatter [tilespmem:s4], [sflag:$0x9], $0x800, $0x38;
	[tilespmem:$0xF000] =	vst v63  }
0x2ec: {  	s4 =	simm.s32 $0x9  }
0x2ed: {  	_ =	swait.ge [sflag:s4], $0x800  }
0x2ee: {  	s16 =	sadd.s32 $0x1, s16;
	s30 =	rddreg [dreg:$0x6]  }
0x2ef: {  	p0 =	sne.s32 s16, s30  }
.Ltmp9:
0x2f0: {  	_ = 	snop;
	(pc) =	sbr.rel @p0 .LBB2_1-.Ltmp9, $3  }
0x2f1: {  	_ =	sdelay $0x1  }
0x2f2: {  	[sflag:s4] =	ssyncset.done $0x0  }
0x2f3: {  	[sflag:s4] =	ssyncadd.s32 $0xFFFFF800  }
0x2f4: {  	_ =	sfence.sel $0x180000  }
0x2f5: {  	[bflag:$0x0] =	sbarrier.arrive $0xFFFF  }
0x2f6: {  	_ =	strace $0x90000047  }
0x2f7: {  	s0 =	stileid.u32;
	[bflag:$0x2] =	sbarrier.arrive $0xFFFF  }
0x2f8: {  	p0 =	sne.s32 s0, $0x0;
	s0 =	rddreg [dreg:$0x3]  }
0x2f9: {  	s0 =	sadd.s32 @!p0 $0x100000, s0  }
0x2fa: {  	[sflag:s0] =	ssyncadd.tile.s32 @!p0 $0x1;
	_ =	shalt  }
.Lfunc_end2:
_tile_overlayer_lowered:
.L_overlay_start_2:
0x2fb: {  	(tag) =	ssettag $0x2  }
0x2fc: {  	s0 =	rddreg [dreg:$0x0];
	s2 =	stileid.u32  }
0x2fd: {  	s1 =	rddreg [dreg:$0x1];
	p0 =	sne.s32 s2, $0x0  }
0x2fe: {  	s3 =	rddreg [dreg:$0x2];
	[bflag:$0x3] =	sbarrier.arrive $0xFFFF;
	s2 =	simm.s32 @!p0 $0x1C09  }
0x2ff: {  	[timem:s3], [sflag:s2] =	dma.local @!p0 [hbm:s0], s1  }
0x300: {  	s0 =	simm.s32 @!p0 $0x9  }
0x301: {  	_ =	swait.ge @!p0 [sflag:s0], s1  }
0x302: {  	s1 =	ssub.s32 @!p0 $0x0, s1;
	[sflag:s0] =	ssyncset.done @!p0 $0x0  }
0x303: {  	[sflag:s0] =	ssyncadd.s32 @!p0 s1  }
0x304: {  	[bflag:$0x3] =	sbarrier.arrive $0xFFFF  }
0x305: {  	_ =	shalt  }

</sc_bundles>
